<compile_context>
chip_gen: v7x
topology: tpu7x:2x2x1
jax: 0.10.2.dev20260603
libtpu: 0.0.44.dev20260713+nightly
codegen_flags: <defaults>
</compile_context>

<pallas_src>
import functools

import jax
import jax.numpy as jnp
from jax import lax
from jax.experimental import pallas as pl
from jax.experimental.pallas import tpu as pltpu
from jax.experimental.pallas import tpu_sc as plsc

_LIST_OF_N = [100000] * 8
_D = 128
_B, _S = 4, 2048
_H = len(_LIST_OF_N)
_TOTAL = _B * _S * _H

_CHUNK = 128
_NSLOT = 7
_LOOKAHEAD = 5


def _make_gather():
    info = plsc.get_sparse_core_info()
    nc, ns, nl = info.num_cores, info.num_subcores, info.num_lanes
    nw = nc * ns
    per_w = _TOTAL // nw
    n_chunks = per_w // _CHUNK

    mesh = plsc.VectorSubcoreMesh(core_axis_name="c", subcore_axis_name="s")

    @functools.partial(
        pl.kernel,
        mesh=mesh,
        out_type=jax.ShapeDtypeStruct((_B, _S, _H, _D), jnp.float32),
        scratch_types=[
            pltpu.VMEM((per_w // _CHUNK, _CHUNK), jnp.int32),
            pltpu.VMEM((_NSLOT, _CHUNK, _D), jnp.float32),
        ] + [pltpu.SemaphoreType.DMA] * _NSLOT,
    )
    def gather_kernel(table_hbm, ids_hbm, out_hbm, idx_v, rows_v, *sems):
        wid = lax.axis_index("s") * nc + lax.axis_index("c")
        base = wid * per_w

        outf_hbm = out_hbm.reshape(_TOTAL, _D)

        pltpu.sync_copy(
            ids_hbm.at[pl.ds(wid * (per_w // _CHUNK), per_w // _CHUNK)], idx_v)

        off = (lax.iota(jnp.int32, nl) & 7) * 100000

        gathers = {}
        outs = {}
        for t in range(n_chunks + _LOOKAHEAD):
            c = t
            if c < n_chunks:
                b = c % _NSLOT
                if c >= _NSLOT:
                    outs[b].wait()
                for j in range(_CHUNK // nl):
                    sl = pl.ds(j * nl, nl)
                    idx_v[c, sl] = idx_v[c, sl] + off
                gathers[b] = pltpu.async_copy(
                    table_hbm.at[idx_v.at[c]],
                    rows_v.at[b], sems[b])
            d = t - _LOOKAHEAD
            if 0 <= d < n_chunks:
                bd = d % _NSLOT
                gathers[bd].wait()
                outs[bd] = pltpu.async_copy(
                    rows_v.at[bd],
                    outf_hbm.at[pl.ds(base + d * _CHUNK, _CHUNK)], sems[bd])
        for d in range(n_chunks - _NSLOT, n_chunks):
            outs[d % _NSLOT].wait()

    return gather_kernel


_gather = _make_gather()


@jax.jit
def kernel(input_ids, embedding_weight):
    flat_ids = input_ids.reshape(_TOTAL // _CHUNK, _CHUNK).astype(jnp.int32)
    return _gather(embedding_weight, flat_ids)

# --- scband reference (transcript-rebuilt; emitter-appended) ---
"""Pipeline reference for scband-engram-1606317769421 (READ-ONLY COPY).

The authoritative reference and input builder live on the scoring server;
editing this copy changes nothing except your own understanding.
"""

import jax, jax.numpy as jnp
import numpy as np

LIST_OF_N = [100000, 100000, 100000, 100000, 100000, 100000, 100000, 100000]
D = 128
BACKBONE_HIDDEN = 2048
B, S = 4, 2048
NUM_HEADS = len(LIST_OF_N)
TOTAL_N = sum(LIST_OF_N)


def setup_inputs(seed: int = 0) -> dict:
    key = jax.random.key(seed)
    k1, k2 = jax.random.split(key)
    input_ids = jax.random.randint(k1, (B, S, NUM_HEADS), 0, 100000, dtype=jnp.int64)
    # nn.Embedding weight initialized normal(0, 1/sqrt(backbone_hidden_size))
    embedding_weight = jax.random.normal(k2, (TOTAL_N, D), dtype=jnp.float32) * (1.0 / np.sqrt(BACKBONE_HIDDEN))
    return {"input_ids": input_ids, "embedding_weight": embedding_weight}


def reference(input_ids, embedding_weight):
    # offsets: cumulative start of each head's vocab slice in the fused table
    offsets_list = [0]
    for n in LIST_OF_N[:-1]:
        offsets_list.append(offsets_list[-1] + n)
    offsets = jnp.asarray(offsets_list, dtype=input_ids.dtype)
    shifted_input_ids = input_ids + offsets  # broadcast over last dim (num_heads)
    # embedding lookup: gather rows from fused table
    output = jnp.take(embedding_weight, shifted_input_ids, axis=0)  # [B, S, H, D]
    return output

if __name__ == "__main__":
    import jax
    _d = setup_inputs()
    print(jax.jit(kernel)(*tuple(_d.values())))

</pallas_src>

<mosaic_0001>
#map = affine_map<(d0, d1) -> (0, 0)>
#map1 = affine_map<(d0, d1) -> (0, 0, 0, 0)>
module attributes {stable_mosaic.version = 14 : i64} {
  func.func @gather_kernel(%arg0: i32, %arg1: i32, %arg2: memref<800000x128xf32, #tpu.memory_space<hbm>>, %arg3: memref<512x128xi32, #tpu.memory_space<hbm>>, %arg4: memref<4x2048x8x128xf32, #tpu.memory_space<hbm>>, %arg5: memref<16x128xi32, #tpu.memory_space<vmem>>, %arg6: memref<7x128x128xf32, #tpu.memory_space<vmem>>, %arg7: memref<!tpu.dma_semaphore, #tpu.memory_space<semaphore_mem>>, %arg8: memref<!tpu.dma_semaphore, #tpu.memory_space<semaphore_mem>>, %arg9: memref<!tpu.dma_semaphore, #tpu.memory_space<semaphore_mem>>, %arg10: memref<!tpu.dma_semaphore, #tpu.memory_space<semaphore_mem>>, %arg11: memref<!tpu.dma_semaphore, #tpu.memory_space<semaphore_mem>>, %arg12: memref<!tpu.dma_semaphore, #tpu.memory_space<semaphore_mem>>, %arg13: memref<!tpu.dma_semaphore, #tpu.memory_space<semaphore_mem>>) attributes {dimension_semantics = [#tpu.dimension_semantics<core_parallel>, #tpu.dimension_semantics<subcore_parallel>], iteration_bounds = array<i64: 2, 16>, scalar_prefetch = 0 : i64, scratch_operands = 9 : i64, tpu.core_type = #tpu.core_type<sc_vector_subcore>, window_params = [{transform_indices = #map}, {transform_indices = #map}, {transform_indices = #map1}]} {
    %mul3A = arith.constant 2 : i32
    %mul3A_0 = arith.muli %arg1, %mul3A : i32
    %add3A = arith.addi %mul3A_0, %arg0 : i32
    %mul3A_1 = arith.constant 2048 : i32
    %mul3A_2 = arith.muli %add3A, %mul3A_1 : i32
    %mul3A_3 = arith.constant 16 : i32
    %mul3A_4 = arith.muli %add3A, %mul3A_3 : i32
    "tpu.region"() ({
      %run_scoped3A = tpu.sem_alloc : memref<!tpu.dma_semaphore, #tpu.memory_space<semaphore_mem>>
      %dma_start3A_2438 = arith.constant 0 : i32
      %dma_start3A_2439 = tpu.memref_slice %arg3[%mul3A_4, %dma_start3A_2438] : memref<512x128xi32, #tpu.memory_space<hbm>> -> memref<16x128xi32, #tpu.memory_space<hbm>>
      %dma_start3A_2440 = arith.constant 0 : i32
      %dma_start3A_2441 = tpu.memref_slice %arg3[%mul3A_4, %dma_start3A_2440] : memref<512x128xi32, #tpu.memory_space<hbm>> -> memref<16x128xi32, #tpu.memory_space<hbm>>
      tpu.enqueue_dma source(%dma_start3A_2441 : memref<16x128xi32, #tpu.memory_space<hbm>>) target(%arg5 : memref<16x128xi32, #tpu.memory_space<vmem>>) target_semaphore(%run_scoped3A : memref<!tpu.dma_semaphore, #tpu.memory_space<semaphore_mem>>)
      %dma_wait3A_2442 = arith.constant 0 : i32
      %dma_wait3A_2443 = tpu.memref_slice %arg3[%mul3A_4, %dma_wait3A_2442] : memref<512x128xi32, #tpu.memory_space<hbm>> -> memref<16x128xi32, #tpu.memory_space<hbm>>
      %dma_wait3A_2444 = arith.constant 0 : i32
      %dma_wait3A_2445 = tpu.memref_slice %arg3[%mul3A_4, %dma_wait3A_2444] : memref<512x128xi32, #tpu.memory_space<hbm>> -> memref<16x128xi32, #tpu.memory_space<hbm>>
      tpu.wait_dma2 semaphore(%run_scoped3A : memref<!tpu.dma_semaphore, #tpu.memory_space<semaphore_mem>>) src(%dma_wait3A_2445 : memref<16x128xi32, #tpu.memory_space<hbm>>) dst(%arg5 : memref<16x128xi32, #tpu.memory_space<vmem>>)
      tpu.yield
    }) : () -> ()
    %iota3A = tpu.iota {dimensions = array<i32: 0>} : vector<16xi32>
    %and3A = arith.constant 7 : i32
    %and3A_5 = vector.broadcast %and3A : i32 to vector<16xi32>
    %and3A_6 = arith.andi %iota3A, %and3A_5 : vector<16xi32>
    %mul3A_7 = arith.constant 100000 : i32
    %mul3A_8 = vector.broadcast %mul3A_7 : i32 to vector<16xi32>
    %mul3A_9 = arith.muli %and3A_6, %mul3A_8 : vector<16xi32>
    %get3A = arith.constant 0 : i32
    %get3A_10 = arith.index_cast %get3A : i32 to index
    %get3A_11 = arith.constant 0 : index
    %get3A_12 = tpu.vector_load %arg5[%get3A_10, %get3A_11] {strides = array<i32>} : memref<16x128xi32, #tpu.memory_space<vmem>>, vector<1x16xi32>,
    %get3A_13 = vector.shape_cast %get3A_12 : vector<1x16xi32> to vector<16xi32>
    %add3A_14 = arith.addi %get3A_13, %mul3A_9 : vector<16xi32>
    %swap3A = arith.constant 0 : i32
    %swap3A_15 = arith.index_cast %swap3A : i32 to index
    %swap3A_16 = arith.constant 0 : index
    %swap3A_17 = tpu.vector_load %arg5[%swap3A_15, %swap3A_16] {strides = array<i32>} : memref<16x128xi32, #tpu.memory_space<vmem>>, vector<1x16xi32>,
    %swap3A_18 = vector.shape_cast %swap3A_17 : vector<1x16xi32> to vector<16xi32>
    %swap3A_19 = vector.shape_cast %add3A_14 : vector<16xi32> to vector<1x16xi32>
    tpu.vector_store %arg5[%swap3A_15, %swap3A_16], %swap3A_19 {strides = array<i32>} : memref<16x128xi32, #tpu.memory_space<vmem>>, vector<1x16xi32>,
    %get3A_20 = arith.constant 0 : i32
    %get3A_21 = arith.index_cast %get3A_20 : i32 to index
    %get3A_22 = arith.constant 16 : index
    %get3A_23 = tpu.vector_load %arg5[%get3A_21, %get3A_22] {strides = array<i32>} : memref<16x128xi32, #tpu.memory_space<vmem>>, vector<1x16xi32>,
    %get3A_24 = vector.shape_cast %get3A_23 : vector<1x16xi32> to vector<16xi32>
    %add3A_25 = arith.addi %get3A_24, %mul3A_9 : vector<16xi32>
    %swap3A_26 = arith.constant 0 : i32
    %swap3A_27 = arith.index_cast %swap3A_26 : i32 to index
    %swap3A_28 = arith.constant 16 : index
    %swap3A_29 = tpu.vector_load %arg5[%swap3A_27, %swap3A_28] {strides = array<i32>} : memref<16x128xi32, #tpu.memory_space<vmem>>, vector<1x16xi32>,
    %swap3A_30 = vector.shape_cast %swap3A_29 : vector<1x16xi32> to vector<16xi32>
    %swap3A_31 = vector.shape_cast %add3A_25 : vector<16xi32> to vector<1x16xi32>
    tpu.vector_store %arg5[%swap3A_27, %swap3A_28], %swap3A_31 {strides = array<i32>} : memref<16x128xi32, #tpu.memory_space<vmem>>, vector<1x16xi32>,
    %get3A_32 = arith.constant 0 : i32
    %get3A_33 = arith.index_cast %get3A_32 : i32 to index
    %get3A_34 = arith.constant 32 : index
    %get3A_35 = tpu.vector_load %arg5[%get3A_33, %get3A_34] {strides = array<i32>} : memref<16x128xi32, #tpu.memory_space<vmem>>, vector<1x16xi32>,
    %get3A_36 = vector.shape_cast %get3A_35 : vector<1x16xi32> to vector<16xi32>
    %add3A_37 = arith.addi %get3A_36, %mul3A_9 : vector<16xi32>
    %swap3A_38 = arith.constant 0 : i32
    %swap3A_39 = arith.index_cast %swap3A_38 : i32 to index
    %swap3A_40 = arith.constant 32 : index
    %swap3A_41 = tpu.vector_load %arg5[%swap3A_39, %swap3A_40] {strides = array<i32>} : memref<16x128xi32, #tpu.memory_space<vmem>>, vector<1x16xi32>,
    %swap3A_42 = vector.shape_cast %swap3A_41 : vector<1x16xi32> to vector<16xi32>
    %swap3A_43 = vector.shape_cast %add3A_37 : vector<16xi32> to vector<1x16xi32>
    tpu.vector_store %arg5[%swap3A_39, %swap3A_40], %swap3A_43 {strides = array<i32>} : memref<16x128xi32, #tpu.memory_space<vmem>>, vector<1x16xi32>,
    %get3A_44 = arith.constant 0 : i32
    %get3A_45 = arith.index_cast %get3A_44 : i32 to index
    %get3A_46 = arith.constant 48 : index
    %get3A_47 = tpu.vector_load %arg5[%get3A_45, %get3A_46] {strides = array<i32>} : memref<16x128xi32, #tpu.memory_space<vmem>>, vector<1x16xi32>,
    %get3A_48 = vector.shape_cast %get3A_47 : vector<1x16xi32> to vector<16xi32>
    %add3A_49 = arith.addi %get3A_48, %mul3A_9 : vector<16xi32>
    %swap3A_50 = arith.constant 0 : i32
    %swap3A_51 = arith.index_cast %swap3A_50 : i32 to index
    %swap3A_52 = arith.constant 48 : index
    %swap3A_53 = tpu.vector_load %arg5[%swap3A_51, %swap3A_52] {strides = array<i32>} : memref<16x128xi32, #tpu.memory_space<vmem>>, vector<1x16xi32>,
    %swap3A_54 = vector.shape_cast %swap3A_53 : vector<1x16xi32> to vector<16xi32>
    %swap3A_55 = vector.shape_cast %add3A_49 : vector<16xi32> to vector<1x16xi32>
    tpu.vector_store %arg5[%swap3A_51, %swap3A_52], %swap3A_55 {strides = array<i32>} : memref<16x128xi32, #tpu.memory_space<vmem>>, vector<1x16xi32>,
    %get3A_56 = arith.constant 0 : i32
    %get3A_57 = arith.index_cast %get3A_56 : i32 to index
    %get3A_58 = arith.constant 64 : index
    %get3A_59 = tpu.vector_load %arg5[%get3A_57, %get3A_58] {strides = array<i32>} : memref<16x128xi32, #tpu.memory_space<vmem>>, vector<1x16xi32>,
    %get3A_60 = vector.shape_cast %get3A_59 : vector<1x16xi32> to vector<16xi32>
    %add3A_61 = arith.addi %get3A_60, %mul3A_9 : vector<16xi32>
    %swap3A_62 = arith.constant 0 : i32
    %swap3A_63 = arith.index_cast %swap3A_62 : i32 to index
    %swap3A_64 = arith.constant 64 : index
    %swap3A_65 = tpu.vector_load %arg5[%swap3A_63, %swap3A_64] {strides = array<i32>} : memref<16x128xi32, #tpu.memory_space<vmem>>, vector<1x16xi32>,
    %swap3A_66 = vector.shape_cast %swap3A_65 : vector<1x16xi32> to vector<16xi32>
    %swap3A_67 = vector.shape_cast %add3A_61 : vector<16xi32> to vector<1x16xi32>
    tpu.vector_store %arg5[%swap3A_63, %swap3A_64], %swap3A_67 {strides = array<i32>} : memref<16x128xi32, #tpu.memory_space<vmem>>, vector<1x16xi32>,
    %get3A_68 = arith.constant 0 : i32
    %get3A_69 = arith.index_cast %get3A_68 : i32 to index
    %get3A_70 = arith.constant 80 : index
    %get3A_71 = tpu.vector_load %arg5[%get3A_69, %get3A_70] {strides = array<i32>} : memref<16x128xi32, #tpu.memory_space<vmem>>, vector<1x16xi32>,
    %get3A_72 = vector.shape_cast %get3A_71 : vector<1x16xi32> to vector<16xi32>
    %add3A_73 = arith.addi %get3A_72, %mul3A_9 : vector<16xi32>
    %swap3A_74 = arith.constant 0 : i32
    %swap3A_75 = arith.index_cast %swap3A_74 : i32 to index
    %swap3A_76 = arith.constant 80 : index
    %swap3A_77 = tpu.vector_load %arg5[%swap3A_75, %swap3A_76] {strides = array<i32>} : memref<16x128xi32, #tpu.memory_space<vmem>>, vector<1x16xi32>,
    %swap3A_78 = vector.shape_cast %swap3A_77 : vector<1x16xi32> to vector<16xi32>
    %swap3A_79 = vector.shape_cast %add3A_73 : vector<16xi32> to vector<1x16xi32>
    tpu.vector_store %arg5[%swap3A_75, %swap3A_76], %swap3A_79 {strides = array<i32>} : memref<16x128xi32, #tpu.memory_space<vmem>>, vector<1x16xi32>,
    %get3A_80 = arith.constant 0 : i32
    %get3A_81 = arith.index_cast %get3A_80 : i32 to index
    %get3A_82 = arith.constant 96 : index
    %get3A_83 = tpu.vector_load %arg5[%get3A_81, %get3A_82] {strides = array<i32>} : memref<16x128xi32, #tpu.memory_space<vmem>>, vector<1x16xi32>,
    %get3A_84 = vector.shape_cast %get3A_83 : vector<1x16xi32> to vector<16xi32>
    %add3A_85 = arith.addi %get3A_84, %mul3A_9 : vector<16xi32>
    %swap3A_86 = arith.constant 0 : i32
    %swap3A_87 = arith.index_cast %swap3A_86 : i32 to index
    %swap3A_88 = arith.constant 96 : index
    %swap3A_89 = tpu.vector_load %arg5[%swap3A_87, %swap3A_88] {strides = array<i32>} : memref<16x128xi32, #tpu.memory_space<vmem>>, vector<1x16xi32>,
    %swap3A_90 = vector.shape_cast %swap3A_89 : vector<1x16xi32> to vector<16xi32>
    %swap3A_91 = vector.shape_cast %add3A_85 : vector<16xi32> to vector<1x16xi32>
    tpu.vector_store %arg5[%swap3A_87, %swap3A_88], %swap3A_91 {strides = array<i32>} : memref<16x128xi32, #tpu.memory_space<vmem>>, vector<1x16xi32>,
    %get3A_92 = arith.constant 0 : i32
    %get3A_93 = arith.index_cast %get3A_92 : i32 to index
    %get3A_94 = arith.constant 112 : index
    %get3A_95 = tpu.vector_load %arg5[%get3A_93, %get3A_94] {strides = array<i32>} : memref<16x128xi32, #tpu.memory_space<vmem>>, vector<1x16xi32>,
    %get3A_96 = vector.shape_cast %get3A_95 : vector<1x16xi32> to vector<16xi32>
    %add3A_97 = arith.addi %get3A_96, %mul3A_9 : vector<16xi32>
    %swap3A_98 = arith.constant 0 : i32
    %swap3A_99 = arith.index_cast %swap3A_98 : i32 to index
    %swap3A_100 = arith.constant 112 : index
    %swap3A_101 = tpu.vector_load %arg5[%swap3A_99, %swap3A_100] {strides = array<i32>} : memref<16x128xi32, #tpu.memory_space<vmem>>, vector<1x16xi32>,
    %swap3A_102 = vector.shape_cast %swap3A_101 : vector<1x16xi32> to vector<16xi32>
    %swap3A_103 = vector.shape_cast %add3A_97 : vector<16xi32> to vector<1x16xi32>
    tpu.vector_store %arg5[%swap3A_99, %swap3A_100], %swap3A_103 {strides = array<i32>} : memref<16x128xi32, #tpu.memory_space<vmem>>, vector<1x16xi32>,
    %dma_start3A = arith.constant 0 : i32
    %dma_start3A_104 = arith.constant 0 : i32
    %dma_start3A_105 = arith.constant 0 : i32
    %dma_start3A_106 = arith.constant 0 : i32
    %dma_start3A_107 = tpu.memref_slice %arg6[%dma_start3A_104, %dma_start3A_105, %dma_start3A_106] : memref<7x128x128xf32, #tpu.memory_space<vmem>> -> memref<1x128x128xf32, #tpu.memory_space<vmem>>
    %dma_start3A_108 = tpu.memref_squeeze %dma_start3A_107 : memref<1x128x128xf32, #tpu.memory_space<vmem>> -> memref<128x128xf32, #tpu.memory_space<vmem>>
    %dma_start3A_109 = arith.constant 0 : i32
    %dma_start3A_110 = tpu.memref_slice %arg5[%dma_start3A, %dma_start3A_109] : memref<16x128xi32, #tpu.memory_space<vmem>> -> memref<1x128xi32, #tpu.memory_space<vmem>>
    %dma_start3A_111 = tpu.memref_squeeze %dma_start3A_110 : memref<1x128xi32, #tpu.memory_space<vmem>> -> memref<128xi32, #tpu.memory_space<vmem>>
    %dma_start3A_112 = arith.constant 0 : i32
    %dma_start3A_113 = arith.constant 0 : i32
    %dma_start3A_114 = tpu.memref_slice %arg2[%dma_start3A_112, %dma_start3A_113] : memref<800000x128xf32, #tpu.memory_space<hbm>> -> memref<800000x128xf32, #tpu.memory_space<hbm>>
    tpu.enqueue_indirect_dma source(%dma_start3A_114 : memref<800000x128xf32, #tpu.memory_space<hbm>>) target(%dma_start3A_108 : memref<128x128xf32, #tpu.memory_space<vmem>>) offsets(%dma_start3A_111 : memref<128xi32, #tpu.memory_space<vmem>>) semaphore(%arg7 : memref<!tpu.dma_semaphore, #tpu.memory_space<semaphore_mem>>)
    %get3A_115 = arith.constant 1 : i32
    %get3A_116 = arith.index_cast %get3A_115 : i32 to index
    %get3A_117 = arith.constant 0 : index
    %get3A_118 = tpu.vector_load %arg5[%get3A_116, %get3A_117] {strides = array<i32>} : memref<16x128xi32, #tpu.memory_space<vmem>>, vector<1x16xi32>,
    %get3A_119 = vector.shape_cast %get3A_118 : vector<1x16xi32> to vector<16xi32>
    %add3A_120 = arith.addi %get3A_119, %mul3A_9 : vector<16xi32>
    %swap3A_121 = arith.constant 1 : i32
    %swap3A_122 = arith.index_cast %swap3A_121 : i32 to index
    %swap3A_123 = arith.constant 0 : index
    %swap3A_124 = tpu.vector_load %arg5[%swap3A_122, %swap3A_123] {strides = array<i32>} : memref<16x128xi32, #tpu.memory_space<vmem>>, vector<1x16xi32>,
    %swap3A_125 = vector.shape_cast %swap3A_124 : vector<1x16xi32> to vector<16xi32>
    %swap3A_126 = vector.shape_cast %add3A_120 : vector<16xi32> to vector<1x16xi32>
    tpu.vector_store %arg5[%swap3A_122, %swap3A_123], %swap3A_126 {strides = array<i32>} : memref<16x128xi32, #tpu.memory_space<vmem>>, vector<1x16xi32>,
    %get3A_127 = arith.constant 1 : i32
    %get3A_128 = arith.index_cast %get3A_127 : i32 to index
    %get3A_129 = arith.constant 16 : index
    %get3A_130 = tpu.vector_load %arg5[%get3A_128, %get3A_129] {strides = array<i32>} : memref<16x128xi32, #tpu.memory_space<vmem>>, vector<1x16xi32>,
    %get3A_131 = vector.shape_cast %get3A_130 : vector<1x16xi32> to vector<16xi32>
    %add3A_132 = arith.addi %get3A_131, %mul3A_9 : vector<16xi32>
    %swap3A_133 = arith.constant 1 : i32
    %swap3A_134 = arith.index_cast %swap3A_133 : i32 to index
    %swap3A_135 = arith.constant 16 : index
    %swap3A_136 = tpu.vector_load %arg5[%swap3A_134, %swap3A_135] {strides = array<i32>} : memref<16x128xi32, #tpu.memory_space<vmem>>, vector<1x16xi32>,
    %swap3A_137 = vector.shape_cast %swap3A_136 : vector<1x16xi32> to vector<16xi32>
    %swap3A_138 = vector.shape_cast %add3A_132 : vector<16xi32> to vector<1x16xi32>
    tpu.vector_store %arg5[%swap3A_134, %swap3A_135], %swap3A_138 {strides = array<i32>} : memref<16x128xi32, #tpu.memory_space<vmem>>, vector<1x16xi32>,
    %get3A_139 = arith.constant 1 : i32
    %get3A_140 = arith.index_cast %get3A_139 : i32 to index
    %get3A_141 = arith.constant 32 : index
    %get3A_142 = tpu.vector_load %arg5[%get3A_140, %get3A_141] {strides = array<i32>} : memref<16x128xi32, #tpu.memory_space<vmem>>, vector<1x16xi32>,
    %get3A_143 = vector.shape_cast %get3A_142 : vector<1x16xi32> to vector<16xi32>
    %add3A_144 = arith.addi %get3A_143, %mul3A_9 : vector<16xi32>
    %swap3A_145 = arith.constant 1 : i32
    %swap3A_146 = arith.index_cast %swap3A_145 : i32 to index
    %swap3A_147 = arith.constant 32 : index
    %swap3A_148 = tpu.vector_load %arg5[%swap3A_146, %swap3A_147] {strides = array<i32>} : memref<16x128xi32, #tpu.memory_space<vmem>>, vector<1x16xi32>,
    %swap3A_149 = vector.shape_cast %swap3A_148 : vector<1x16xi32> to vector<16xi32>
    %swap3A_150 = vector.shape_cast %add3A_144 : vector<16xi32> to vector<1x16xi32>
    tpu.vector_store %arg5[%swap3A_146, %swap3A_147], %swap3A_150 {strides = array<i32>} : memref<16x128xi32, #tpu.memory_space<vmem>>, vector<1x16xi32>,
    %get3A_151 = arith.constant 1 : i32
    %get3A_152 = arith.index_cast %get3A_151 : i32 to index
    %get3A_153 = arith.constant 48 : index
    %get3A_154 = tpu.vector_load %arg5[%get3A_152, %get3A_153] {strides = array<i32>} : memref<16x128xi32, #tpu.memory_space<vmem>>, vector<1x16xi32>,
    %get3A_155 = vector.shape_cast %get3A_154 : vector<1x16xi32> to vector<16xi32>
    %add3A_156 = arith.addi %get3A_155, %mul3A_9 : vector<16xi32>
    %swap3A_157 = arith.constant 1 : i32
    %swap3A_158 = arith.index_cast %swap3A_157 : i32 to index
    %swap3A_159 = arith.constant 48 : index
    %swap3A_160 = tpu.vector_load %arg5[%swap3A_158, %swap3A_159] {strides = array<i32>} : memref<16x128xi32, #tpu.memory_space<vmem>>, vector<1x16xi32>,
    %swap3A_161 = vector.shape_cast %swap3A_160 : vector<1x16xi32> to vector<16xi32>
    %swap3A_162 = vector.shape_cast %add3A_156 : vector<16xi32> to vector<1x16xi32>
    tpu.vector_store %arg5[%swap3A_158, %swap3A_159], %swap3A_162 {strides = array<i32>} : memref<16x128xi32, #tpu.memory_space<vmem>>, vector<1x16xi32>,
    %get3A_163 = arith.constant 1 : i32
    %get3A_164 = arith.index_cast %get3A_163 : i32 to index
    %get3A_165 = arith.constant 64 : index
    %get3A_166 = tpu.vector_load %arg5[%get3A_164, %get3A_165] {strides = array<i32>} : memref<16x128xi32, #tpu.memory_space<vmem>>, vector<1x16xi32>,
    %get3A_167 = vector.shape_cast %get3A_166 : vector<1x16xi32> to vector<16xi32>
    %add3A_168 = arith.addi %get3A_167, %mul3A_9 : vector<16xi32>
    %swap3A_169 = arith.constant 1 : i32
    %swap3A_170 = arith.index_cast %swap3A_169 : i32 to index
    %swap3A_171 = arith.constant 64 : index
    %swap3A_172 = tpu.vector_load %arg5[%swap3A_170, %swap3A_171] {strides = array<i32>} : memref<16x128xi32, #tpu.memory_space<vmem>>, vector<1x16xi32>,
    %swap3A_173 = vector.shape_cast %swap3A_172 : vector<1x16xi32> to vector<16xi32>
    %swap3A_174 = vector.shape_cast %add3A_168 : vector<16xi32> to vector<1x16xi32>
    tpu.vector_store %arg5[%swap3A_170, %swap3A_171], %swap3A_174 {strides = array<i32>} : memref<16x128xi32, #tpu.memory_space<vmem>>, vector<1x16xi32>,
    %get3A_175 = arith.constant 1 : i32
    %get3A_176 = arith.index_cast %get3A_175 : i32 to index
    %get3A_177 = arith.constant 80 : index
    %get3A_178 = tpu.vector_load %arg5[%get3A_176, %get3A_177] {strides = array<i32>} : memref<16x128xi32, #tpu.memory_space<vmem>>, vector<1x16xi32>,
    %get3A_179 = vector.shape_cast %get3A_178 : vector<1x16xi32> to vector<16xi32>
    %add3A_180 = arith.addi %get3A_179, %mul3A_9 : vector<16xi32>
    %swap3A_181 = arith.constant 1 : i32
    %swap3A_182 = arith.index_cast %swap3A_181 : i32 to index
    %swap3A_183 = arith.constant 80 : index
    %swap3A_184 = tpu.vector_load %arg5[%swap3A_182, %swap3A_183] {strides = array<i32>} : memref<16x128xi32, #tpu.memory_space<vmem>>, vector<1x16xi32>,
    %swap3A_185 = vector.shape_cast %swap3A_184 : vector<1x16xi32> to vector<16xi32>
    %swap3A_186 = vector.shape_cast %add3A_180 : vector<16xi32> to vector<1x16xi32>
    tpu.vector_store %arg5[%swap3A_182, %swap3A_183], %swap3A_186 {strides = array<i32>} : memref<16x128xi32, #tpu.memory_space<vmem>>, vector<1x16xi32>,
    %get3A_187 = arith.constant 1 : i32
    %get3A_188 = arith.index_cast %get3A_187 : i32 to index
    %get3A_189 = arith.constant 96 : index
    %get3A_190 = tpu.vector_load %arg5[%get3A_188, %get3A_189] {strides = array<i32>} : memref<16x128xi32, #tpu.memory_space<vmem>>, vector<1x16xi32>,
    %get3A_191 = vector.shape_cast %get3A_190 : vector<1x16xi32> to vector<16xi32>
    %add3A_192 = arith.addi %get3A_191, %mul3A_9 : vector<16xi32>
    %swap3A_193 = arith.constant 1 : i32
    %swap3A_194 = arith.index_cast %swap3A_193 : i32 to index
    %swap3A_195 = arith.constant 96 : index
    %swap3A_196 = tpu.vector_load %arg5[%swap3A_194, %swap3A_195] {strides = array<i32>} : memref<16x128xi32, #tpu.memory_space<vmem>>, vector<1x16xi32>,
    %swap3A_197 = vector.shape_cast %swap3A_196 : vector<1x16xi32> to vector<16xi32>
    %swap3A_198 = vector.shape_cast %add3A_192 : vector<16xi32> to vector<1x16xi32>
    tpu.vector_store %arg5[%swap3A_194, %swap3A_195], %swap3A_198 {strides = array<i32>} : memref<16x128xi32, #tpu.memory_space<vmem>>, vector<1x16xi32>,
    %get3A_199 = arith.constant 1 : i32
    %get3A_200 = arith.index_cast %get3A_199 : i32 to index
    %get3A_201 = arith.constant 112 : index
    %get3A_202 = tpu.vector_load %arg5[%get3A_200, %get3A_201] {strides = array<i32>} : memref<16x128xi32, #tpu.memory_space<vmem>>, vector<1x16xi32>,
    %get3A_203 = vector.shape_cast %get3A_202 : vector<1x16xi32> to vector<16xi32>
    %add3A_204 = arith.addi %get3A_203, %mul3A_9 : vector<16xi32>
    %swap3A_205 = arith.constant 1 : i32
    %swap3A_206 = arith.index_cast %swap3A_205 : i32 to index
    %swap3A_207 = arith.constant 112 : index
    %swap3A_208 = tpu.vector_load %arg5[%swap3A_206, %swap3A_207] {strides = array<i32>} : memref<16x128xi32, #tpu.memory_space<vmem>>, vector<1x16xi32>,
    %swap3A_209 = vector.shape_cast %swap3A_208 : vector<1x16xi32> to vector<16xi32>
    %swap3A_210 = vector.shape_cast %add3A_204 : vector<16xi32> to vector<1x16xi32>
    tpu.vector_store %arg5[%swap3A_206, %swap3A_207], %swap3A_210 {strides = array<i32>} : memref<16x128xi32, #tpu.memory_space<vmem>>, vector<1x16xi32>,
    %dma_start3A_211 = arith.constant 1 : i32
    %dma_start3A_212 = arith.constant 1 : i32
    %dma_start3A_213 = arith.constant 0 : i32
    %dma_start3A_214 = arith.constant 0 : i32
    %dma_start3A_215 = tpu.memref_slice %arg6[%dma_start3A_212, %dma_start3A_213, %dma_start3A_214] : memref<7x128x128xf32, #tpu.memory_space<vmem>> -> memref<1x128x128xf32, #tpu.memory_space<vmem>>
    %dma_start3A_216 = tpu.memref_squeeze %dma_start3A_215 : memref<1x128x128xf32, #tpu.memory_space<vmem>> -> memref<128x128xf32, #tpu.memory_space<vmem>>
    %dma_start3A_217 = arith.constant 0 : i32
    %dma_start3A_218 = tpu.memref_slice %arg5[%dma_start3A_211, %dma_start3A_217] : memref<16x128xi32, #tpu.memory_space<vmem>> -> memref<1x128xi32, #tpu.memory_space<vmem>>
    %dma_start3A_219 = tpu.memref_squeeze %dma_start3A_218 : memref<1x128xi32, #tpu.memory_space<vmem>> -> memref<128xi32, #tpu.memory_space<vmem>>
    %dma_start3A_220 = arith.constant 0 : i32
    %dma_start3A_221 = arith.constant 0 : i32
    %dma_start3A_222 = tpu.memref_slice %arg2[%dma_start3A_220, %dma_start3A_221] : memref<800000x128xf32, #tpu.memory_space<hbm>> -> memref<800000x128xf32, #tpu.memory_space<hbm>>
    tpu.enqueue_indirect_dma source(%dma_start3A_222 : memref<800000x128xf32, #tpu.memory_space<hbm>>) target(%dma_start3A_216 : memref<128x128xf32, #tpu.memory_space<vmem>>) offsets(%dma_start3A_219 : memref<128xi32, #tpu.memory_space<vmem>>) semaphore(%arg8 : memref<!tpu.dma_semaphore, #tpu.memory_space<semaphore_mem>>)
    %get3A_223 = arith.constant 2 : i32
    %get3A_224 = arith.index_cast %get3A_223 : i32 to index
    %get3A_225 = arith.constant 0 : index
    %get3A_226 = tpu.vector_load %arg5[%get3A_224, %get3A_225] {strides = array<i32>} : memref<16x128xi32, #tpu.memory_space<vmem>>, vector<1x16xi32>,
    %get3A_227 = vector.shape_cast %get3A_226 : vector<1x16xi32> to vector<16xi32>
    %add3A_228 = arith.addi %get3A_227, %mul3A_9 : vector<16xi32>
    %swap3A_229 = arith.constant 2 : i32
    %swap3A_230 = arith.index_cast %swap3A_229 : i32 to index
    %swap3A_231 = arith.constant 0 : index
    %swap3A_232 = tpu.vector_load %arg5[%swap3A_230, %swap3A_231] {strides = array<i32>} : memref<16x128xi32, #tpu.memory_space<vmem>>, vector<1x16xi32>,
    %swap3A_233 = vector.shape_cast %swap3A_232 : vector<1x16xi32> to vector<16xi32>
    %swap3A_234 = vector.shape_cast %add3A_228 : vector<16xi32> to vector<1x16xi32>
    tpu.vector_store %arg5[%swap3A_230, %swap3A_231], %swap3A_234 {strides = array<i32>} : memref<16x128xi32, #tpu.memory_space<vmem>>, vector<1x16xi32>,
    %get3A_235 = arith.constant 2 : i32
    %get3A_236 = arith.index_cast %get3A_235 : i32 to index
    %get3A_237 = arith.constant 16 : index
    %get3A_238 = tpu.vector_load %arg5[%get3A_236, %get3A_237] {strides = array<i32>} : memref<16x128xi32, #tpu.memory_space<vmem>>, vector<1x16xi32>,
    %get3A_239 = vector.shape_cast %get3A_238 : vector<1x16xi32> to vector<16xi32>
    %add3A_240 = arith.addi %get3A_239, %mul3A_9 : vector<16xi32>
    %swap3A_241 = arith.constant 2 : i32
    %swap3A_242 = arith.index_cast %swap3A_241 : i32 to index
    %swap3A_243 = arith.constant 16 : index
    %swap3A_244 = tpu.vector_load %arg5[%swap3A_242, %swap3A_243] {strides = array<i32>} : memref<16x128xi32, #tpu.memory_space<vmem>>, vector<1x16xi32>,
    %swap3A_245 = vector.shape_cast %swap3A_244 : vector<1x16xi32> to vector<16xi32>
    %swap3A_246 = vector.shape_cast %add3A_240 : vector<16xi32> to vector<1x16xi32>
    tpu.vector_store %arg5[%swap3A_242, %swap3A_243], %swap3A_246 {strides = array<i32>} : memref<16x128xi32, #tpu.memory_space<vmem>>, vector<1x16xi32>,
    %get3A_247 = arith.constant 2 : i32
    %get3A_248 = arith.index_cast %get3A_247 : i32 to index
    %get3A_249 = arith.constant 32 : index
    %get3A_250 = tpu.vector_load %arg5[%get3A_248, %get3A_249] {strides = array<i32>} : memref<16x128xi32, #tpu.memory_space<vmem>>, vector<1x16xi32>,
    %get3A_251 = vector.shape_cast %get3A_250 : vector<1x16xi32> to vector<16xi32>
    %add3A_252 = arith.addi %get3A_251, %mul3A_9 : vector<16xi32>
    %swap3A_253 = arith.constant 2 : i32
    %swap3A_254 = arith.index_cast %swap3A_253 : i32 to index
    %swap3A_255 = arith.constant 32 : index
    %swap3A_256 = tpu.vector_load %arg5[%swap3A_254, %swap3A_255] {strides = array<i32>} : memref<16x128xi32, #tpu.memory_space<vmem>>, vector<1x16xi32>,
    %swap3A_257 = vector.shape_cast %swap3A_256 : vector<1x16xi32> to vector<16xi32>
    %swap3A_258 = vector.shape_cast %add3A_252 : vector<16xi32> to vector<1x16xi32>
    tpu.vector_store %arg5[%swap3A_254, %swap3A_255], %swap3A_258 {strides = array<i32>} : memref<16x128xi32, #tpu.memory_space<vmem>>, vector<1x16xi32>,
    %get3A_259 = arith.constant 2 : i32
    %get3A_260 = arith.index_cast %get3A_259 : i32 to index
    %get3A_261 = arith.constant 48 : index
    %get3A_262 = tpu.vector_load %arg5[%get3A_260, %get3A_261] {strides = array<i32>} : memref<16x128xi32, #tpu.memory_space<vmem>>, vector<1x16xi32>,
    %get3A_263 = vector.shape_cast %get3A_262 : vector<1x16xi32> to vector<16xi32>
    %add3A_264 = arith.addi %get3A_263, %mul3A_9 : vector<16xi32>
    %swap3A_265 = arith.constant 2 : i32
    %swap3A_266 = arith.index_cast %swap3A_265 : i32 to index
    %swap3A_267 = arith.constant 48 : index
    %swap3A_268 = tpu.vector_load %arg5[%swap3A_266, %swap3A_267] {strides = array<i32>} : memref<16x128xi32, #tpu.memory_space<vmem>>, vector<1x16xi32>,
    %swap3A_269 = vector.shape_cast %swap3A_268 : vector<1x16xi32> to vector<16xi32>
    %swap3A_270 = vector.shape_cast %add3A_264 : vector<16xi32> to vector<1x16xi32>
    tpu.vector_store %arg5[%swap3A_266, %swap3A_267], %swap3A_270 {strides = array<i32>} : memref<16x128xi32, #tpu.memory_space<vmem>>, vector<1x16xi32>,
    %get3A_271 = arith.constant 2 : i32
    %get3A_272 = arith.index_cast %get3A_271 : i32 to index
    %get3A_273 = arith.constant 64 : index
    %get3A_274 = tpu.vector_load %arg5[%get3A_272, %get3A_273] {strides = array<i32>} : memref<16x128xi32, #tpu.memory_space<vmem>>, vector<1x16xi32>,
    %get3A_275 = vector.shape_cast %get3A_274 : vector<1x16xi32> to vector<16xi32>
    %add3A_276 = arith.addi %get3A_275, %mul3A_9 : vector<16xi32>
    %swap3A_277 = arith.constant 2 : i32
    %swap3A_278 = arith.index_cast %swap3A_277 : i32 to index
    %swap3A_279 = arith.constant 64 : index
    %swap3A_280 = tpu.vector_load %arg5[%swap3A_278, %swap3A_279] {strides = array<i32>} : memref<16x128xi32, #tpu.memory_space<vmem>>, vector<1x16xi32>,
    %swap3A_281 = vector.shape_cast %swap3A_280 : vector<1x16xi32> to vector<16xi32>
    %swap3A_282 = vector.shape_cast %add3A_276 : vector<16xi32> to vector<1x16xi32>
    tpu.vector_store %arg5[%swap3A_278, %swap3A_279], %swap3A_282 {strides = array<i32>} : memref<16x128xi32, #tpu.memory_space<vmem>>, vector<1x16xi32>,
    %get3A_283 = arith.constant 2 : i32
    %get3A_284 = arith.index_cast %get3A_283 : i32 to index
    %get3A_285 = arith.constant 80 : index
    %get3A_286 = tpu.vector_load %arg5[%get3A_284, %get3A_285] {strides = array<i32>} : memref<16x128xi32, #tpu.memory_space<vmem>>, vector<1x16xi32>,
    %get3A_287 = vector.shape_cast %get3A_286 : vector<1x16xi32> to vector<16xi32>
    %add3A_288 = arith.addi %get3A_287, %mul3A_9 : vector<16xi32>
    %swap3A_289 = arith.constant 2 : i32
    %swap3A_290 = arith.index_cast %swap3A_289 : i32 to index
    %swap3A_291 = arith.constant 80 : index
    %swap3A_292 = tpu.vector_load %arg5[%swap3A_290, %swap3A_291] {strides = array<i32>} : memref<16x128xi32, #tpu.memory_space<vmem>>, vector<1x16xi32>,
    %swap3A_293 = vector.shape_cast %swap3A_292 : vector<1x16xi32> to vector<16xi32>
    %swap3A_294 = vector.shape_cast %add3A_288 : vector<16xi32> to vector<1x16xi32>
    tpu.vector_store %arg5[%swap3A_290, %swap3A_291], %swap3A_294 {strides = array<i32>} : memref<16x128xi32, #tpu.memory_space<vmem>>, vector<1x16xi32>,
    %get3A_295 = arith.constant 2 : i32
    %get3A_296 = arith.index_cast %get3A_295 : i32 to index
    %get3A_297 = arith.constant 96 : index
    %get3A_298 = tpu.vector_load %arg5[%get3A_296, %get3A_297] {strides = array<i32>} : memref<16x128xi32, #tpu.memory_space<vmem>>, vector<1x16xi32>,
    %get3A_299 = vector.shape_cast %get3A_298 : vector<1x16xi32> to vector<16xi32>
    %add3A_300 = arith.addi %get3A_299, %mul3A_9 : vector<16xi32>
    %swap3A_301 = arith.constant 2 : i32
    %swap3A_302 = arith.index_cast %swap3A_301 : i32 to index
    %swap3A_303 = arith.constant 96 : index
    %swap3A_304 = tpu.vector_load %arg5[%swap3A_302, %swap3A_303] {strides = array<i32>} : memref<16x128xi32, #tpu.memory_space<vmem>>, vector<1x16xi32>,
    %swap3A_305 = vector.shape_cast %swap3A_304 : vector<1x16xi32> to vector<16xi32>
    %swap3A_306 = vector.shape_cast %add3A_300 : vector<16xi32> to vector<1x16xi32>
    tpu.vector_store %arg5[%swap3A_302, %swap3A_303], %swap3A_306 {strides = array<i32>} : memref<16x128xi32, #tpu.memory_space<vmem>>, vector<1x16xi32>,
    %get3A_307 = arith.constant 2 : i32
    %get3A_308 = arith.index_cast %get3A_307 : i32 to index
    %get3A_309 = arith.constant 112 : index
    %get3A_310 = tpu.vector_load %arg5[%get3A_308, %get3A_309] {strides = array<i32>} : memref<16x128xi32, #tpu.memory_space<vmem>>, vector<1x16xi32>,
    %get3A_311 = vector.shape_cast %get3A_310 : vector<1x16xi32> to vector<16xi32>
    %add3A_312 = arith.addi %get3A_311, %mul3A_9 : vector<16xi32>
    %swap3A_313 = arith.constant 2 : i32
    %swap3A_314 = arith.index_cast %swap3A_313 : i32 to index
    %swap3A_315 = arith.constant 112 : index
    %swap3A_316 = tpu.vector_load %arg5[%swap3A_314, %swap3A_315] {strides = array<i32>} : memref<16x128xi32, #tpu.memory_space<vmem>>, vector<1x16xi32>,
    %swap3A_317 = vector.shape_cast %swap3A_316 : vector<1x16xi32> to vector<16xi32>
    %swap3A_318 = vector.shape_cast %add3A_312 : vector<16xi32> to vector<1x16xi32>
    tpu.vector_store %arg5[%swap3A_314, %swap3A_315], %swap3A_318 {strides = array<i32>} : memref<16x128xi32, #tpu.memory_space<vmem>>, vector<1x16xi32>,
    %dma_start3A_319 = arith.constant 2 : i32
    %dma_start3A_320 = arith.constant 2 : i32
    %dma_start3A_321 = arith.constant 0 : i32
    %dma_start3A_322 = arith.constant 0 : i32
    %dma_start3A_323 = tpu.memref_slice %arg6[%dma_start3A_320, %dma_start3A_321, %dma_start3A_322] : memref<7x128x128xf32, #tpu.memory_space<vmem>> -> memref<1x128x128xf32, #tpu.memory_space<vmem>>
    %dma_start3A_324 = tpu.memref_squeeze %dma_start3A_323 : memref<1x128x128xf32, #tpu.memory_space<vmem>> -> memref<128x128xf32, #tpu.memory_space<vmem>>
    %dma_start3A_325 = arith.constant 0 : i32
    %dma_start3A_326 = tpu.memref_slice %arg5[%dma_start3A_319, %dma_start3A_325] : memref<16x128xi32, #tpu.memory_space<vmem>> -> memref<1x128xi32, #tpu.memory_space<vmem>>
    %dma_start3A_327 = tpu.memref_squeeze %dma_start3A_326 : memref<1x128xi32, #tpu.memory_space<vmem>> -> memref<128xi32, #tpu.memory_space<vmem>>
    %dma_start3A_328 = arith.constant 0 : i32
    %dma_start3A_329 = arith.constant 0 : i32
    %dma_start3A_330 = tpu.memref_slice %arg2[%dma_start3A_328, %dma_start3A_329] : memref<800000x128xf32, #tpu.memory_space<hbm>> -> memref<800000x128xf32, #tpu.memory_space<hbm>>
    tpu.enqueue_indirect_dma source(%dma_start3A_330 : memref<800000x128xf32, #tpu.memory_space<hbm>>) target(%dma_start3A_324 : memref<128x128xf32, #tpu.memory_space<vmem>>) offsets(%dma_start3A_327 : memref<128xi32, #tpu.memory_space<vmem>>) semaphore(%arg9 : memref<!tpu.dma_semaphore, #tpu.memory_space<semaphore_mem>>)
    %get3A_331 = arith.constant 3 : i32
    %get3A_332 = arith.index_cast %get3A_331 : i32 to index
    %get3A_333 = arith.constant 0 : index
    %get3A_334 = tpu.vector_load %arg5[%get3A_332, %get3A_333] {strides = array<i32>} : memref<16x128xi32, #tpu.memory_space<vmem>>, vector<1x16xi32>,
    %get3A_335 = vector.shape_cast %get3A_334 : vector<1x16xi32> to vector<16xi32>
    %add3A_336 = arith.addi %get3A_335, %mul3A_9 : vector<16xi32>
    %swap3A_337 = arith.constant 3 : i32
    %swap3A_338 = arith.index_cast %swap3A_337 : i32 to index
    %swap3A_339 = arith.constant 0 : index
    %swap3A_340 = tpu.vector_load %arg5[%swap3A_338, %swap3A_339] {strides = array<i32>} : memref<16x128xi32, #tpu.memory_space<vmem>>, vector<1x16xi32>,
    %swap3A_341 = vector.shape_cast %swap3A_340 : vector<1x16xi32> to vector<16xi32>
    %swap3A_342 = vector.shape_cast %add3A_336 : vector<16xi32> to vector<1x16xi32>
    tpu.vector_store %arg5[%swap3A_338, %swap3A_339], %swap3A_342 {strides = array<i32>} : memref<16x128xi32, #tpu.memory_space<vmem>>, vector<1x16xi32>,
    %get3A_343 = arith.constant 3 : i32
    %get3A_344 = arith.index_cast %get3A_343 : i32 to index
    %get3A_345 = arith.constant 16 : index
    %get3A_346 = tpu.vector_load %arg5[%get3A_344, %get3A_345] {strides = array<i32>} : memref<16x128xi32, #tpu.memory_space<vmem>>, vector<1x16xi32>,
    %get3A_347 = vector.shape_cast %get3A_346 : vector<1x16xi32> to vector<16xi32>
    %add3A_348 = arith.addi %get3A_347, %mul3A_9 : vector<16xi32>
    %swap3A_349 = arith.constant 3 : i32
    %swap3A_350 = arith.index_cast %swap3A_349 : i32 to index
    %swap3A_351 = arith.constant 16 : index
    %swap3A_352 = tpu.vector_load %arg5[%swap3A_350, %swap3A_351] {strides = array<i32>} : memref<16x128xi32, #tpu.memory_space<vmem>>, vector<1x16xi32>,
    %swap3A_353 = vector.shape_cast %swap3A_352 : vector<1x16xi32> to vector<16xi32>
    %swap3A_354 = vector.shape_cast %add3A_348 : vector<16xi32> to vector<1x16xi32>
    tpu.vector_store %arg5[%swap3A_350, %swap3A_351], %swap3A_354 {strides = array<i32>} : memref<16x128xi32, #tpu.memory_space<vmem>>, vector<1x16xi32>,
    %get3A_355 = arith.constant 3 : i32
    %get3A_356 = arith.index_cast %get3A_355 : i32 to index
    %get3A_357 = arith.constant 32 : index
    %get3A_358 = tpu.vector_load %arg5[%get3A_356, %get3A_357] {strides = array<i32>} : memref<16x128xi32, #tpu.memory_space<vmem>>, vector<1x16xi32>,
    %get3A_359 = vector.shape_cast %get3A_358 : vector<1x16xi32> to vector<16xi32>
    %add3A_360 = arith.addi %get3A_359, %mul3A_9 : vector<16xi32>
    %swap3A_361 = arith.constant 3 : i32
    %swap3A_362 = arith.index_cast %swap3A_361 : i32 to index
    %swap3A_363 = arith.constant 32 : index
    %swap3A_364 = tpu.vector_load %arg5[%swap3A_362, %swap3A_363] {strides = array<i32>} : memref<16x128xi32, #tpu.memory_space<vmem>>, vector<1x16xi32>,
    %swap3A_365 = vector.shape_cast %swap3A_364 : vector<1x16xi32> to vector<16xi32>
    %swap3A_366 = vector.shape_cast %add3A_360 : vector<16xi32> to vector<1x16xi32>
    tpu.vector_store %arg5[%swap3A_362, %swap3A_363], %swap3A_366 {strides = array<i32>} : memref<16x128xi32, #tpu.memory_space<vmem>>, vector<1x16xi32>,
    %get3A_367 = arith.constant 3 : i32
    %get3A_368 = arith.index_cast %get3A_367 : i32 to index
    %get3A_369 = arith.constant 48 : index
    %get3A_370 = tpu.vector_load %arg5[%get3A_368, %get3A_369] {strides = array<i32>} : memref<16x128xi32, #tpu.memory_space<vmem>>, vector<1x16xi32>,
    %get3A_371 = vector.shape_cast %get3A_370 : vector<1x16xi32> to vector<16xi32>
    %add3A_372 = arith.addi %get3A_371, %mul3A_9 : vector<16xi32>
    %swap3A_373 = arith.constant 3 : i32
    %swap3A_374 = arith.index_cast %swap3A_373 : i32 to index
    %swap3A_375 = arith.constant 48 : index
    %swap3A_376 = tpu.vector_load %arg5[%swap3A_374, %swap3A_375] {strides = array<i32>} : memref<16x128xi32, #tpu.memory_space<vmem>>, vector<1x16xi32>,
    %swap3A_377 = vector.shape_cast %swap3A_376 : vector<1x16xi32> to vector<16xi32>
    %swap3A_378 = vector.shape_cast %add3A_372 : vector<16xi32> to vector<1x16xi32>
    tpu.vector_store %arg5[%swap3A_374, %swap3A_375], %swap3A_378 {strides = array<i32>} : memref<16x128xi32, #tpu.memory_space<vmem>>, vector<1x16xi32>,
    %get3A_379 = arith.constant 3 : i32
    %get3A_380 = arith.index_cast %get3A_379 : i32 to index
    %get3A_381 = arith.constant 64 : index
    %get3A_382 = tpu.vector_load %arg5[%get3A_380, %get3A_381] {strides = array<i32>} : memref<16x128xi32, #tpu.memory_space<vmem>>, vector<1x16xi32>,
    %get3A_383 = vector.shape_cast %get3A_382 : vector<1x16xi32> to vector<16xi32>
    %add3A_384 = arith.addi %get3A_383, %mul3A_9 : vector<16xi32>
    %swap3A_385 = arith.constant 3 : i32
    %swap3A_386 = arith.index_cast %swap3A_385 : i32 to index
    %swap3A_387 = arith.constant 64 : index
    %swap3A_388 = tpu.vector_load %arg5[%swap3A_386, %swap3A_387] {strides = array<i32>} : memref<16x128xi32, #tpu.memory_space<vmem>>, vector<1x16xi32>,
    %swap3A_389 = vector.shape_cast %swap3A_388 : vector<1x16xi32> to vector<16xi32>
    %swap3A_390 = vector.shape_cast %add3A_384 : vector<16xi32> to vector<1x16xi32>
    tpu.vector_store %arg5[%swap3A_386, %swap3A_387], %swap3A_390 {strides = array<i32>} : memref<16x128xi32, #tpu.memory_space<vmem>>, vector<1x16xi32>,
    %get3A_391 = arith.constant 3 : i32
    %get3A_392 = arith.index_cast %get3A_391 : i32 to index
    %get3A_393 = arith.constant 80 : index
    %get3A_394 = tpu.vector_load %arg5[%get3A_392, %get3A_393] {strides = array<i32>} : memref<16x128xi32, #tpu.memory_space<vmem>>, vector<1x16xi32>,
    %get3A_395 = vector.shape_cast %get3A_394 : vector<1x16xi32> to vector<16xi32>
    %add3A_396 = arith.addi %get3A_395, %mul3A_9 : vector<16xi32>
    %swap3A_397 = arith.constant 3 : i32
    %swap3A_398 = arith.index_cast %swap3A_397 : i32 to index
    %swap3A_399 = arith.constant 80 : index
    %swap3A_400 = tpu.vector_load %arg5[%swap3A_398, %swap3A_399] {strides = array<i32>} : memref<16x128xi32, #tpu.memory_space<vmem>>, vector<1x16xi32>,
    %swap3A_401 = vector.shape_cast %swap3A_400 : vector<1x16xi32> to vector<16xi32>
    %swap3A_402 = vector.shape_cast %add3A_396 : vector<16xi32> to vector<1x16xi32>
    tpu.vector_store %arg5[%swap3A_398, %swap3A_399], %swap3A_402 {strides = array<i32>} : memref<16x128xi32, #tpu.memory_space<vmem>>, vector<1x16xi32>,
    %get3A_403 = arith.constant 3 : i32
    %get3A_404 = arith.index_cast %get3A_403 : i32 to index
    %get3A_405 = arith.constant 96 : index
    %get3A_406 = tpu.vector_load %arg5[%get3A_404, %get3A_405] {strides = array<i32>} : memref<16x128xi32, #tpu.memory_space<vmem>>, vector<1x16xi32>,
    %get3A_407 = vector.shape_cast %get3A_406 : vector<1x16xi32> to vector<16xi32>
    %add3A_408 = arith.addi %get3A_407, %mul3A_9 : vector<16xi32>
    %swap3A_409 = arith.constant 3 : i32
    %swap3A_410 = arith.index_cast %swap3A_409 : i32 to index
    %swap3A_411 = arith.constant 96 : index
    %swap3A_412 = tpu.vector_load %arg5[%swap3A_410, %swap3A_411] {strides = array<i32>} : memref<16x128xi32, #tpu.memory_space<vmem>>, vector<1x16xi32>,
    %swap3A_413 = vector.shape_cast %swap3A_412 : vector<1x16xi32> to vector<16xi32>
    %swap3A_414 = vector.shape_cast %add3A_408 : vector<16xi32> to vector<1x16xi32>
    tpu.vector_store %arg5[%swap3A_410, %swap3A_411], %swap3A_414 {strides = array<i32>} : memref<16x128xi32, #tpu.memory_space<vmem>>, vector<1x16xi32>,
    %get3A_415 = arith.constant 3 : i32
    %get3A_416 = arith.index_cast %get3A_415 : i32 to index
    %get3A_417 = arith.constant 112 : index
    %get3A_418 = tpu.vector_load %arg5[%get3A_416, %get3A_417] {strides = array<i32>} : memref<16x128xi32, #tpu.memory_space<vmem>>, vector<1x16xi32>,
    %get3A_419 = vector.shape_cast %get3A_418 : vector<1x16xi32> to vector<16xi32>
    %add3A_420 = arith.addi %get3A_419, %mul3A_9 : vector<16xi32>
    %swap3A_421 = arith.constant 3 : i32
    %swap3A_422 = arith.index_cast %swap3A_421 : i32 to index
    %swap3A_423 = arith.constant 112 : index
    %swap3A_424 = tpu.vector_load %arg5[%swap3A_422, %swap3A_423] {strides = array<i32>} : memref<16x128xi32, #tpu.memory_space<vmem>>, vector<1x16xi32>,
    %swap3A_425 = vector.shape_cast %swap3A_424 : vector<1x16xi32> to vector<16xi32>
    %swap3A_426 = vector.shape_cast %add3A_420 : vector<16xi32> to vector<1x16xi32>
    tpu.vector_store %arg5[%swap3A_422, %swap3A_423], %swap3A_426 {strides = array<i32>} : memref<16x128xi32, #tpu.memory_space<vmem>>, vector<1x16xi32>,
    %dma_start3A_427 = arith.constant 3 : i32
    %dma_start3A_428 = arith.constant 3 : i32
    %dma_start3A_429 = arith.constant 0 : i32
    %dma_start3A_430 = arith.constant 0 : i32
    %dma_start3A_431 = tpu.memref_slice %arg6[%dma_start3A_428, %dma_start3A_429, %dma_start3A_430] : memref<7x128x128xf32, #tpu.memory_space<vmem>> -> memref<1x128x128xf32, #tpu.memory_space<vmem>>
    %dma_start3A_432 = tpu.memref_squeeze %dma_start3A_431 : memref<1x128x128xf32, #tpu.memory_space<vmem>> -> memref<128x128xf32, #tpu.memory_space<vmem>>
    %dma_start3A_433 = arith.constant 0 : i32
    %dma_start3A_434 = tpu.memref_slice %arg5[%dma_start3A_427, %dma_start3A_433] : memref<16x128xi32, #tpu.memory_space<vmem>> -> memref<1x128xi32, #tpu.memory_space<vmem>>
    %dma_start3A_435 = tpu.memref_squeeze %dma_start3A_434 : memref<1x128xi32, #tpu.memory_space<vmem>> -> memref<128xi32, #tpu.memory_space<vmem>>
    %dma_start3A_436 = arith.constant 0 : i32
    %dma_start3A_437 = arith.constant 0 : i32
    %dma_start3A_438 = tpu.memref_slice %arg2[%dma_start3A_436, %dma_start3A_437] : memref<800000x128xf32, #tpu.memory_space<hbm>> -> memref<800000x128xf32, #tpu.memory_space<hbm>>
    tpu.enqueue_indirect_dma source(%dma_start3A_438 : memref<800000x128xf32, #tpu.memory_space<hbm>>) target(%dma_start3A_432 : memref<128x128xf32, #tpu.memory_space<vmem>>) offsets(%dma_start3A_435 : memref<128xi32, #tpu.memory_space<vmem>>) semaphore(%arg10 : memref<!tpu.dma_semaphore, #tpu.memory_space<semaphore_mem>>)
    %get3A_439 = arith.constant 4 : i32
    %get3A_440 = arith.index_cast %get3A_439 : i32 to index
    %get3A_441 = arith.constant 0 : index
    %get3A_442 = tpu.vector_load %arg5[%get3A_440, %get3A_441] {strides = array<i32>} : memref<16x128xi32, #tpu.memory_space<vmem>>, vector<1x16xi32>,
    %get3A_443 = vector.shape_cast %get3A_442 : vector<1x16xi32> to vector<16xi32>
    %add3A_444 = arith.addi %get3A_443, %mul3A_9 : vector<16xi32>
    %swap3A_445 = arith.constant 4 : i32
    %swap3A_446 = arith.index_cast %swap3A_445 : i32 to index
    %swap3A_447 = arith.constant 0 : index
    %swap3A_448 = tpu.vector_load %arg5[%swap3A_446, %swap3A_447] {strides = array<i32>} : memref<16x128xi32, #tpu.memory_space<vmem>>, vector<1x16xi32>,
    %swap3A_449 = vector.shape_cast %swap3A_448 : vector<1x16xi32> to vector<16xi32>
    %swap3A_450 = vector.shape_cast %add3A_444 : vector<16xi32> to vector<1x16xi32>
    tpu.vector_store %arg5[%swap3A_446, %swap3A_447], %swap3A_450 {strides = array<i32>} : memref<16x128xi32, #tpu.memory_space<vmem>>, vector<1x16xi32>,
    %get3A_451 = arith.constant 4 : i32
    %get3A_452 = arith.index_cast %get3A_451 : i32 to index
    %get3A_453 = arith.constant 16 : index
    %get3A_454 = tpu.vector_load %arg5[%get3A_452, %get3A_453] {strides = array<i32>} : memref<16x128xi32, #tpu.memory_space<vmem>>, vector<1x16xi32>,
    %get3A_455 = vector.shape_cast %get3A_454 : vector<1x16xi32> to vector<16xi32>
    %add3A_456 = arith.addi %get3A_455, %mul3A_9 : vector<16xi32>
    %swap3A_457 = arith.constant 4 : i32
    %swap3A_458 = arith.index_cast %swap3A_457 : i32 to index
    %swap3A_459 = arith.constant 16 : index
    %swap3A_460 = tpu.vector_load %arg5[%swap3A_458, %swap3A_459] {strides = array<i32>} : memref<16x128xi32, #tpu.memory_space<vmem>>, vector<1x16xi32>,
    %swap3A_461 = vector.shape_cast %swap3A_460 : vector<1x16xi32> to vector<16xi32>
    %swap3A_462 = vector.shape_cast %add3A_456 : vector<16xi32> to vector<1x16xi32>
    tpu.vector_store %arg5[%swap3A_458, %swap3A_459], %swap3A_462 {strides = array<i32>} : memref<16x128xi32, #tpu.memory_space<vmem>>, vector<1x16xi32>,
    %get3A_463 = arith.constant 4 : i32
    %get3A_464 = arith.index_cast %get3A_463 : i32 to index
    %get3A_465 = arith.constant 32 : index
    %get3A_466 = tpu.vector_load %arg5[%get3A_464, %get3A_465] {strides = array<i32>} : memref<16x128xi32, #tpu.memory_space<vmem>>, vector<1x16xi32>,
    %get3A_467 = vector.shape_cast %get3A_466 : vector<1x16xi32> to vector<16xi32>
    %add3A_468 = arith.addi %get3A_467, %mul3A_9 : vector<16xi32>
    %swap3A_469 = arith.constant 4 : i32
    %swap3A_470 = arith.index_cast %swap3A_469 : i32 to index
    %swap3A_471 = arith.constant 32 : index
    %swap3A_472 = tpu.vector_load %arg5[%swap3A_470, %swap3A_471] {strides = array<i32>} : memref<16x128xi32, #tpu.memory_space<vmem>>, vector<1x16xi32>,
    %swap3A_473 = vector.shape_cast %swap3A_472 : vector<1x16xi32> to vector<16xi32>
    %swap3A_474 = vector.shape_cast %add3A_468 : vector<16xi32> to vector<1x16xi32>
    tpu.vector_store %arg5[%swap3A_470, %swap3A_471], %swap3A_474 {strides = array<i32>} : memref<16x128xi32, #tpu.memory_space<vmem>>, vector<1x16xi32>,
    %get3A_475 = arith.constant 4 : i32
    %get3A_476 = arith.index_cast %get3A_475 : i32 to index
    %get3A_477 = arith.constant 48 : index
    %get3A_478 = tpu.vector_load %arg5[%get3A_476, %get3A_477] {strides = array<i32>} : memref<16x128xi32, #tpu.memory_space<vmem>>, vector<1x16xi32>,
    %get3A_479 = vector.shape_cast %get3A_478 : vector<1x16xi32> to vector<16xi32>
    %add3A_480 = arith.addi %get3A_479, %mul3A_9 : vector<16xi32>
    %swap3A_481 = arith.constant 4 : i32
    %swap3A_482 = arith.index_cast %swap3A_481 : i32 to index
    %swap3A_483 = arith.constant 48 : index
    %swap3A_484 = tpu.vector_load %arg5[%swap3A_482, %swap3A_483] {strides = array<i32>} : memref<16x128xi32, #tpu.memory_space<vmem>>, vector<1x16xi32>,
    %swap3A_485 = vector.shape_cast %swap3A_484 : vector<1x16xi32> to vector<16xi32>
    %swap3A_486 = vector.shape_cast %add3A_480 : vector<16xi32> to vector<1x16xi32>
    tpu.vector_store %arg5[%swap3A_482, %swap3A_483], %swap3A_486 {strides = array<i32>} : memref<16x128xi32, #tpu.memory_space<vmem>>, vector<1x16xi32>,
    %get3A_487 = arith.constant 4 : i32
    %get3A_488 = arith.index_cast %get3A_487 : i32 to index
    %get3A_489 = arith.constant 64 : index
    %get3A_490 = tpu.vector_load %arg5[%get3A_488, %get3A_489] {strides = array<i32>} : memref<16x128xi32, #tpu.memory_space<vmem>>, vector<1x16xi32>,
    %get3A_491 = vector.shape_cast %get3A_490 : vector<1x16xi32> to vector<16xi32>
    %add3A_492 = arith.addi %get3A_491, %mul3A_9 : vector<16xi32>
    %swap3A_493 = arith.constant 4 : i32
    %swap3A_494 = arith.index_cast %swap3A_493 : i32 to index
    %swap3A_495 = arith.constant 64 : index
    %swap3A_496 = tpu.vector_load %arg5[%swap3A_494, %swap3A_495] {strides = array<i32>} : memref<16x128xi32, #tpu.memory_space<vmem>>, vector<1x16xi32>,
    %swap3A_497 = vector.shape_cast %swap3A_496 : vector<1x16xi32> to vector<16xi32>
    %swap3A_498 = vector.shape_cast %add3A_492 : vector<16xi32> to vector<1x16xi32>
    tpu.vector_store %arg5[%swap3A_494, %swap3A_495], %swap3A_498 {strides = array<i32>} : memref<16x128xi32, #tpu.memory_space<vmem>>, vector<1x16xi32>,
    %get3A_499 = arith.constant 4 : i32
    %get3A_500 = arith.index_cast %get3A_499 : i32 to index
    %get3A_501 = arith.constant 80 : index
    %get3A_502 = tpu.vector_load %arg5[%get3A_500, %get3A_501] {strides = array<i32>} : memref<16x128xi32, #tpu.memory_space<vmem>>, vector<1x16xi32>,
    %get3A_503 = vector.shape_cast %get3A_502 : vector<1x16xi32> to vector<16xi32>
    %add3A_504 = arith.addi %get3A_503, %mul3A_9 : vector<16xi32>
    %swap3A_505 = arith.constant 4 : i32
    %swap3A_506 = arith.index_cast %swap3A_505 : i32 to index
    %swap3A_507 = arith.constant 80 : index
    %swap3A_508 = tpu.vector_load %arg5[%swap3A_506, %swap3A_507] {strides = array<i32>} : memref<16x128xi32, #tpu.memory_space<vmem>>, vector<1x16xi32>,
    %swap3A_509 = vector.shape_cast %swap3A_508 : vector<1x16xi32> to vector<16xi32>
    %swap3A_510 = vector.shape_cast %add3A_504 : vector<16xi32> to vector<1x16xi32>
    tpu.vector_store %arg5[%swap3A_506, %swap3A_507], %swap3A_510 {strides = array<i32>} : memref<16x128xi32, #tpu.memory_space<vmem>>, vector<1x16xi32>,
    %get3A_511 = arith.constant 4 : i32
    %get3A_512 = arith.index_cast %get3A_511 : i32 to index
    %get3A_513 = arith.constant 96 : index
    %get3A_514 = tpu.vector_load %arg5[%get3A_512, %get3A_513] {strides = array<i32>} : memref<16x128xi32, #tpu.memory_space<vmem>>, vector<1x16xi32>,
    %get3A_515 = vector.shape_cast %get3A_514 : vector<1x16xi32> to vector<16xi32>
    %add3A_516 = arith.addi %get3A_515, %mul3A_9 : vector<16xi32>
    %swap3A_517 = arith.constant 4 : i32
    %swap3A_518 = arith.index_cast %swap3A_517 : i32 to index
    %swap3A_519 = arith.constant 96 : index
    %swap3A_520 = tpu.vector_load %arg5[%swap3A_518, %swap3A_519] {strides = array<i32>} : memref<16x128xi32, #tpu.memory_space<vmem>>, vector<1x16xi32>,
    %swap3A_521 = vector.shape_cast %swap3A_520 : vector<1x16xi32> to vector<16xi32>
    %swap3A_522 = vector.shape_cast %add3A_516 : vector<16xi32> to vector<1x16xi32>
    tpu.vector_store %arg5[%swap3A_518, %swap3A_519], %swap3A_522 {strides = array<i32>} : memref<16x128xi32, #tpu.memory_space<vmem>>, vector<1x16xi32>,
    %get3A_523 = arith.constant 4 : i32
    %get3A_524 = arith.index_cast %get3A_523 : i32 to index
    %get3A_525 = arith.constant 112 : index
    %get3A_526 = tpu.vector_load %arg5[%get3A_524, %get3A_525] {strides = array<i32>} : memref<16x128xi32, #tpu.memory_space<vmem>>, vector<1x16xi32>,
    %get3A_527 = vector.shape_cast %get3A_526 : vector<1x16xi32> to vector<16xi32>
    %add3A_528 = arith.addi %get3A_527, %mul3A_9 : vector<16xi32>
    %swap3A_529 = arith.constant 4 : i32
    %swap3A_530 = arith.index_cast %swap3A_529 : i32 to index
    %swap3A_531 = arith.constant 112 : index
    %swap3A_532 = tpu.vector_load %arg5[%swap3A_530, %swap3A_531] {strides = array<i32>} : memref<16x128xi32, #tpu.memory_space<vmem>>, vector<1x16xi32>,
    %swap3A_533 = vector.shape_cast %swap3A_532 : vector<1x16xi32> to vector<16xi32>
    %swap3A_534 = vector.shape_cast %add3A_528 : vector<16xi32> to vector<1x16xi32>
    tpu.vector_store %arg5[%swap3A_530, %swap3A_531], %swap3A_534 {strides = array<i32>} : memref<16x128xi32, #tpu.memory_space<vmem>>, vector<1x16xi32>,
    %dma_start3A_535 = arith.constant 4 : i32
    %dma_start3A_536 = arith.constant 4 : i32
    %dma_start3A_537 = arith.constant 0 : i32
    %dma_start3A_538 = arith.constant 0 : i32
    %dma_start3A_539 = tpu.memref_slice %arg6[%dma_start3A_536, %dma_start3A_537, %dma_start3A_538] : memref<7x128x128xf32, #tpu.memory_space<vmem>> -> memref<1x128x128xf32, #tpu.memory_space<vmem>>
    %dma_start3A_540 = tpu.memref_squeeze %dma_start3A_539 : memref<1x128x128xf32, #tpu.memory_space<vmem>> -> memref<128x128xf32, #tpu.memory_space<vmem>>
    %dma_start3A_541 = arith.constant 0 : i32
    %dma_start3A_542 = tpu.memref_slice %arg5[%dma_start3A_535, %dma_start3A_541] : memref<16x128xi32, #tpu.memory_space<vmem>> -> memref<1x128xi32, #tpu.memory_space<vmem>>
    %dma_start3A_543 = tpu.memref_squeeze %dma_start3A_542 : memref<1x128xi32, #tpu.memory_space<vmem>> -> memref<128xi32, #tpu.memory_space<vmem>>
    %dma_start3A_544 = arith.constant 0 : i32
    %dma_start3A_545 = arith.constant 0 : i32
    %dma_start3A_546 = tpu.memref_slice %arg2[%dma_start3A_544, %dma_start3A_545] : memref<800000x128xf32, #tpu.memory_space<hbm>> -> memref<800000x128xf32, #tpu.memory_space<hbm>>
    tpu.enqueue_indirect_dma source(%dma_start3A_546 : memref<800000x128xf32, #tpu.memory_space<hbm>>) target(%dma_start3A_540 : memref<128x128xf32, #tpu.memory_space<vmem>>) offsets(%dma_start3A_543 : memref<128xi32, #tpu.memory_space<vmem>>) semaphore(%arg11 : memref<!tpu.dma_semaphore, #tpu.memory_space<semaphore_mem>>)
    %get3A_547 = arith.constant 5 : i32
    %get3A_548 = arith.index_cast %get3A_547 : i32 to index
    %get3A_549 = arith.constant 0 : index
    %get3A_550 = tpu.vector_load %arg5[%get3A_548, %get3A_549] {strides = array<i32>} : memref<16x128xi32, #tpu.memory_space<vmem>>, vector<1x16xi32>,
    %get3A_551 = vector.shape_cast %get3A_550 : vector<1x16xi32> to vector<16xi32>
    %add3A_552 = arith.addi %get3A_551, %mul3A_9 : vector<16xi32>
    %swap3A_553 = arith.constant 5 : i32
    %swap3A_554 = arith.index_cast %swap3A_553 : i32 to index
    %swap3A_555 = arith.constant 0 : index
    %swap3A_556 = tpu.vector_load %arg5[%swap3A_554, %swap3A_555] {strides = array<i32>} : memref<16x128xi32, #tpu.memory_space<vmem>>, vector<1x16xi32>,
    %swap3A_557 = vector.shape_cast %swap3A_556 : vector<1x16xi32> to vector<16xi32>
    %swap3A_558 = vector.shape_cast %add3A_552 : vector<16xi32> to vector<1x16xi32>
    tpu.vector_store %arg5[%swap3A_554, %swap3A_555], %swap3A_558 {strides = array<i32>} : memref<16x128xi32, #tpu.memory_space<vmem>>, vector<1x16xi32>,
    %get3A_559 = arith.constant 5 : i32
    %get3A_560 = arith.index_cast %get3A_559 : i32 to index
    %get3A_561 = arith.constant 16 : index
    %get3A_562 = tpu.vector_load %arg5[%get3A_560, %get3A_561] {strides = array<i32>} : memref<16x128xi32, #tpu.memory_space<vmem>>, vector<1x16xi32>,
    %get3A_563 = vector.shape_cast %get3A_562 : vector<1x16xi32> to vector<16xi32>
    %add3A_564 = arith.addi %get3A_563, %mul3A_9 : vector<16xi32>
    %swap3A_565 = arith.constant 5 : i32
    %swap3A_566 = arith.index_cast %swap3A_565 : i32 to index
    %swap3A_567 = arith.constant 16 : index
    %swap3A_568 = tpu.vector_load %arg5[%swap3A_566, %swap3A_567] {strides = array<i32>} : memref<16x128xi32, #tpu.memory_space<vmem>>, vector<1x16xi32>,
    %swap3A_569 = vector.shape_cast %swap3A_568 : vector<1x16xi32> to vector<16xi32>
    %swap3A_570 = vector.shape_cast %add3A_564 : vector<16xi32> to vector<1x16xi32>
    tpu.vector_store %arg5[%swap3A_566, %swap3A_567], %swap3A_570 {strides = array<i32>} : memref<16x128xi32, #tpu.memory_space<vmem>>, vector<1x16xi32>,
    %get3A_571 = arith.constant 5 : i32
    %get3A_572 = arith.index_cast %get3A_571 : i32 to index
    %get3A_573 = arith.constant 32 : index
    %get3A_574 = tpu.vector_load %arg5[%get3A_572, %get3A_573] {strides = array<i32>} : memref<16x128xi32, #tpu.memory_space<vmem>>, vector<1x16xi32>,
    %get3A_575 = vector.shape_cast %get3A_574 : vector<1x16xi32> to vector<16xi32>
    %add3A_576 = arith.addi %get3A_575, %mul3A_9 : vector<16xi32>
    %swap3A_577 = arith.constant 5 : i32
    %swap3A_578 = arith.index_cast %swap3A_577 : i32 to index
    %swap3A_579 = arith.constant 32 : index
    %swap3A_580 = tpu.vector_load %arg5[%swap3A_578, %swap3A_579] {strides = array<i32>} : memref<16x128xi32, #tpu.memory_space<vmem>>, vector<1x16xi32>,
    %swap3A_581 = vector.shape_cast %swap3A_580 : vector<1x16xi32> to vector<16xi32>
    %swap3A_582 = vector.shape_cast %add3A_576 : vector<16xi32> to vector<1x16xi32>
    tpu.vector_store %arg5[%swap3A_578, %swap3A_579], %swap3A_582 {strides = array<i32>} : memref<16x128xi32, #tpu.memory_space<vmem>>, vector<1x16xi32>,
    %get3A_583 = arith.constant 5 : i32
    %get3A_584 = arith.index_cast %get3A_583 : i32 to index
    %get3A_585 = arith.constant 48 : index
    %get3A_586 = tpu.vector_load %arg5[%get3A_584, %get3A_585] {strides = array<i32>} : memref<16x128xi32, #tpu.memory_space<vmem>>, vector<1x16xi32>,
    %get3A_587 = vector.shape_cast %get3A_586 : vector<1x16xi32> to vector<16xi32>
    %add3A_588 = arith.addi %get3A_587, %mul3A_9 : vector<16xi32>
    %swap3A_589 = arith.constant 5 : i32
    %swap3A_590 = arith.index_cast %swap3A_589 : i32 to index
    %swap3A_591 = arith.constant 48 : index
    %swap3A_592 = tpu.vector_load %arg5[%swap3A_590, %swap3A_591] {strides = array<i32>} : memref<16x128xi32, #tpu.memory_space<vmem>>, vector<1x16xi32>,
    %swap3A_593 = vector.shape_cast %swap3A_592 : vector<1x16xi32> to vector<16xi32>
    %swap3A_594 = vector.shape_cast %add3A_588 : vector<16xi32> to vector<1x16xi32>
    tpu.vector_store %arg5[%swap3A_590, %swap3A_591], %swap3A_594 {strides = array<i32>} : memref<16x128xi32, #tpu.memory_space<vmem>>, vector<1x16xi32>,
    %get3A_595 = arith.constant 5 : i32
    %get3A_596 = arith.index_cast %get3A_595 : i32 to index
    %get3A_597 = arith.constant 64 : index
    %get3A_598 = tpu.vector_load %arg5[%get3A_596, %get3A_597] {strides = array<i32>} : memref<16x128xi32, #tpu.memory_space<vmem>>, vector<1x16xi32>,
    %get3A_599 = vector.shape_cast %get3A_598 : vector<1x16xi32> to vector<16xi32>
    %add3A_600 = arith.addi %get3A_599, %mul3A_9 : vector<16xi32>
    %swap3A_601 = arith.constant 5 : i32
    %swap3A_602 = arith.index_cast %swap3A_601 : i32 to index
    %swap3A_603 = arith.constant 64 : index
    %swap3A_604 = tpu.vector_load %arg5[%swap3A_602, %swap3A_603] {strides = array<i32>} : memref<16x128xi32, #tpu.memory_space<vmem>>, vector<1x16xi32>,
    %swap3A_605 = vector.shape_cast %swap3A_604 : vector<1x16xi32> to vector<16xi32>
    %swap3A_606 = vector.shape_cast %add3A_600 : vector<16xi32> to vector<1x16xi32>
    tpu.vector_store %arg5[%swap3A_602, %swap3A_603], %swap3A_606 {strides = array<i32>} : memref<16x128xi32, #tpu.memory_space<vmem>>, vector<1x16xi32>,
    %get3A_607 = arith.constant 5 : i32
    %get3A_608 = arith.index_cast %get3A_607 : i32 to index
    %get3A_609 = arith.constant 80 : index
    %get3A_610 = tpu.vector_load %arg5[%get3A_608, %get3A_609] {strides = array<i32>} : memref<16x128xi32, #tpu.memory_space<vmem>>, vector<1x16xi32>,
    %get3A_611 = vector.shape_cast %get3A_610 : vector<1x16xi32> to vector<16xi32>
    %add3A_612 = arith.addi %get3A_611, %mul3A_9 : vector<16xi32>
    %swap3A_613 = arith.constant 5 : i32
    %swap3A_614 = arith.index_cast %swap3A_613 : i32 to index
    %swap3A_615 = arith.constant 80 : index
    %swap3A_616 = tpu.vector_load %arg5[%swap3A_614, %swap3A_615] {strides = array<i32>} : memref<16x128xi32, #tpu.memory_space<vmem>>, vector<1x16xi32>,
    %swap3A_617 = vector.shape_cast %swap3A_616 : vector<1x16xi32> to vector<16xi32>
    %swap3A_618 = vector.shape_cast %add3A_612 : vector<16xi32> to vector<1x16xi32>
    tpu.vector_store %arg5[%swap3A_614, %swap3A_615], %swap3A_618 {strides = array<i32>} : memref<16x128xi32, #tpu.memory_space<vmem>>, vector<1x16xi32>,
    %get3A_619 = arith.constant 5 : i32
    %get3A_620 = arith.index_cast %get3A_619 : i32 to index
    %get3A_621 = arith.constant 96 : index
    %get3A_622 = tpu.vector_load %arg5[%get3A_620, %get3A_621] {strides = array<i32>} : memref<16x128xi32, #tpu.memory_space<vmem>>, vector<1x16xi32>,
    %get3A_623 = vector.shape_cast %get3A_622 : vector<1x16xi32> to vector<16xi32>
    %add3A_624 = arith.addi %get3A_623, %mul3A_9 : vector<16xi32>
    %swap3A_625 = arith.constant 5 : i32
    %swap3A_626 = arith.index_cast %swap3A_625 : i32 to index
    %swap3A_627 = arith.constant 96 : index
    %swap3A_628 = tpu.vector_load %arg5[%swap3A_626, %swap3A_627] {strides = array<i32>} : memref<16x128xi32, #tpu.memory_space<vmem>>, vector<1x16xi32>,
    %swap3A_629 = vector.shape_cast %swap3A_628 : vector<1x16xi32> to vector<16xi32>
    %swap3A_630 = vector.shape_cast %add3A_624 : vector<16xi32> to vector<1x16xi32>
    tpu.vector_store %arg5[%swap3A_626, %swap3A_627], %swap3A_630 {strides = array<i32>} : memref<16x128xi32, #tpu.memory_space<vmem>>, vector<1x16xi32>,
    %get3A_631 = arith.constant 5 : i32
    %get3A_632 = arith.index_cast %get3A_631 : i32 to index
    %get3A_633 = arith.constant 112 : index
    %get3A_634 = tpu.vector_load %arg5[%get3A_632, %get3A_633] {strides = array<i32>} : memref<16x128xi32, #tpu.memory_space<vmem>>, vector<1x16xi32>,
    %get3A_635 = vector.shape_cast %get3A_634 : vector<1x16xi32> to vector<16xi32>
    %add3A_636 = arith.addi %get3A_635, %mul3A_9 : vector<16xi32>
    %swap3A_637 = arith.constant 5 : i32
    %swap3A_638 = arith.index_cast %swap3A_637 : i32 to index
    %swap3A_639 = arith.constant 112 : index
    %swap3A_640 = tpu.vector_load %arg5[%swap3A_638, %swap3A_639] {strides = array<i32>} : memref<16x128xi32, #tpu.memory_space<vmem>>, vector<1x16xi32>,
    %swap3A_641 = vector.shape_cast %swap3A_640 : vector<1x16xi32> to vector<16xi32>
    %swap3A_642 = vector.shape_cast %add3A_636 : vector<16xi32> to vector<1x16xi32>
    tpu.vector_store %arg5[%swap3A_638, %swap3A_639], %swap3A_642 {strides = array<i32>} : memref<16x128xi32, #tpu.memory_space<vmem>>, vector<1x16xi32>,
    %dma_start3A_643 = arith.constant 5 : i32
    %dma_start3A_644 = arith.constant 5 : i32
    %dma_start3A_645 = arith.constant 0 : i32
    %dma_start3A_646 = arith.constant 0 : i32
    %dma_start3A_647 = tpu.memref_slice %arg6[%dma_start3A_644, %dma_start3A_645, %dma_start3A_646] : memref<7x128x128xf32, #tpu.memory_space<vmem>> -> memref<1x128x128xf32, #tpu.memory_space<vmem>>
    %dma_start3A_648 = tpu.memref_squeeze %dma_start3A_647 : memref<1x128x128xf32, #tpu.memory_space<vmem>> -> memref<128x128xf32, #tpu.memory_space<vmem>>
    %dma_start3A_649 = arith.constant 0 : i32
    %dma_start3A_650 = tpu.memref_slice %arg5[%dma_start3A_643, %dma_start3A_649] : memref<16x128xi32, #tpu.memory_space<vmem>> -> memref<1x128xi32, #tpu.memory_space<vmem>>
    %dma_start3A_651 = tpu.memref_squeeze %dma_start3A_650 : memref<1x128xi32, #tpu.memory_space<vmem>> -> memref<128xi32, #tpu.memory_space<vmem>>
    %dma_start3A_652 = arith.constant 0 : i32
    %dma_start3A_653 = arith.constant 0 : i32
    %dma_start3A_654 = tpu.memref_slice %arg2[%dma_start3A_652, %dma_start3A_653] : memref<800000x128xf32, #tpu.memory_space<hbm>> -> memref<800000x128xf32, #tpu.memory_space<hbm>>
    tpu.enqueue_indirect_dma source(%dma_start3A_654 : memref<800000x128xf32, #tpu.memory_space<hbm>>) target(%dma_start3A_648 : memref<128x128xf32, #tpu.memory_space<vmem>>) offsets(%dma_start3A_651 : memref<128xi32, #tpu.memory_space<vmem>>) semaphore(%arg12 : memref<!tpu.dma_semaphore, #tpu.memory_space<semaphore_mem>>)
    %dma_wait3A = arith.constant 0 : i32
    %dma_wait3A_655 = arith.constant 0 : i32
    %dma_wait3A_656 = arith.constant 0 : i32
    %dma_wait3A_657 = arith.constant 0 : i32
    %dma_wait3A_658 = tpu.memref_slice %arg6[%dma_wait3A_655, %dma_wait3A_656, %dma_wait3A_657] : memref<7x128x128xf32, #tpu.memory_space<vmem>> -> memref<1x128x128xf32, #tpu.memory_space<vmem>>
    %dma_wait3A_659 = tpu.memref_squeeze %dma_wait3A_658 : memref<1x128x128xf32, #tpu.memory_space<vmem>> -> memref<128x128xf32, #tpu.memory_space<vmem>>
    %dma_wait3A_660 = arith.constant 0 : i32
    %dma_wait3A_661 = tpu.memref_slice %arg5[%dma_wait3A, %dma_wait3A_660] : memref<16x128xi32, #tpu.memory_space<vmem>> -> memref<1x128xi32, #tpu.memory_space<vmem>>
    %dma_wait3A_662 = tpu.memref_squeeze %dma_wait3A_661 : memref<1x128xi32, #tpu.memory_space<vmem>> -> memref<128xi32, #tpu.memory_space<vmem>>
    %dma_wait3A_663 = arith.constant 0 : i32
    %dma_wait3A_664 = arith.constant 0 : i32
    %dma_wait3A_665 = tpu.memref_slice %arg2[%dma_wait3A_663, %dma_wait3A_664] : memref<800000x128xf32, #tpu.memory_space<hbm>> -> memref<800000x128xf32, #tpu.memory_space<hbm>>
    tpu.wait_indirect_dma semaphore(%arg7 : memref<!tpu.dma_semaphore, #tpu.memory_space<semaphore_mem>>) src(%dma_wait3A_665 : memref<800000x128xf32, #tpu.memory_space<hbm>>) dst(%dma_wait3A_659 : memref<128x128xf32, #tpu.memory_space<vmem>>)
    %add3A_666 = arith.constant 0 : i32
    %add3A_667 = arith.addi %mul3A_2, %add3A_666 : i32
    %dma_start3A_668 = arith.constant 0 : i32
    %dma_start3A_669 = arith.constant 0 : i32
    %dma_start3A_670 = arith.constant 0 : i32
    %dma_start3A_671 = tpu.memref_slice %arg6[%dma_start3A_668, %dma_start3A_669, %dma_start3A_670] : memref<7x128x128xf32, #tpu.memory_space<vmem>> -> memref<1x128x128xf32, #tpu.memory_space<vmem>>
    %dma_start3A_672 = tpu.memref_squeeze %dma_start3A_671 : memref<1x128x128xf32, #tpu.memory_space<vmem>> -> memref<128x128xf32, #tpu.memory_space<vmem>>
    %dma_start3A_673 = tpu.memref_reshape %arg4 : memref<4x2048x8x128xf32, #tpu.memory_space<hbm>> -> memref<65536x128xf32, #tpu.memory_space<hbm>>
    %dma_start3A_674 = arith.constant 0 : i32
    %dma_start3A_675 = tpu.memref_slice %dma_start3A_673[%add3A_667, %dma_start3A_674] : memref<65536x128xf32, #tpu.memory_space<hbm>> -> memref<128x128xf32, #tpu.memory_space<hbm>>
    %dma_start3A_676 = tpu.memref_reshape %arg4 : memref<4x2048x8x128xf32, #tpu.memory_space<hbm>> -> memref<65536x128xf32, #tpu.memory_space<hbm>>
    %dma_start3A_677 = arith.constant 0 : i32
    %dma_start3A_678 = tpu.memref_slice %dma_start3A_676[%add3A_667, %dma_start3A_677] : memref<65536x128xf32, #tpu.memory_space<hbm>> -> memref<128x128xf32, #tpu.memory_space<hbm>>
    %dma_start3A_679 = arith.constant 0 : i32
    %dma_start3A_680 = arith.constant 0 : i32
    %dma_start3A_681 = tpu.memref_slice %arg6[%dma_start3A_668, %dma_start3A_679, %dma_start3A_680] : memref<7x128x128xf32, #tpu.memory_space<vmem>> -> memref<1x128x128xf32, #tpu.memory_space<vmem>>
    %dma_start3A_682 = tpu.memref_squeeze %dma_start3A_681 : memref<1x128x128xf32, #tpu.memory_space<vmem>> -> memref<128x128xf32, #tpu.memory_space<vmem>>
    tpu.enqueue_dma source(%dma_start3A_682 : memref<128x128xf32, #tpu.memory_space<vmem>>) target(%dma_start3A_678 : memref<128x128xf32, #tpu.memory_space<hbm>>) target_semaphore(%arg7 : memref<!tpu.dma_semaphore, #tpu.memory_space<semaphore_mem>>)
    %get3A_683 = arith.constant 6 : i32
    %get3A_684 = arith.index_cast %get3A_683 : i32 to index
    %get3A_685 = arith.constant 0 : index
    %get3A_686 = tpu.vector_load %arg5[%get3A_684, %get3A_685] {strides = array<i32>} : memref<16x128xi32, #tpu.memory_space<vmem>>, vector<1x16xi32>,
    %get3A_687 = vector.shape_cast %get3A_686 : vector<1x16xi32> to vector<16xi32>
    %add3A_688 = arith.addi %get3A_687, %mul3A_9 : vector<16xi32>
    %swap3A_689 = arith.constant 6 : i32
    %swap3A_690 = arith.index_cast %swap3A_689 : i32 to index
    %swap3A_691 = arith.constant 0 : index
    %swap3A_692 = tpu.vector_load %arg5[%swap3A_690, %swap3A_691] {strides = array<i32>} : memref<16x128xi32, #tpu.memory_space<vmem>>, vector<1x16xi32>,
    %swap3A_693 = vector.shape_cast %swap3A_692 : vector<1x16xi32> to vector<16xi32>
    %swap3A_694 = vector.shape_cast %add3A_688 : vector<16xi32> to vector<1x16xi32>
    tpu.vector_store %arg5[%swap3A_690, %swap3A_691], %swap3A_694 {strides = array<i32>} : memref<16x128xi32, #tpu.memory_space<vmem>>, vector<1x16xi32>,
    %get3A_695 = arith.constant 6 : i32
    %get3A_696 = arith.index_cast %get3A_695 : i32 to index
    %get3A_697 = arith.constant 16 : index
    %get3A_698 = tpu.vector_load %arg5[%get3A_696, %get3A_697] {strides = array<i32>} : memref<16x128xi32, #tpu.memory_space<vmem>>, vector<1x16xi32>,
    %get3A_699 = vector.shape_cast %get3A_698 : vector<1x16xi32> to vector<16xi32>
    %add3A_700 = arith.addi %get3A_699, %mul3A_9 : vector<16xi32>
    %swap3A_701 = arith.constant 6 : i32
    %swap3A_702 = arith.index_cast %swap3A_701 : i32 to index
    %swap3A_703 = arith.constant 16 : index
    %swap3A_704 = tpu.vector_load %arg5[%swap3A_702, %swap3A_703] {strides = array<i32>} : memref<16x128xi32, #tpu.memory_space<vmem>>, vector<1x16xi32>,
    %swap3A_705 = vector.shape_cast %swap3A_704 : vector<1x16xi32> to vector<16xi32>
    %swap3A_706 = vector.shape_cast %add3A_700 : vector<16xi32> to vector<1x16xi32>
    tpu.vector_store %arg5[%swap3A_702, %swap3A_703], %swap3A_706 {strides = array<i32>} : memref<16x128xi32, #tpu.memory_space<vmem>>, vector<1x16xi32>,
    %get3A_707 = arith.constant 6 : i32
    %get3A_708 = arith.index_cast %get3A_707 : i32 to index
    %get3A_709 = arith.constant 32 : index
    %get3A_710 = tpu.vector_load %arg5[%get3A_708, %get3A_709] {strides = array<i32>} : memref<16x128xi32, #tpu.memory_space<vmem>>, vector<1x16xi32>,
    %get3A_711 = vector.shape_cast %get3A_710 : vector<1x16xi32> to vector<16xi32>
    %add3A_712 = arith.addi %get3A_711, %mul3A_9 : vector<16xi32>
    %swap3A_713 = arith.constant 6 : i32
    %swap3A_714 = arith.index_cast %swap3A_713 : i32 to index
    %swap3A_715 = arith.constant 32 : index
    %swap3A_716 = tpu.vector_load %arg5[%swap3A_714, %swap3A_715] {strides = array<i32>} : memref<16x128xi32, #tpu.memory_space<vmem>>, vector<1x16xi32>,
    %swap3A_717 = vector.shape_cast %swap3A_716 : vector<1x16xi32> to vector<16xi32>
    %swap3A_718 = vector.shape_cast %add3A_712 : vector<16xi32> to vector<1x16xi32>
    tpu.vector_store %arg5[%swap3A_714, %swap3A_715], %swap3A_718 {strides = array<i32>} : memref<16x128xi32, #tpu.memory_space<vmem>>, vector<1x16xi32>,
    %get3A_719 = arith.constant 6 : i32
    %get3A_720 = arith.index_cast %get3A_719 : i32 to index
    %get3A_721 = arith.constant 48 : index
    %get3A_722 = tpu.vector_load %arg5[%get3A_720, %get3A_721] {strides = array<i32>} : memref<16x128xi32, #tpu.memory_space<vmem>>, vector<1x16xi32>,
    %get3A_723 = vector.shape_cast %get3A_722 : vector<1x16xi32> to vector<16xi32>
    %add3A_724 = arith.addi %get3A_723, %mul3A_9 : vector<16xi32>
    %swap3A_725 = arith.constant 6 : i32
    %swap3A_726 = arith.index_cast %swap3A_725 : i32 to index
    %swap3A_727 = arith.constant 48 : index
    %swap3A_728 = tpu.vector_load %arg5[%swap3A_726, %swap3A_727] {strides = array<i32>} : memref<16x128xi32, #tpu.memory_space<vmem>>, vector<1x16xi32>,
    %swap3A_729 = vector.shape_cast %swap3A_728 : vector<1x16xi32> to vector<16xi32>
    %swap3A_730 = vector.shape_cast %add3A_724 : vector<16xi32> to vector<1x16xi32>
    tpu.vector_store %arg5[%swap3A_726, %swap3A_727], %swap3A_730 {strides = array<i32>} : memref<16x128xi32, #tpu.memory_space<vmem>>, vector<1x16xi32>,
    %get3A_731 = arith.constant 6 : i32
    %get3A_732 = arith.index_cast %get3A_731 : i32 to index
    %get3A_733 = arith.constant 64 : index
    %get3A_734 = tpu.vector_load %arg5[%get3A_732, %get3A_733] {strides = array<i32>} : memref<16x128xi32, #tpu.memory_space<vmem>>, vector<1x16xi32>,
    %get3A_735 = vector.shape_cast %get3A_734 : vector<1x16xi32> to vector<16xi32>
    %add3A_736 = arith.addi %get3A_735, %mul3A_9 : vector<16xi32>
    %swap3A_737 = arith.constant 6 : i32
    %swap3A_738 = arith.index_cast %swap3A_737 : i32 to index
    %swap3A_739 = arith.constant 64 : index
    %swap3A_740 = tpu.vector_load %arg5[%swap3A_738, %swap3A_739] {strides = array<i32>} : memref<16x128xi32, #tpu.memory_space<vmem>>, vector<1x16xi32>,
    %swap3A_741 = vector.shape_cast %swap3A_740 : vector<1x16xi32> to vector<16xi32>
    %swap3A_742 = vector.shape_cast %add3A_736 : vector<16xi32> to vector<1x16xi32>
    tpu.vector_store %arg5[%swap3A_738, %swap3A_739], %swap3A_742 {strides = array<i32>} : memref<16x128xi32, #tpu.memory_space<vmem>>, vector<1x16xi32>,
    %get3A_743 = arith.constant 6 : i32
    %get3A_744 = arith.index_cast %get3A_743 : i32 to index
    %get3A_745 = arith.constant 80 : index
    %get3A_746 = tpu.vector_load %arg5[%get3A_744, %get3A_745] {strides = array<i32>} : memref<16x128xi32, #tpu.memory_space<vmem>>, vector<1x16xi32>,
    %get3A_747 = vector.shape_cast %get3A_746 : vector<1x16xi32> to vector<16xi32>
    %add3A_748 = arith.addi %get3A_747, %mul3A_9 : vector<16xi32>
    %swap3A_749 = arith.constant 6 : i32
    %swap3A_750 = arith.index_cast %swap3A_749 : i32 to index
    %swap3A_751 = arith.constant 80 : index
    %swap3A_752 = tpu.vector_load %arg5[%swap3A_750, %swap3A_751] {strides = array<i32>} : memref<16x128xi32, #tpu.memory_space<vmem>>, vector<1x16xi32>,
    %swap3A_753 = vector.shape_cast %swap3A_752 : vector<1x16xi32> to vector<16xi32>
    %swap3A_754 = vector.shape_cast %add3A_748 : vector<16xi32> to vector<1x16xi32>
    tpu.vector_store %arg5[%swap3A_750, %swap3A_751], %swap3A_754 {strides = array<i32>} : memref<16x128xi32, #tpu.memory_space<vmem>>, vector<1x16xi32>,
    %get3A_755 = arith.constant 6 : i32
    %get3A_756 = arith.index_cast %get3A_755 : i32 to index
    %get3A_757 = arith.constant 96 : index
    %get3A_758 = tpu.vector_load %arg5[%get3A_756, %get3A_757] {strides = array<i32>} : memref<16x128xi32, #tpu.memory_space<vmem>>, vector<1x16xi32>,
    %get3A_759 = vector.shape_cast %get3A_758 : vector<1x16xi32> to vector<16xi32>
    %add3A_760 = arith.addi %get3A_759, %mul3A_9 : vector<16xi32>
    %swap3A_761 = arith.constant 6 : i32
    %swap3A_762 = arith.index_cast %swap3A_761 : i32 to index
    %swap3A_763 = arith.constant 96 : index
    %swap3A_764 = tpu.vector_load %arg5[%swap3A_762, %swap3A_763] {strides = array<i32>} : memref<16x128xi32, #tpu.memory_space<vmem>>, vector<1x16xi32>,
    %swap3A_765 = vector.shape_cast %swap3A_764 : vector<1x16xi32> to vector<16xi32>
    %swap3A_766 = vector.shape_cast %add3A_760 : vector<16xi32> to vector<1x16xi32>
    tpu.vector_store %arg5[%swap3A_762, %swap3A_763], %swap3A_766 {strides = array<i32>} : memref<16x128xi32, #tpu.memory_space<vmem>>, vector<1x16xi32>,
    %get3A_767 = arith.constant 6 : i32
    %get3A_768 = arith.index_cast %get3A_767 : i32 to index
    %get3A_769 = arith.constant 112 : index
    %get3A_770 = tpu.vector_load %arg5[%get3A_768, %get3A_769] {strides = array<i32>} : memref<16x128xi32, #tpu.memory_space<vmem>>, vector<1x16xi32>,
    %get3A_771 = vector.shape_cast %get3A_770 : vector<1x16xi32> to vector<16xi32>
    %add3A_772 = arith.addi %get3A_771, %mul3A_9 : vector<16xi32>
    %swap3A_773 = arith.constant 6 : i32
    %swap3A_774 = arith.index_cast %swap3A_773 : i32 to index
    %swap3A_775 = arith.constant 112 : index
    %swap3A_776 = tpu.vector_load %arg5[%swap3A_774, %swap3A_775] {strides = array<i32>} : memref<16x128xi32, #tpu.memory_space<vmem>>, vector<1x16xi32>,
    %swap3A_777 = vector.shape_cast %swap3A_776 : vector<1x16xi32> to vector<16xi32>
    %swap3A_778 = vector.shape_cast %add3A_772 : vector<16xi32> to vector<1x16xi32>
    tpu.vector_store %arg5[%swap3A_774, %swap3A_775], %swap3A_778 {strides = array<i32>} : memref<16x128xi32, #tpu.memory_space<vmem>>, vector<1x16xi32>,
    %dma_start3A_779 = arith.constant 6 : i32
    %dma_start3A_780 = arith.constant 6 : i32
    %dma_start3A_781 = arith.constant 0 : i32
    %dma_start3A_782 = arith.constant 0 : i32
    %dma_start3A_783 = tpu.memref_slice %arg6[%dma_start3A_780, %dma_start3A_781, %dma_start3A_782] : memref<7x128x128xf32, #tpu.memory_space<vmem>> -> memref<1x128x128xf32, #tpu.memory_space<vmem>>
    %dma_start3A_784 = tpu.memref_squeeze %dma_start3A_783 : memref<1x128x128xf32, #tpu.memory_space<vmem>> -> memref<128x128xf32, #tpu.memory_space<vmem>>
    %dma_start3A_785 = arith.constant 0 : i32
    %dma_start3A_786 = tpu.memref_slice %arg5[%dma_start3A_779, %dma_start3A_785] : memref<16x128xi32, #tpu.memory_space<vmem>> -> memref<1x128xi32, #tpu.memory_space<vmem>>
    %dma_start3A_787 = tpu.memref_squeeze %dma_start3A_786 : memref<1x128xi32, #tpu.memory_space<vmem>> -> memref<128xi32, #tpu.memory_space<vmem>>
    %dma_start3A_788 = arith.constant 0 : i32
    %dma_start3A_789 = arith.constant 0 : i32
    %dma_start3A_790 = tpu.memref_slice %arg2[%dma_start3A_788, %dma_start3A_789] : memref<800000x128xf32, #tpu.memory_space<hbm>> -> memref<800000x128xf32, #tpu.memory_space<hbm>>
    tpu.enqueue_indirect_dma source(%dma_start3A_790 : memref<800000x128xf32, #tpu.memory_space<hbm>>) target(%dma_start3A_784 : memref<128x128xf32, #tpu.memory_space<vmem>>) offsets(%dma_start3A_787 : memref<128xi32, #tpu.memory_space<vmem>>) semaphore(%arg13 : memref<!tpu.dma_semaphore, #tpu.memory_space<semaphore_mem>>)
    %dma_wait3A_791 = arith.constant 1 : i32
    %dma_wait3A_792 = arith.constant 1 : i32
    %dma_wait3A_793 = arith.constant 0 : i32
    %dma_wait3A_794 = arith.constant 0 : i32
    %dma_wait3A_795 = tpu.memref_slice %arg6[%dma_wait3A_792, %dma_wait3A_793, %dma_wait3A_794] : memref<7x128x128xf32, #tpu.memory_space<vmem>> -> memref<1x128x128xf32, #tpu.memory_space<vmem>>
    %dma_wait3A_796 = tpu.memref_squeeze %dma_wait3A_795 : memref<1x128x128xf32, #tpu.memory_space<vmem>> -> memref<128x128xf32, #tpu.memory_space<vmem>>
    %dma_wait3A_797 = arith.constant 0 : i32
    %dma_wait3A_798 = tpu.memref_slice %arg5[%dma_wait3A_791, %dma_wait3A_797] : memref<16x128xi32, #tpu.memory_space<vmem>> -> memref<1x128xi32, #tpu.memory_space<vmem>>
    %dma_wait3A_799 = tpu.memref_squeeze %dma_wait3A_798 : memref<1x128xi32, #tpu.memory_space<vmem>> -> memref<128xi32, #tpu.memory_space<vmem>>
    %dma_wait3A_800 = arith.constant 0 : i32
    %dma_wait3A_801 = arith.constant 0 : i32
    %dma_wait3A_802 = tpu.memref_slice %arg2[%dma_wait3A_800, %dma_wait3A_801] : memref<800000x128xf32, #tpu.memory_space<hbm>> -> memref<800000x128xf32, #tpu.memory_space<hbm>>
    tpu.wait_indirect_dma semaphore(%arg8 : memref<!tpu.dma_semaphore, #tpu.memory_space<semaphore_mem>>) src(%dma_wait3A_802 : memref<800000x128xf32, #tpu.memory_space<hbm>>) dst(%dma_wait3A_796 : memref<128x128xf32, #tpu.memory_space<vmem>>)
    %add3A_803 = arith.constant 128 : i32
    %add3A_804 = arith.addi %mul3A_2, %add3A_803 : i32
    %dma_start3A_805 = arith.constant 1 : i32
    %dma_start3A_806 = arith.constant 0 : i32
    %dma_start3A_807 = arith.constant 0 : i32
    %dma_start3A_808 = tpu.memref_slice %arg6[%dma_start3A_805, %dma_start3A_806, %dma_start3A_807] : memref<7x128x128xf32, #tpu.memory_space<vmem>> -> memref<1x128x128xf32, #tpu.memory_space<vmem>>
    %dma_start3A_809 = tpu.memref_squeeze %dma_start3A_808 : memref<1x128x128xf32, #tpu.memory_space<vmem>> -> memref<128x128xf32, #tpu.memory_space<vmem>>
    %dma_start3A_810 = tpu.memref_reshape %arg4 : memref<4x2048x8x128xf32, #tpu.memory_space<hbm>> -> memref<65536x128xf32, #tpu.memory_space<hbm>>
    %dma_start3A_811 = arith.constant 0 : i32
    %dma_start3A_812 = tpu.memref_slice %dma_start3A_810[%add3A_804, %dma_start3A_811] : memref<65536x128xf32, #tpu.memory_space<hbm>> -> memref<128x128xf32, #tpu.memory_space<hbm>>
    %dma_start3A_813 = tpu.memref_reshape %arg4 : memref<4x2048x8x128xf32, #tpu.memory_space<hbm>> -> memref<65536x128xf32, #tpu.memory_space<hbm>>
    %dma_start3A_814 = arith.constant 0 : i32
    %dma_start3A_815 = tpu.memref_slice %dma_start3A_813[%add3A_804, %dma_start3A_814] : memref<65536x128xf32, #tpu.memory_space<hbm>> -> memref<128x128xf32, #tpu.memory_space<hbm>>
    %dma_start3A_816 = arith.constant 0 : i32
    %dma_start3A_817 = arith.constant 0 : i32
    %dma_start3A_818 = tpu.memref_slice %arg6[%dma_start3A_805, %dma_start3A_816, %dma_start3A_817] : memref<7x128x128xf32, #tpu.memory_space<vmem>> -> memref<1x128x128xf32, #tpu.memory_space<vmem>>
    %dma_start3A_819 = tpu.memref_squeeze %dma_start3A_818 : memref<1x128x128xf32, #tpu.memory_space<vmem>> -> memref<128x128xf32, #tpu.memory_space<vmem>>
    tpu.enqueue_dma source(%dma_start3A_819 : memref<128x128xf32, #tpu.memory_space<vmem>>) target(%dma_start3A_815 : memref<128x128xf32, #tpu.memory_space<hbm>>) target_semaphore(%arg8 : memref<!tpu.dma_semaphore, #tpu.memory_space<semaphore_mem>>)
    %dma_wait3A_820 = arith.constant 0 : i32
    %dma_wait3A_821 = arith.constant 0 : i32
    %dma_wait3A_822 = arith.constant 0 : i32
    %dma_wait3A_823 = tpu.memref_slice %arg6[%dma_wait3A_820, %dma_wait3A_821, %dma_wait3A_822] : memref<7x128x128xf32, #tpu.memory_space<vmem>> -> memref<1x128x128xf32, #tpu.memory_space<vmem>>
    %dma_wait3A_824 = tpu.memref_squeeze %dma_wait3A_823 : memref<1x128x128xf32, #tpu.memory_space<vmem>> -> memref<128x128xf32, #tpu.memory_space<vmem>>
    %dma_wait3A_825 = tpu.memref_reshape %arg4 : memref<4x2048x8x128xf32, #tpu.memory_space<hbm>> -> memref<65536x128xf32, #tpu.memory_space<hbm>>
    %dma_wait3A_826 = arith.constant 0 : i32
    %dma_wait3A_827 = tpu.memref_slice %dma_wait3A_825[%add3A_667, %dma_wait3A_826] : memref<65536x128xf32, #tpu.memory_space<hbm>> -> memref<128x128xf32, #tpu.memory_space<hbm>>
    %dma_wait3A_828 = tpu.memref_reshape %arg4 : memref<4x2048x8x128xf32, #tpu.memory_space<hbm>> -> memref<65536x128xf32, #tpu.memory_space<hbm>>
    %dma_wait3A_829 = arith.constant 0 : i32
    %dma_wait3A_830 = tpu.memref_slice %dma_wait3A_828[%add3A_667, %dma_wait3A_829] : memref<65536x128xf32, #tpu.memory_space<hbm>> -> memref<128x128xf32, #tpu.memory_space<hbm>>
    %dma_wait3A_831 = arith.constant 0 : i32
    %dma_wait3A_832 = arith.constant 0 : i32
    %dma_wait3A_833 = tpu.memref_slice %arg6[%dma_wait3A_820, %dma_wait3A_831, %dma_wait3A_832] : memref<7x128x128xf32, #tpu.memory_space<vmem>> -> memref<1x128x128xf32, #tpu.memory_space<vmem>>
    %dma_wait3A_834 = tpu.memref_squeeze %dma_wait3A_833 : memref<1x128x128xf32, #tpu.memory_space<vmem>> -> memref<128x128xf32, #tpu.memory_space<vmem>>
    tpu.wait_dma2 semaphore(%arg7 : memref<!tpu.dma_semaphore, #tpu.memory_space<semaphore_mem>>) src(%dma_wait3A_834 : memref<128x128xf32, #tpu.memory_space<vmem>>) dst(%dma_wait3A_830 : memref<128x128xf32, #tpu.memory_space<hbm>>)
    %get3A_835 = arith.constant 7 : i32
    %get3A_836 = arith.index_cast %get3A_835 : i32 to index
    %get3A_837 = arith.constant 0 : index
    %get3A_838 = tpu.vector_load %arg5[%get3A_836, %get3A_837] {strides = array<i32>} : memref<16x128xi32, #tpu.memory_space<vmem>>, vector<1x16xi32>,
    %get3A_839 = vector.shape_cast %get3A_838 : vector<1x16xi32> to vector<16xi32>
    %add3A_840 = arith.addi %get3A_839, %mul3A_9 : vector<16xi32>
    %swap3A_841 = arith.constant 7 : i32
    %swap3A_842 = arith.index_cast %swap3A_841 : i32 to index
    %swap3A_843 = arith.constant 0 : index
    %swap3A_844 = tpu.vector_load %arg5[%swap3A_842, %swap3A_843] {strides = array<i32>} : memref<16x128xi32, #tpu.memory_space<vmem>>, vector<1x16xi32>,
    %swap3A_845 = vector.shape_cast %swap3A_844 : vector<1x16xi32> to vector<16xi32>
    %swap3A_846 = vector.shape_cast %add3A_840 : vector<16xi32> to vector<1x16xi32>
    tpu.vector_store %arg5[%swap3A_842, %swap3A_843], %swap3A_846 {strides = array<i32>} : memref<16x128xi32, #tpu.memory_space<vmem>>, vector<1x16xi32>,
    %get3A_847 = arith.constant 7 : i32
    %get3A_848 = arith.index_cast %get3A_847 : i32 to index
    %get3A_849 = arith.constant 16 : index
    %get3A_850 = tpu.vector_load %arg5[%get3A_848, %get3A_849] {strides = array<i32>} : memref<16x128xi32, #tpu.memory_space<vmem>>, vector<1x16xi32>,
    %get3A_851 = vector.shape_cast %get3A_850 : vector<1x16xi32> to vector<16xi32>
    %add3A_852 = arith.addi %get3A_851, %mul3A_9 : vector<16xi32>
    %swap3A_853 = arith.constant 7 : i32
    %swap3A_854 = arith.index_cast %swap3A_853 : i32 to index
    %swap3A_855 = arith.constant 16 : index
    %swap3A_856 = tpu.vector_load %arg5[%swap3A_854, %swap3A_855] {strides = array<i32>} : memref<16x128xi32, #tpu.memory_space<vmem>>, vector<1x16xi32>,
    %swap3A_857 = vector.shape_cast %swap3A_856 : vector<1x16xi32> to vector<16xi32>
    %swap3A_858 = vector.shape_cast %add3A_852 : vector<16xi32> to vector<1x16xi32>
    tpu.vector_store %arg5[%swap3A_854, %swap3A_855], %swap3A_858 {strides = array<i32>} : memref<16x128xi32, #tpu.memory_space<vmem>>, vector<1x16xi32>,
    %get3A_859 = arith.constant 7 : i32
    %get3A_860 = arith.index_cast %get3A_859 : i32 to index
    %get3A_861 = arith.constant 32 : index
    %get3A_862 = tpu.vector_load %arg5[%get3A_860, %get3A_861] {strides = array<i32>} : memref<16x128xi32, #tpu.memory_space<vmem>>, vector<1x16xi32>,
    %get3A_863 = vector.shape_cast %get3A_862 : vector<1x16xi32> to vector<16xi32>
    %add3A_864 = arith.addi %get3A_863, %mul3A_9 : vector<16xi32>
    %swap3A_865 = arith.constant 7 : i32
    %swap3A_866 = arith.index_cast %swap3A_865 : i32 to index
    %swap3A_867 = arith.constant 32 : index
    %swap3A_868 = tpu.vector_load %arg5[%swap3A_866, %swap3A_867] {strides = array<i32>} : memref<16x128xi32, #tpu.memory_space<vmem>>, vector<1x16xi32>,
    %swap3A_869 = vector.shape_cast %swap3A_868 : vector<1x16xi32> to vector<16xi32>
    %swap3A_870 = vector.shape_cast %add3A_864 : vector<16xi32> to vector<1x16xi32>
    tpu.vector_store %arg5[%swap3A_866, %swap3A_867], %swap3A_870 {strides = array<i32>} : memref<16x128xi32, #tpu.memory_space<vmem>>, vector<1x16xi32>,
    %get3A_871 = arith.constant 7 : i32
    %get3A_872 = arith.index_cast %get3A_871 : i32 to index
    %get3A_873 = arith.constant 48 : index
    %get3A_874 = tpu.vector_load %arg5[%get3A_872, %get3A_873] {strides = array<i32>} : memref<16x128xi32, #tpu.memory_space<vmem>>, vector<1x16xi32>,
    %get3A_875 = vector.shape_cast %get3A_874 : vector<1x16xi32> to vector<16xi32>
    %add3A_876 = arith.addi %get3A_875, %mul3A_9 : vector<16xi32>
    %swap3A_877 = arith.constant 7 : i32
    %swap3A_878 = arith.index_cast %swap3A_877 : i32 to index
    %swap3A_879 = arith.constant 48 : index
    %swap3A_880 = tpu.vector_load %arg5[%swap3A_878, %swap3A_879] {strides = array<i32>} : memref<16x128xi32, #tpu.memory_space<vmem>>, vector<1x16xi32>,
    %swap3A_881 = vector.shape_cast %swap3A_880 : vector<1x16xi32> to vector<16xi32>
    %swap3A_882 = vector.shape_cast %add3A_876 : vector<16xi32> to vector<1x16xi32>
    tpu.vector_store %arg5[%swap3A_878, %swap3A_879], %swap3A_882 {strides = array<i32>} : memref<16x128xi32, #tpu.memory_space<vmem>>, vector<1x16xi32>,
    %get3A_883 = arith.constant 7 : i32
    %get3A_884 = arith.index_cast %get3A_883 : i32 to index
    %get3A_885 = arith.constant 64 : index
    %get3A_886 = tpu.vector_load %arg5[%get3A_884, %get3A_885] {strides = array<i32>} : memref<16x128xi32, #tpu.memory_space<vmem>>, vector<1x16xi32>,
    %get3A_887 = vector.shape_cast %get3A_886 : vector<1x16xi32> to vector<16xi32>
    %add3A_888 = arith.addi %get3A_887, %mul3A_9 : vector<16xi32>
    %swap3A_889 = arith.constant 7 : i32
    %swap3A_890 = arith.index_cast %swap3A_889 : i32 to index
    %swap3A_891 = arith.constant 64 : index
    %swap3A_892 = tpu.vector_load %arg5[%swap3A_890, %swap3A_891] {strides = array<i32>} : memref<16x128xi32, #tpu.memory_space<vmem>>, vector<1x16xi32>,
    %swap3A_893 = vector.shape_cast %swap3A_892 : vector<1x16xi32> to vector<16xi32>
    %swap3A_894 = vector.shape_cast %add3A_888 : vector<16xi32> to vector<1x16xi32>
    tpu.vector_store %arg5[%swap3A_890, %swap3A_891], %swap3A_894 {strides = array<i32>} : memref<16x128xi32, #tpu.memory_space<vmem>>, vector<1x16xi32>,
    %get3A_895 = arith.constant 7 : i32
    %get3A_896 = arith.index_cast %get3A_895 : i32 to index
    %get3A_897 = arith.constant 80 : index
    %get3A_898 = tpu.vector_load %arg5[%get3A_896, %get3A_897] {strides = array<i32>} : memref<16x128xi32, #tpu.memory_space<vmem>>, vector<1x16xi32>,
    %get3A_899 = vector.shape_cast %get3A_898 : vector<1x16xi32> to vector<16xi32>
    %add3A_900 = arith.addi %get3A_899, %mul3A_9 : vector<16xi32>
    %swap3A_901 = arith.constant 7 : i32
    %swap3A_902 = arith.index_cast %swap3A_901 : i32 to index
    %swap3A_903 = arith.constant 80 : index
    %swap3A_904 = tpu.vector_load %arg5[%swap3A_902, %swap3A_903] {strides = array<i32>} : memref<16x128xi32, #tpu.memory_space<vmem>>, vector<1x16xi32>,
    %swap3A_905 = vector.shape_cast %swap3A_904 : vector<1x16xi32> to vector<16xi32>
    %swap3A_906 = vector.shape_cast %add3A_900 : vector<16xi32> to vector<1x16xi32>
    tpu.vector_store %arg5[%swap3A_902, %swap3A_903], %swap3A_906 {strides = array<i32>} : memref<16x128xi32, #tpu.memory_space<vmem>>, vector<1x16xi32>,
    %get3A_907 = arith.constant 7 : i32
    %get3A_908 = arith.index_cast %get3A_907 : i32 to index
    %get3A_909 = arith.constant 96 : index
    %get3A_910 = tpu.vector_load %arg5[%get3A_908, %get3A_909] {strides = array<i32>} : memref<16x128xi32, #tpu.memory_space<vmem>>, vector<1x16xi32>,
    %get3A_911 = vector.shape_cast %get3A_910 : vector<1x16xi32> to vector<16xi32>
    %add3A_912 = arith.addi %get3A_911, %mul3A_9 : vector<16xi32>
    %swap3A_913 = arith.constant 7 : i32
    %swap3A_914 = arith.index_cast %swap3A_913 : i32 to index
    %swap3A_915 = arith.constant 96 : index
    %swap3A_916 = tpu.vector_load %arg5[%swap3A_914, %swap3A_915] {strides = array<i32>} : memref<16x128xi32, #tpu.memory_space<vmem>>, vector<1x16xi32>,
    %swap3A_917 = vector.shape_cast %swap3A_916 : vector<1x16xi32> to vector<16xi32>
    %swap3A_918 = vector.shape_cast %add3A_912 : vector<16xi32> to vector<1x16xi32>
    tpu.vector_store %arg5[%swap3A_914, %swap3A_915], %swap3A_918 {strides = array<i32>} : memref<16x128xi32, #tpu.memory_space<vmem>>, vector<1x16xi32>,
    %get3A_919 = arith.constant 7 : i32
    %get3A_920 = arith.index_cast %get3A_919 : i32 to index
    %get3A_921 = arith.constant 112 : index
    %get3A_922 = tpu.vector_load %arg5[%get3A_920, %get3A_921] {strides = array<i32>} : memref<16x128xi32, #tpu.memory_space<vmem>>, vector<1x16xi32>,
    %get3A_923 = vector.shape_cast %get3A_922 : vector<1x16xi32> to vector<16xi32>
    %add3A_924 = arith.addi %get3A_923, %mul3A_9 : vector<16xi32>
    %swap3A_925 = arith.constant 7 : i32
    %swap3A_926 = arith.index_cast %swap3A_925 : i32 to index
    %swap3A_927 = arith.constant 112 : index
    %swap3A_928 = tpu.vector_load %arg5[%swap3A_926, %swap3A_927] {strides = array<i32>} : memref<16x128xi32, #tpu.memory_space<vmem>>, vector<1x16xi32>,
    %swap3A_929 = vector.shape_cast %swap3A_928 : vector<1x16xi32> to vector<16xi32>
    %swap3A_930 = vector.shape_cast %add3A_924 : vector<16xi32> to vector<1x16xi32>
    tpu.vector_store %arg5[%swap3A_926, %swap3A_927], %swap3A_930 {strides = array<i32>} : memref<16x128xi32, #tpu.memory_space<vmem>>, vector<1x16xi32>,
    %dma_start3A_931 = arith.constant 7 : i32
    %dma_start3A_932 = arith.constant 0 : i32
    %dma_start3A_933 = arith.constant 0 : i32
    %dma_start3A_934 = arith.constant 0 : i32
    %dma_start3A_935 = tpu.memref_slice %arg6[%dma_start3A_932, %dma_start3A_933, %dma_start3A_934] : memref<7x128x128xf32, #tpu.memory_space<vmem>> -> memref<1x128x128xf32, #tpu.memory_space<vmem>>
    %dma_start3A_936 = tpu.memref_squeeze %dma_start3A_935 : memref<1x128x128xf32, #tpu.memory_space<vmem>> -> memref<128x128xf32, #tpu.memory_space<vmem>>
    %dma_start3A_937 = arith.constant 0 : i32
    %dma_start3A_938 = tpu.memref_slice %arg5[%dma_start3A_931, %dma_start3A_937] : memref<16x128xi32, #tpu.memory_space<vmem>> -> memref<1x128xi32, #tpu.memory_space<vmem>>
    %dma_start3A_939 = tpu.memref_squeeze %dma_start3A_938 : memref<1x128xi32, #tpu.memory_space<vmem>> -> memref<128xi32, #tpu.memory_space<vmem>>
    %dma_start3A_940 = arith.constant 0 : i32
    %dma_start3A_941 = arith.constant 0 : i32
    %dma_start3A_942 = tpu.memref_slice %arg2[%dma_start3A_940, %dma_start3A_941] : memref<800000x128xf32, #tpu.memory_space<hbm>> -> memref<800000x128xf32, #tpu.memory_space<hbm>>
    tpu.enqueue_indirect_dma source(%dma_start3A_942 : memref<800000x128xf32, #tpu.memory_space<hbm>>) target(%dma_start3A_936 : memref<128x128xf32, #tpu.memory_space<vmem>>) offsets(%dma_start3A_939 : memref<128xi32, #tpu.memory_space<vmem>>) semaphore(%arg7 : memref<!tpu.dma_semaphore, #tpu.memory_space<semaphore_mem>>)
    %dma_wait3A_943 = arith.constant 2 : i32
    %dma_wait3A_944 = arith.constant 2 : i32
    %dma_wait3A_945 = arith.constant 0 : i32
    %dma_wait3A_946 = arith.constant 0 : i32
    %dma_wait3A_947 = tpu.memref_slice %arg6[%dma_wait3A_944, %dma_wait3A_945, %dma_wait3A_946] : memref<7x128x128xf32, #tpu.memory_space<vmem>> -> memref<1x128x128xf32, #tpu.memory_space<vmem>>
    %dma_wait3A_948 = tpu.memref_squeeze %dma_wait3A_947 : memref<1x128x128xf32, #tpu.memory_space<vmem>> -> memref<128x128xf32, #tpu.memory_space<vmem>>
    %dma_wait3A_949 = arith.constant 0 : i32
    %dma_wait3A_950 = tpu.memref_slice %arg5[%dma_wait3A_943, %dma_wait3A_949] : memref<16x128xi32, #tpu.memory_space<vmem>> -> memref<1x128xi32, #tpu.memory_space<vmem>>
    %dma_wait3A_951 = tpu.memref_squeeze %dma_wait3A_950 : memref<1x128xi32, #tpu.memory_space<vmem>> -> memref<128xi32, #tpu.memory_space<vmem>>
    %dma_wait3A_952 = arith.constant 0 : i32
    %dma_wait3A_953 = arith.constant 0 : i32
    %dma_wait3A_954 = tpu.memref_slice %arg2[%dma_wait3A_952, %dma_wait3A_953] : memref<800000x128xf32, #tpu.memory_space<hbm>> -> memref<800000x128xf32, #tpu.memory_space<hbm>>
    tpu.wait_indirect_dma semaphore(%arg9 : memref<!tpu.dma_semaphore, #tpu.memory_space<semaphore_mem>>) src(%dma_wait3A_954 : memref<800000x128xf32, #tpu.memory_space<hbm>>) dst(%dma_wait3A_948 : memref<128x128xf32, #tpu.memory_space<vmem>>)
    %add3A_955 = arith.constant 256 : i32
    %add3A_956 = arith.addi %mul3A_2, %add3A_955 : i32
    %dma_start3A_957 = arith.constant 2 : i32
    %dma_start3A_958 = arith.constant 0 : i32
    %dma_start3A_959 = arith.constant 0 : i32
    %dma_start3A_960 = tpu.memref_slice %arg6[%dma_start3A_957, %dma_start3A_958, %dma_start3A_959] : memref<7x128x128xf32, #tpu.memory_space<vmem>> -> memref<1x128x128xf32, #tpu.memory_space<vmem>>
    %dma_start3A_961 = tpu.memref_squeeze %dma_start3A_960 : memref<1x128x128xf32, #tpu.memory_space<vmem>> -> memref<128x128xf32, #tpu.memory_space<vmem>>
    %dma_start3A_962 = tpu.memref_reshape %arg4 : memref<4x2048x8x128xf32, #tpu.memory_space<hbm>> -> memref<65536x128xf32, #tpu.memory_space<hbm>>
    %dma_start3A_963 = arith.constant 0 : i32
    %dma_start3A_964 = tpu.memref_slice %dma_start3A_962[%add3A_956, %dma_start3A_963] : memref<65536x128xf32, #tpu.memory_space<hbm>> -> memref<128x128xf32, #tpu.memory_space<hbm>>
    %dma_start3A_965 = tpu.memref_reshape %arg4 : memref<4x2048x8x128xf32, #tpu.memory_space<hbm>> -> memref<65536x128xf32, #tpu.memory_space<hbm>>
    %dma_start3A_966 = arith.constant 0 : i32
    %dma_start3A_967 = tpu.memref_slice %dma_start3A_965[%add3A_956, %dma_start3A_966] : memref<65536x128xf32, #tpu.memory_space<hbm>> -> memref<128x128xf32, #tpu.memory_space<hbm>>
    %dma_start3A_968 = arith.constant 0 : i32
    %dma_start3A_969 = arith.constant 0 : i32
    %dma_start3A_970 = tpu.memref_slice %arg6[%dma_start3A_957, %dma_start3A_968, %dma_start3A_969] : memref<7x128x128xf32, #tpu.memory_space<vmem>> -> memref<1x128x128xf32, #tpu.memory_space<vmem>>
    %dma_start3A_971 = tpu.memref_squeeze %dma_start3A_970 : memref<1x128x128xf32, #tpu.memory_space<vmem>> -> memref<128x128xf32, #tpu.memory_space<vmem>>
    tpu.enqueue_dma source(%dma_start3A_971 : memref<128x128xf32, #tpu.memory_space<vmem>>) target(%dma_start3A_967 : memref<128x128xf32, #tpu.memory_space<hbm>>) target_semaphore(%arg9 : memref<!tpu.dma_semaphore, #tpu.memory_space<semaphore_mem>>)
    %dma_wait3A_972 = arith.constant 1 : i32
    %dma_wait3A_973 = arith.constant 0 : i32
    %dma_wait3A_974 = arith.constant 0 : i32
    %dma_wait3A_975 = tpu.memref_slice %arg6[%dma_wait3A_972, %dma_wait3A_973, %dma_wait3A_974] : memref<7x128x128xf32, #tpu.memory_space<vmem>> -> memref<1x128x128xf32, #tpu.memory_space<vmem>>
    %dma_wait3A_976 = tpu.memref_squeeze %dma_wait3A_975 : memref<1x128x128xf32, #tpu.memory_space<vmem>> -> memref<128x128xf32, #tpu.memory_space<vmem>>
    %dma_wait3A_977 = tpu.memref_reshape %arg4 : memref<4x2048x8x128xf32, #tpu.memory_space<hbm>> -> memref<65536x128xf32, #tpu.memory_space<hbm>>
    %dma_wait3A_978 = arith.constant 0 : i32
    %dma_wait3A_979 = tpu.memref_slice %dma_wait3A_977[%add3A_804, %dma_wait3A_978] : memref<65536x128xf32, #tpu.memory_space<hbm>> -> memref<128x128xf32, #tpu.memory_space<hbm>>
    %dma_wait3A_980 = tpu.memref_reshape %arg4 : memref<4x2048x8x128xf32, #tpu.memory_space<hbm>> -> memref<65536x128xf32, #tpu.memory_space<hbm>>
    %dma_wait3A_981 = arith.constant 0 : i32
    %dma_wait3A_982 = tpu.memref_slice %dma_wait3A_980[%add3A_804, %dma_wait3A_981] : memref<65536x128xf32, #tpu.memory_space<hbm>> -> memref<128x128xf32, #tpu.memory_space<hbm>>
    %dma_wait3A_983 = arith.constant 0 : i32
    %dma_wait3A_984 = arith.constant 0 : i32
    %dma_wait3A_985 = tpu.memref_slice %arg6[%dma_wait3A_972, %dma_wait3A_983, %dma_wait3A_984] : memref<7x128x128xf32, #tpu.memory_space<vmem>> -> memref<1x128x128xf32, #tpu.memory_space<vmem>>
    %dma_wait3A_986 = tpu.memref_squeeze %dma_wait3A_985 : memref<1x128x128xf32, #tpu.memory_space<vmem>> -> memref<128x128xf32, #tpu.memory_space<vmem>>
    tpu.wait_dma2 semaphore(%arg8 : memref<!tpu.dma_semaphore, #tpu.memory_space<semaphore_mem>>) src(%dma_wait3A_986 : memref<128x128xf32, #tpu.memory_space<vmem>>) dst(%dma_wait3A_982 : memref<128x128xf32, #tpu.memory_space<hbm>>)
    %get3A_987 = arith.constant 8 : i32
    %get3A_988 = arith.index_cast %get3A_987 : i32 to index
    %get3A_989 = arith.constant 0 : index
    %get3A_990 = tpu.vector_load %arg5[%get3A_988, %get3A_989] {strides = array<i32>} : memref<16x128xi32, #tpu.memory_space<vmem>>, vector<1x16xi32>,
    %get3A_991 = vector.shape_cast %get3A_990 : vector<1x16xi32> to vector<16xi32>
    %add3A_992 = arith.addi %get3A_991, %mul3A_9 : vector<16xi32>
    %swap3A_993 = arith.constant 8 : i32
    %swap3A_994 = arith.index_cast %swap3A_993 : i32 to index
    %swap3A_995 = arith.constant 0 : index
    %swap3A_996 = tpu.vector_load %arg5[%swap3A_994, %swap3A_995] {strides = array<i32>} : memref<16x128xi32, #tpu.memory_space<vmem>>, vector<1x16xi32>,
    %swap3A_997 = vector.shape_cast %swap3A_996 : vector<1x16xi32> to vector<16xi32>
    %swap3A_998 = vector.shape_cast %add3A_992 : vector<16xi32> to vector<1x16xi32>
    tpu.vector_store %arg5[%swap3A_994, %swap3A_995], %swap3A_998 {strides = array<i32>} : memref<16x128xi32, #tpu.memory_space<vmem>>, vector<1x16xi32>,
    %get3A_999 = arith.constant 8 : i32
    %get3A_1000 = arith.index_cast %get3A_999 : i32 to index
    %get3A_1001 = arith.constant 16 : index
    %get3A_1002 = tpu.vector_load %arg5[%get3A_1000, %get3A_1001] {strides = array<i32>} : memref<16x128xi32, #tpu.memory_space<vmem>>, vector<1x16xi32>,
    %get3A_1003 = vector.shape_cast %get3A_1002 : vector<1x16xi32> to vector<16xi32>
    %add3A_1004 = arith.addi %get3A_1003, %mul3A_9 : vector<16xi32>
    %swap3A_1005 = arith.constant 8 : i32
    %swap3A_1006 = arith.index_cast %swap3A_1005 : i32 to index
    %swap3A_1007 = arith.constant 16 : index
    %swap3A_1008 = tpu.vector_load %arg5[%swap3A_1006, %swap3A_1007] {strides = array<i32>} : memref<16x128xi32, #tpu.memory_space<vmem>>, vector<1x16xi32>,
    %swap3A_1009 = vector.shape_cast %swap3A_1008 : vector<1x16xi32> to vector<16xi32>
    %swap3A_1010 = vector.shape_cast %add3A_1004 : vector<16xi32> to vector<1x16xi32>
    tpu.vector_store %arg5[%swap3A_1006, %swap3A_1007], %swap3A_1010 {strides = array<i32>} : memref<16x128xi32, #tpu.memory_space<vmem>>, vector<1x16xi32>,
    %get3A_1011 = arith.constant 8 : i32
    %get3A_1012 = arith.index_cast %get3A_1011 : i32 to index
    %get3A_1013 = arith.constant 32 : index
    %get3A_1014 = tpu.vector_load %arg5[%get3A_1012, %get3A_1013] {strides = array<i32>} : memref<16x128xi32, #tpu.memory_space<vmem>>, vector<1x16xi32>,
    %get3A_1015 = vector.shape_cast %get3A_1014 : vector<1x16xi32> to vector<16xi32>
    %add3A_1016 = arith.addi %get3A_1015, %mul3A_9 : vector<16xi32>
    %swap3A_1017 = arith.constant 8 : i32
    %swap3A_1018 = arith.index_cast %swap3A_1017 : i32 to index
    %swap3A_1019 = arith.constant 32 : index
    %swap3A_1020 = tpu.vector_load %arg5[%swap3A_1018, %swap3A_1019] {strides = array<i32>} : memref<16x128xi32, #tpu.memory_space<vmem>>, vector<1x16xi32>,
    %swap3A_1021 = vector.shape_cast %swap3A_1020 : vector<1x16xi32> to vector<16xi32>
    %swap3A_1022 = vector.shape_cast %add3A_1016 : vector<16xi32> to vector<1x16xi32>
    tpu.vector_store %arg5[%swap3A_1018, %swap3A_1019], %swap3A_1022 {strides = array<i32>} : memref<16x128xi32, #tpu.memory_space<vmem>>, vector<1x16xi32>,
    %get3A_1023 = arith.constant 8 : i32
    %get3A_1024 = arith.index_cast %get3A_1023 : i32 to index
    %get3A_1025 = arith.constant 48 : index
    %get3A_1026 = tpu.vector_load %arg5[%get3A_1024, %get3A_1025] {strides = array<i32>} : memref<16x128xi32, #tpu.memory_space<vmem>>, vector<1x16xi32>,
    %get3A_1027 = vector.shape_cast %get3A_1026 : vector<1x16xi32> to vector<16xi32>
    %add3A_1028 = arith.addi %get3A_1027, %mul3A_9 : vector<16xi32>
    %swap3A_1029 = arith.constant 8 : i32
    %swap3A_1030 = arith.index_cast %swap3A_1029 : i32 to index
    %swap3A_1031 = arith.constant 48 : index
    %swap3A_1032 = tpu.vector_load %arg5[%swap3A_1030, %swap3A_1031] {strides = array<i32>} : memref<16x128xi32, #tpu.memory_space<vmem>>, vector<1x16xi32>,
    %swap3A_1033 = vector.shape_cast %swap3A_1032 : vector<1x16xi32> to vector<16xi32>
    %swap3A_1034 = vector.shape_cast %add3A_1028 : vector<16xi32> to vector<1x16xi32>
    tpu.vector_store %arg5[%swap3A_1030, %swap3A_1031], %swap3A_1034 {strides = array<i32>} : memref<16x128xi32, #tpu.memory_space<vmem>>, vector<1x16xi32>,
    %get3A_1035 = arith.constant 8 : i32
    %get3A_1036 = arith.index_cast %get3A_1035 : i32 to index
    %get3A_1037 = arith.constant 64 : index
    %get3A_1038 = tpu.vector_load %arg5[%get3A_1036, %get3A_1037] {strides = array<i32>} : memref<16x128xi32, #tpu.memory_space<vmem>>, vector<1x16xi32>,
    %get3A_1039 = vector.shape_cast %get3A_1038 : vector<1x16xi32> to vector<16xi32>
    %add3A_1040 = arith.addi %get3A_1039, %mul3A_9 : vector<16xi32>
    %swap3A_1041 = arith.constant 8 : i32
    %swap3A_1042 = arith.index_cast %swap3A_1041 : i32 to index
    %swap3A_1043 = arith.constant 64 : index
    %swap3A_1044 = tpu.vector_load %arg5[%swap3A_1042, %swap3A_1043] {strides = array<i32>} : memref<16x128xi32, #tpu.memory_space<vmem>>, vector<1x16xi32>,
    %swap3A_1045 = vector.shape_cast %swap3A_1044 : vector<1x16xi32> to vector<16xi32>
    %swap3A_1046 = vector.shape_cast %add3A_1040 : vector<16xi32> to vector<1x16xi32>
    tpu.vector_store %arg5[%swap3A_1042, %swap3A_1043], %swap3A_1046 {strides = array<i32>} : memref<16x128xi32, #tpu.memory_space<vmem>>, vector<1x16xi32>,
    %get3A_1047 = arith.constant 8 : i32
    %get3A_1048 = arith.index_cast %get3A_1047 : i32 to index
    %get3A_1049 = arith.constant 80 : index
    %get3A_1050 = tpu.vector_load %arg5[%get3A_1048, %get3A_1049] {strides = array<i32>} : memref<16x128xi32, #tpu.memory_space<vmem>>, vector<1x16xi32>,
    %get3A_1051 = vector.shape_cast %get3A_1050 : vector<1x16xi32> to vector<16xi32>
    %add3A_1052 = arith.addi %get3A_1051, %mul3A_9 : vector<16xi32>
    %swap3A_1053 = arith.constant 8 : i32
    %swap3A_1054 = arith.index_cast %swap3A_1053 : i32 to index
    %swap3A_1055 = arith.constant 80 : index
    %swap3A_1056 = tpu.vector_load %arg5[%swap3A_1054, %swap3A_1055] {strides = array<i32>} : memref<16x128xi32, #tpu.memory_space<vmem>>, vector<1x16xi32>,
    %swap3A_1057 = vector.shape_cast %swap3A_1056 : vector<1x16xi32> to vector<16xi32>
    %swap3A_1058 = vector.shape_cast %add3A_1052 : vector<16xi32> to vector<1x16xi32>
    tpu.vector_store %arg5[%swap3A_1054, %swap3A_1055], %swap3A_1058 {strides = array<i32>} : memref<16x128xi32, #tpu.memory_space<vmem>>, vector<1x16xi32>,
    %get3A_1059 = arith.constant 8 : i32
    %get3A_1060 = arith.index_cast %get3A_1059 : i32 to index
    %get3A_1061 = arith.constant 96 : index
    %get3A_1062 = tpu.vector_load %arg5[%get3A_1060, %get3A_1061] {strides = array<i32>} : memref<16x128xi32, #tpu.memory_space<vmem>>, vector<1x16xi32>,
    %get3A_1063 = vector.shape_cast %get3A_1062 : vector<1x16xi32> to vector<16xi32>
    %add3A_1064 = arith.addi %get3A_1063, %mul3A_9 : vector<16xi32>
    %swap3A_1065 = arith.constant 8 : i32
    %swap3A_1066 = arith.index_cast %swap3A_1065 : i32 to index
    %swap3A_1067 = arith.constant 96 : index
    %swap3A_1068 = tpu.vector_load %arg5[%swap3A_1066, %swap3A_1067] {strides = array<i32>} : memref<16x128xi32, #tpu.memory_space<vmem>>, vector<1x16xi32>,
    %swap3A_1069 = vector.shape_cast %swap3A_1068 : vector<1x16xi32> to vector<16xi32>
    %swap3A_1070 = vector.shape_cast %add3A_1064 : vector<16xi32> to vector<1x16xi32>
    tpu.vector_store %arg5[%swap3A_1066, %swap3A_1067], %swap3A_1070 {strides = array<i32>} : memref<16x128xi32, #tpu.memory_space<vmem>>, vector<1x16xi32>,
    %get3A_1071 = arith.constant 8 : i32
    %get3A_1072 = arith.index_cast %get3A_1071 : i32 to index
    %get3A_1073 = arith.constant 112 : index
    %get3A_1074 = tpu.vector_load %arg5[%get3A_1072, %get3A_1073] {strides = array<i32>} : memref<16x128xi32, #tpu.memory_space<vmem>>, vector<1x16xi32>,
    %get3A_1075 = vector.shape_cast %get3A_1074 : vector<1x16xi32> to vector<16xi32>
    %add3A_1076 = arith.addi %get3A_1075, %mul3A_9 : vector<16xi32>
    %swap3A_1077 = arith.constant 8 : i32
    %swap3A_1078 = arith.index_cast %swap3A_1077 : i32 to index
    %swap3A_1079 = arith.constant 112 : index
    %swap3A_1080 = tpu.vector_load %arg5[%swap3A_1078, %swap3A_1079] {strides = array<i32>} : memref<16x128xi32, #tpu.memory_space<vmem>>, vector<1x16xi32>,
    %swap3A_1081 = vector.shape_cast %swap3A_1080 : vector<1x16xi32> to vector<16xi32>
    %swap3A_1082 = vector.shape_cast %add3A_1076 : vector<16xi32> to vector<1x16xi32>
    tpu.vector_store %arg5[%swap3A_1078, %swap3A_1079], %swap3A_1082 {strides = array<i32>} : memref<16x128xi32, #tpu.memory_space<vmem>>, vector<1x16xi32>,
    %dma_start3A_1083 = arith.constant 8 : i32
    %dma_start3A_1084 = arith.constant 1 : i32
    %dma_start3A_1085 = arith.constant 0 : i32
    %dma_start3A_1086 = arith.constant 0 : i32
    %dma_start3A_1087 = tpu.memref_slice %arg6[%dma_start3A_1084, %dma_start3A_1085, %dma_start3A_1086] : memref<7x128x128xf32, #tpu.memory_space<vmem>> -> memref<1x128x128xf32, #tpu.memory_space<vmem>>
    %dma_start3A_1088 = tpu.memref_squeeze %dma_start3A_1087 : memref<1x128x128xf32, #tpu.memory_space<vmem>> -> memref<128x128xf32, #tpu.memory_space<vmem>>
    %dma_start3A_1089 = arith.constant 0 : i32
    %dma_start3A_1090 = tpu.memref_slice %arg5[%dma_start3A_1083, %dma_start3A_1089] : memref<16x128xi32, #tpu.memory_space<vmem>> -> memref<1x128xi32, #tpu.memory_space<vmem>>
    %dma_start3A_1091 = tpu.memref_squeeze %dma_start3A_1090 : memref<1x128xi32, #tpu.memory_space<vmem>> -> memref<128xi32, #tpu.memory_space<vmem>>
    %dma_start3A_1092 = arith.constant 0 : i32
    %dma_start3A_1093 = arith.constant 0 : i32
    %dma_start3A_1094 = tpu.memref_slice %arg2[%dma_start3A_1092, %dma_start3A_1093] : memref<800000x128xf32, #tpu.memory_space<hbm>> -> memref<800000x128xf32, #tpu.memory_space<hbm>>
    tpu.enqueue_indirect_dma source(%dma_start3A_1094 : memref<800000x128xf32, #tpu.memory_space<hbm>>) target(%dma_start3A_1088 : memref<128x128xf32, #tpu.memory_space<vmem>>) offsets(%dma_start3A_1091 : memref<128xi32, #tpu.memory_space<vmem>>) semaphore(%arg8 : memref<!tpu.dma_semaphore, #tpu.memory_space<semaphore_mem>>)
    %dma_wait3A_1095 = arith.constant 3 : i32
    %dma_wait3A_1096 = arith.constant 3 : i32
    %dma_wait3A_1097 = arith.constant 0 : i32
    %dma_wait3A_1098 = arith.constant 0 : i32
    %dma_wait3A_1099 = tpu.memref_slice %arg6[%dma_wait3A_1096, %dma_wait3A_1097, %dma_wait3A_1098] : memref<7x128x128xf32, #tpu.memory_space<vmem>> -> memref<1x128x128xf32, #tpu.memory_space<vmem>>
    %dma_wait3A_1100 = tpu.memref_squeeze %dma_wait3A_1099 : memref<1x128x128xf32, #tpu.memory_space<vmem>> -> memref<128x128xf32, #tpu.memory_space<vmem>>
    %dma_wait3A_1101 = arith.constant 0 : i32
    %dma_wait3A_1102 = tpu.memref_slice %arg5[%dma_wait3A_1095, %dma_wait3A_1101] : memref<16x128xi32, #tpu.memory_space<vmem>> -> memref<1x128xi32, #tpu.memory_space<vmem>>
    %dma_wait3A_1103 = tpu.memref_squeeze %dma_wait3A_1102 : memref<1x128xi32, #tpu.memory_space<vmem>> -> memref<128xi32, #tpu.memory_space<vmem>>
    %dma_wait3A_1104 = arith.constant 0 : i32
    %dma_wait3A_1105 = arith.constant 0 : i32
    %dma_wait3A_1106 = tpu.memref_slice %arg2[%dma_wait3A_1104, %dma_wait3A_1105] : memref<800000x128xf32, #tpu.memory_space<hbm>> -> memref<800000x128xf32, #tpu.memory_space<hbm>>
    tpu.wait_indirect_dma semaphore(%arg10 : memref<!tpu.dma_semaphore, #tpu.memory_space<semaphore_mem>>) src(%dma_wait3A_1106 : memref<800000x128xf32, #tpu.memory_space<hbm>>) dst(%dma_wait3A_1100 : memref<128x128xf32, #tpu.memory_space<vmem>>)
    %add3A_1107 = arith.constant 384 : i32
    %add3A_1108 = arith.addi %mul3A_2, %add3A_1107 : i32
    %dma_start3A_1109 = arith.constant 3 : i32
    %dma_start3A_1110 = arith.constant 0 : i32
    %dma_start3A_1111 = arith.constant 0 : i32
    %dma_start3A_1112 = tpu.memref_slice %arg6[%dma_start3A_1109, %dma_start3A_1110, %dma_start3A_1111] : memref<7x128x128xf32, #tpu.memory_space<vmem>> -> memref<1x128x128xf32, #tpu.memory_space<vmem>>
    %dma_start3A_1113 = tpu.memref_squeeze %dma_start3A_1112 : memref<1x128x128xf32, #tpu.memory_space<vmem>> -> memref<128x128xf32, #tpu.memory_space<vmem>>
    %dma_start3A_1114 = tpu.memref_reshape %arg4 : memref<4x2048x8x128xf32, #tpu.memory_space<hbm>> -> memref<65536x128xf32, #tpu.memory_space<hbm>>
    %dma_start3A_1115 = arith.constant 0 : i32
    %dma_start3A_1116 = tpu.memref_slice %dma_start3A_1114[%add3A_1108, %dma_start3A_1115] : memref<65536x128xf32, #tpu.memory_space<hbm>> -> memref<128x128xf32, #tpu.memory_space<hbm>>
    %dma_start3A_1117 = tpu.memref_reshape %arg4 : memref<4x2048x8x128xf32, #tpu.memory_space<hbm>> -> memref<65536x128xf32, #tpu.memory_space<hbm>>
    %dma_start3A_1118 = arith.constant 0 : i32
    %dma_start3A_1119 = tpu.memref_slice %dma_start3A_1117[%add3A_1108, %dma_start3A_1118] : memref<65536x128xf32, #tpu.memory_space<hbm>> -> memref<128x128xf32, #tpu.memory_space<hbm>>
    %dma_start3A_1120 = arith.constant 0 : i32
    %dma_start3A_1121 = arith.constant 0 : i32
    %dma_start3A_1122 = tpu.memref_slice %arg6[%dma_start3A_1109, %dma_start3A_1120, %dma_start3A_1121] : memref<7x128x128xf32, #tpu.memory_space<vmem>> -> memref<1x128x128xf32, #tpu.memory_space<vmem>>
    %dma_start3A_1123 = tpu.memref_squeeze %dma_start3A_1122 : memref<1x128x128xf32, #tpu.memory_space<vmem>> -> memref<128x128xf32, #tpu.memory_space<vmem>>
    tpu.enqueue_dma source(%dma_start3A_1123 : memref<128x128xf32, #tpu.memory_space<vmem>>) target(%dma_start3A_1119 : memref<128x128xf32, #tpu.memory_space<hbm>>) target_semaphore(%arg10 : memref<!tpu.dma_semaphore, #tpu.memory_space<semaphore_mem>>)
    %dma_wait3A_1124 = arith.constant 2 : i32
    %dma_wait3A_1125 = arith.constant 0 : i32
    %dma_wait3A_1126 = arith.constant 0 : i32
    %dma_wait3A_1127 = tpu.memref_slice %arg6[%dma_wait3A_1124, %dma_wait3A_1125, %dma_wait3A_1126] : memref<7x128x128xf32, #tpu.memory_space<vmem>> -> memref<1x128x128xf32, #tpu.memory_space<vmem>>
    %dma_wait3A_1128 = tpu.memref_squeeze %dma_wait3A_1127 : memref<1x128x128xf32, #tpu.memory_space<vmem>> -> memref<128x128xf32, #tpu.memory_space<vmem>>
    %dma_wait3A_1129 = tpu.memref_reshape %arg4 : memref<4x2048x8x128xf32, #tpu.memory_space<hbm>> -> memref<65536x128xf32, #tpu.memory_space<hbm>>
    %dma_wait3A_1130 = arith.constant 0 : i32
    %dma_wait3A_1131 = tpu.memref_slice %dma_wait3A_1129[%add3A_956, %dma_wait3A_1130] : memref<65536x128xf32, #tpu.memory_space<hbm>> -> memref<128x128xf32, #tpu.memory_space<hbm>>
    %dma_wait3A_1132 = tpu.memref_reshape %arg4 : memref<4x2048x8x128xf32, #tpu.memory_space<hbm>> -> memref<65536x128xf32, #tpu.memory_space<hbm>>
    %dma_wait3A_1133 = arith.constant 0 : i32
    %dma_wait3A_1134 = tpu.memref_slice %dma_wait3A_1132[%add3A_956, %dma_wait3A_1133] : memref<65536x128xf32, #tpu.memory_space<hbm>> -> memref<128x128xf32, #tpu.memory_space<hbm>>
    %dma_wait3A_1135 = arith.constant 0 : i32
    %dma_wait3A_1136 = arith.constant 0 : i32
    %dma_wait3A_1137 = tpu.memref_slice %arg6[%dma_wait3A_1124, %dma_wait3A_1135, %dma_wait3A_1136] : memref<7x128x128xf32, #tpu.memory_space<vmem>> -> memref<1x128x128xf32, #tpu.memory_space<vmem>>
    %dma_wait3A_1138 = tpu.memref_squeeze %dma_wait3A_1137 : memref<1x128x128xf32, #tpu.memory_space<vmem>> -> memref<128x128xf32, #tpu.memory_space<vmem>>
    tpu.wait_dma2 semaphore(%arg9 : memref<!tpu.dma_semaphore, #tpu.memory_space<semaphore_mem>>) src(%dma_wait3A_1138 : memref<128x128xf32, #tpu.memory_space<vmem>>) dst(%dma_wait3A_1134 : memref<128x128xf32, #tpu.memory_space<hbm>>)
    %get3A_1139 = arith.constant 9 : i32
    %get3A_1140 = arith.index_cast %get3A_1139 : i32 to index
    %get3A_1141 = arith.constant 0 : index
    %get3A_1142 = tpu.vector_load %arg5[%get3A_1140, %get3A_1141] {strides = array<i32>} : memref<16x128xi32, #tpu.memory_space<vmem>>, vector<1x16xi32>,
    %get3A_1143 = vector.shape_cast %get3A_1142 : vector<1x16xi32> to vector<16xi32>
    %add3A_1144 = arith.addi %get3A_1143, %mul3A_9 : vector<16xi32>
    %swap3A_1145 = arith.constant 9 : i32
    %swap3A_1146 = arith.index_cast %swap3A_1145 : i32 to index
    %swap3A_1147 = arith.constant 0 : index
    %swap3A_1148 = tpu.vector_load %arg5[%swap3A_1146, %swap3A_1147] {strides = array<i32>} : memref<16x128xi32, #tpu.memory_space<vmem>>, vector<1x16xi32>,
    %swap3A_1149 = vector.shape_cast %swap3A_1148 : vector<1x16xi32> to vector<16xi32>
    %swap3A_1150 = vector.shape_cast %add3A_1144 : vector<16xi32> to vector<1x16xi32>
    tpu.vector_store %arg5[%swap3A_1146, %swap3A_1147], %swap3A_1150 {strides = array<i32>} : memref<16x128xi32, #tpu.memory_space<vmem>>, vector<1x16xi32>,
    %get3A_1151 = arith.constant 9 : i32
    %get3A_1152 = arith.index_cast %get3A_1151 : i32 to index
    %get3A_1153 = arith.constant 16 : index
    %get3A_1154 = tpu.vector_load %arg5[%get3A_1152, %get3A_1153] {strides = array<i32>} : memref<16x128xi32, #tpu.memory_space<vmem>>, vector<1x16xi32>,
    %get3A_1155 = vector.shape_cast %get3A_1154 : vector<1x16xi32> to vector<16xi32>
    %add3A_1156 = arith.addi %get3A_1155, %mul3A_9 : vector<16xi32>
    %swap3A_1157 = arith.constant 9 : i32
    %swap3A_1158 = arith.index_cast %swap3A_1157 : i32 to index
    %swap3A_1159 = arith.constant 16 : index
    %swap3A_1160 = tpu.vector_load %arg5[%swap3A_1158, %swap3A_1159] {strides = array<i32>} : memref<16x128xi32, #tpu.memory_space<vmem>>, vector<1x16xi32>,
    %swap3A_1161 = vector.shape_cast %swap3A_1160 : vector<1x16xi32> to vector<16xi32>
    %swap3A_1162 = vector.shape_cast %add3A_1156 : vector<16xi32> to vector<1x16xi32>
    tpu.vector_store %arg5[%swap3A_1158, %swap3A_1159], %swap3A_1162 {strides = array<i32>} : memref<16x128xi32, #tpu.memory_space<vmem>>, vector<1x16xi32>,
    %get3A_1163 = arith.constant 9 : i32
    %get3A_1164 = arith.index_cast %get3A_1163 : i32 to index
    %get3A_1165 = arith.constant 32 : index
    %get3A_1166 = tpu.vector_load %arg5[%get3A_1164, %get3A_1165] {strides = array<i32>} : memref<16x128xi32, #tpu.memory_space<vmem>>, vector<1x16xi32>,
    %get3A_1167 = vector.shape_cast %get3A_1166 : vector<1x16xi32> to vector<16xi32>
    %add3A_1168 = arith.addi %get3A_1167, %mul3A_9 : vector<16xi32>
    %swap3A_1169 = arith.constant 9 : i32
    %swap3A_1170 = arith.index_cast %swap3A_1169 : i32 to index
    %swap3A_1171 = arith.constant 32 : index
    %swap3A_1172 = tpu.vector_load %arg5[%swap3A_1170, %swap3A_1171] {strides = array<i32>} : memref<16x128xi32, #tpu.memory_space<vmem>>, vector<1x16xi32>,
    %swap3A_1173 = vector.shape_cast %swap3A_1172 : vector<1x16xi32> to vector<16xi32>
    %swap3A_1174 = vector.shape_cast %add3A_1168 : vector<16xi32> to vector<1x16xi32>
    tpu.vector_store %arg5[%swap3A_1170, %swap3A_1171], %swap3A_1174 {strides = array<i32>} : memref<16x128xi32, #tpu.memory_space<vmem>>, vector<1x16xi32>,
    %get3A_1175 = arith.constant 9 : i32
    %get3A_1176 = arith.index_cast %get3A_1175 : i32 to index
    %get3A_1177 = arith.constant 48 : index
    %get3A_1178 = tpu.vector_load %arg5[%get3A_1176, %get3A_1177] {strides = array<i32>} : memref<16x128xi32, #tpu.memory_space<vmem>>, vector<1x16xi32>,
    %get3A_1179 = vector.shape_cast %get3A_1178 : vector<1x16xi32> to vector<16xi32>
    %add3A_1180 = arith.addi %get3A_1179, %mul3A_9 : vector<16xi32>
    %swap3A_1181 = arith.constant 9 : i32
    %swap3A_1182 = arith.index_cast %swap3A_1181 : i32 to index
    %swap3A_1183 = arith.constant 48 : index
    %swap3A_1184 = tpu.vector_load %arg5[%swap3A_1182, %swap3A_1183] {strides = array<i32>} : memref<16x128xi32, #tpu.memory_space<vmem>>, vector<1x16xi32>,
    %swap3A_1185 = vector.shape_cast %swap3A_1184 : vector<1x16xi32> to vector<16xi32>
    %swap3A_1186 = vector.shape_cast %add3A_1180 : vector<16xi32> to vector<1x16xi32>
    tpu.vector_store %arg5[%swap3A_1182, %swap3A_1183], %swap3A_1186 {strides = array<i32>} : memref<16x128xi32, #tpu.memory_space<vmem>>, vector<1x16xi32>,
    %get3A_1187 = arith.constant 9 : i32
    %get3A_1188 = arith.index_cast %get3A_1187 : i32 to index
    %get3A_1189 = arith.constant 64 : index
    %get3A_1190 = tpu.vector_load %arg5[%get3A_1188, %get3A_1189] {strides = array<i32>} : memref<16x128xi32, #tpu.memory_space<vmem>>, vector<1x16xi32>,
    %get3A_1191 = vector.shape_cast %get3A_1190 : vector<1x16xi32> to vector<16xi32>
    %add3A_1192 = arith.addi %get3A_1191, %mul3A_9 : vector<16xi32>
    %swap3A_1193 = arith.constant 9 : i32
    %swap3A_1194 = arith.index_cast %swap3A_1193 : i32 to index
    %swap3A_1195 = arith.constant 64 : index
    %swap3A_1196 = tpu.vector_load %arg5[%swap3A_1194, %swap3A_1195] {strides = array<i32>} : memref<16x128xi32, #tpu.memory_space<vmem>>, vector<1x16xi32>,
    %swap3A_1197 = vector.shape_cast %swap3A_1196 : vector<1x16xi32> to vector<16xi32>
    %swap3A_1198 = vector.shape_cast %add3A_1192 : vector<16xi32> to vector<1x16xi32>
    tpu.vector_store %arg5[%swap3A_1194, %swap3A_1195], %swap3A_1198 {strides = array<i32>} : memref<16x128xi32, #tpu.memory_space<vmem>>, vector<1x16xi32>,
    %get3A_1199 = arith.constant 9 : i32
    %get3A_1200 = arith.index_cast %get3A_1199 : i32 to index
    %get3A_1201 = arith.constant 80 : index
    %get3A_1202 = tpu.vector_load %arg5[%get3A_1200, %get3A_1201] {strides = array<i32>} : memref<16x128xi32, #tpu.memory_space<vmem>>, vector<1x16xi32>,
    %get3A_1203 = vector.shape_cast %get3A_1202 : vector<1x16xi32> to vector<16xi32>
    %add3A_1204 = arith.addi %get3A_1203, %mul3A_9 : vector<16xi32>
    %swap3A_1205 = arith.constant 9 : i32
    %swap3A_1206 = arith.index_cast %swap3A_1205 : i32 to index
    %swap3A_1207 = arith.constant 80 : index
    %swap3A_1208 = tpu.vector_load %arg5[%swap3A_1206, %swap3A_1207] {strides = array<i32>} : memref<16x128xi32, #tpu.memory_space<vmem>>, vector<1x16xi32>,
    %swap3A_1209 = vector.shape_cast %swap3A_1208 : vector<1x16xi32> to vector<16xi32>
    %swap3A_1210 = vector.shape_cast %add3A_1204 : vector<16xi32> to vector<1x16xi32>
    tpu.vector_store %arg5[%swap3A_1206, %swap3A_1207], %swap3A_1210 {strides = array<i32>} : memref<16x128xi32, #tpu.memory_space<vmem>>, vector<1x16xi32>,
    %get3A_1211 = arith.constant 9 : i32
    %get3A_1212 = arith.index_cast %get3A_1211 : i32 to index
    %get3A_1213 = arith.constant 96 : index
    %get3A_1214 = tpu.vector_load %arg5[%get3A_1212, %get3A_1213] {strides = array<i32>} : memref<16x128xi32, #tpu.memory_space<vmem>>, vector<1x16xi32>,
    %get3A_1215 = vector.shape_cast %get3A_1214 : vector<1x16xi32> to vector<16xi32>
    %add3A_1216 = arith.addi %get3A_1215, %mul3A_9 : vector<16xi32>
    %swap3A_1217 = arith.constant 9 : i32
    %swap3A_1218 = arith.index_cast %swap3A_1217 : i32 to index
    %swap3A_1219 = arith.constant 96 : index
    %swap3A_1220 = tpu.vector_load %arg5[%swap3A_1218, %swap3A_1219] {strides = array<i32>} : memref<16x128xi32, #tpu.memory_space<vmem>>, vector<1x16xi32>,
    %swap3A_1221 = vector.shape_cast %swap3A_1220 : vector<1x16xi32> to vector<16xi32>
    %swap3A_1222 = vector.shape_cast %add3A_1216 : vector<16xi32> to vector<1x16xi32>
    tpu.vector_store %arg5[%swap3A_1218, %swap3A_1219], %swap3A_1222 {strides = array<i32>} : memref<16x128xi32, #tpu.memory_space<vmem>>, vector<1x16xi32>,
    %get3A_1223 = arith.constant 9 : i32
    %get3A_1224 = arith.index_cast %get3A_1223 : i32 to index
    %get3A_1225 = arith.constant 112 : index
    %get3A_1226 = tpu.vector_load %arg5[%get3A_1224, %get3A_1225] {strides = array<i32>} : memref<16x128xi32, #tpu.memory_space<vmem>>, vector<1x16xi32>,
    %get3A_1227 = vector.shape_cast %get3A_1226 : vector<1x16xi32> to vector<16xi32>
    %add3A_1228 = arith.addi %get3A_1227, %mul3A_9 : vector<16xi32>
    %swap3A_1229 = arith.constant 9 : i32
    %swap3A_1230 = arith.index_cast %swap3A_1229 : i32 to index
    %swap3A_1231 = arith.constant 112 : index
    %swap3A_1232 = tpu.vector_load %arg5[%swap3A_1230, %swap3A_1231] {strides = array<i32>} : memref<16x128xi32, #tpu.memory_space<vmem>>, vector<1x16xi32>,
    %swap3A_1233 = vector.shape_cast %swap3A_1232 : vector<1x16xi32> to vector<16xi32>
    %swap3A_1234 = vector.shape_cast %add3A_1228 : vector<16xi32> to vector<1x16xi32>
    tpu.vector_store %arg5[%swap3A_1230, %swap3A_1231], %swap3A_1234 {strides = array<i32>} : memref<16x128xi32, #tpu.memory_space<vmem>>, vector<1x16xi32>,
    %dma_start3A_1235 = arith.constant 9 : i32
    %dma_start3A_1236 = arith.constant 2 : i32
    %dma_start3A_1237 = arith.constant 0 : i32
    %dma_start3A_1238 = arith.constant 0 : i32
    %dma_start3A_1239 = tpu.memref_slice %arg6[%dma_start3A_1236, %dma_start3A_1237, %dma_start3A_1238] : memref<7x128x128xf32, #tpu.memory_space<vmem>> -> memref<1x128x128xf32, #tpu.memory_space<vmem>>
    %dma_start3A_1240 = tpu.memref_squeeze %dma_start3A_1239 : memref<1x128x128xf32, #tpu.memory_space<vmem>> -> memref<128x128xf32, #tpu.memory_space<vmem>>
    %dma_start3A_1241 = arith.constant 0 : i32
    %dma_start3A_1242 = tpu.memref_slice %arg5[%dma_start3A_1235, %dma_start3A_1241] : memref<16x128xi32, #tpu.memory_space<vmem>> -> memref<1x128xi32, #tpu.memory_space<vmem>>
    %dma_start3A_1243 = tpu.memref_squeeze %dma_start3A_1242 : memref<1x128xi32, #tpu.memory_space<vmem>> -> memref<128xi32, #tpu.memory_space<vmem>>
    %dma_start3A_1244 = arith.constant 0 : i32
    %dma_start3A_1245 = arith.constant 0 : i32
    %dma_start3A_1246 = tpu.memref_slice %arg2[%dma_start3A_1244, %dma_start3A_1245] : memref<800000x128xf32, #tpu.memory_space<hbm>> -> memref<800000x128xf32, #tpu.memory_space<hbm>>
    tpu.enqueue_indirect_dma source(%dma_start3A_1246 : memref<800000x128xf32, #tpu.memory_space<hbm>>) target(%dma_start3A_1240 : memref<128x128xf32, #tpu.memory_space<vmem>>) offsets(%dma_start3A_1243 : memref<128xi32, #tpu.memory_space<vmem>>) semaphore(%arg9 : memref<!tpu.dma_semaphore, #tpu.memory_space<semaphore_mem>>)
    %dma_wait3A_1247 = arith.constant 4 : i32
    %dma_wait3A_1248 = arith.constant 4 : i32
    %dma_wait3A_1249 = arith.constant 0 : i32
    %dma_wait3A_1250 = arith.constant 0 : i32
    %dma_wait3A_1251 = tpu.memref_slice %arg6[%dma_wait3A_1248, %dma_wait3A_1249, %dma_wait3A_1250] : memref<7x128x128xf32, #tpu.memory_space<vmem>> -> memref<1x128x128xf32, #tpu.memory_space<vmem>>
    %dma_wait3A_1252 = tpu.memref_squeeze %dma_wait3A_1251 : memref<1x128x128xf32, #tpu.memory_space<vmem>> -> memref<128x128xf32, #tpu.memory_space<vmem>>
    %dma_wait3A_1253 = arith.constant 0 : i32
    %dma_wait3A_1254 = tpu.memref_slice %arg5[%dma_wait3A_1247, %dma_wait3A_1253] : memref<16x128xi32, #tpu.memory_space<vmem>> -> memref<1x128xi32, #tpu.memory_space<vmem>>
    %dma_wait3A_1255 = tpu.memref_squeeze %dma_wait3A_1254 : memref<1x128xi32, #tpu.memory_space<vmem>> -> memref<128xi32, #tpu.memory_space<vmem>>
    %dma_wait3A_1256 = arith.constant 0 : i32
    %dma_wait3A_1257 = arith.constant 0 : i32
    %dma_wait3A_1258 = tpu.memref_slice %arg2[%dma_wait3A_1256, %dma_wait3A_1257] : memref<800000x128xf32, #tpu.memory_space<hbm>> -> memref<800000x128xf32, #tpu.memory_space<hbm>>
    tpu.wait_indirect_dma semaphore(%arg11 : memref<!tpu.dma_semaphore, #tpu.memory_space<semaphore_mem>>) src(%dma_wait3A_1258 : memref<800000x128xf32, #tpu.memory_space<hbm>>) dst(%dma_wait3A_1252 : memref<128x128xf32, #tpu.memory_space<vmem>>)
    %add3A_1259 = arith.constant 512 : i32
    %add3A_1260 = arith.addi %mul3A_2, %add3A_1259 : i32
    %dma_start3A_1261 = arith.constant 4 : i32
    %dma_start3A_1262 = arith.constant 0 : i32
    %dma_start3A_1263 = arith.constant 0 : i32
    %dma_start3A_1264 = tpu.memref_slice %arg6[%dma_start3A_1261, %dma_start3A_1262, %dma_start3A_1263] : memref<7x128x128xf32, #tpu.memory_space<vmem>> -> memref<1x128x128xf32, #tpu.memory_space<vmem>>
    %dma_start3A_1265 = tpu.memref_squeeze %dma_start3A_1264 : memref<1x128x128xf32, #tpu.memory_space<vmem>> -> memref<128x128xf32, #tpu.memory_space<vmem>>
    %dma_start3A_1266 = tpu.memref_reshape %arg4 : memref<4x2048x8x128xf32, #tpu.memory_space<hbm>> -> memref<65536x128xf32, #tpu.memory_space<hbm>>
    %dma_start3A_1267 = arith.constant 0 : i32
    %dma_start3A_1268 = tpu.memref_slice %dma_start3A_1266[%add3A_1260, %dma_start3A_1267] : memref<65536x128xf32, #tpu.memory_space<hbm>> -> memref<128x128xf32, #tpu.memory_space<hbm>>
    %dma_start3A_1269 = tpu.memref_reshape %arg4 : memref<4x2048x8x128xf32, #tpu.memory_space<hbm>> -> memref<65536x128xf32, #tpu.memory_space<hbm>>
    %dma_start3A_1270 = arith.constant 0 : i32
    %dma_start3A_1271 = tpu.memref_slice %dma_start3A_1269[%add3A_1260, %dma_start3A_1270] : memref<65536x128xf32, #tpu.memory_space<hbm>> -> memref<128x128xf32, #tpu.memory_space<hbm>>
    %dma_start3A_1272 = arith.constant 0 : i32
    %dma_start3A_1273 = arith.constant 0 : i32
    %dma_start3A_1274 = tpu.memref_slice %arg6[%dma_start3A_1261, %dma_start3A_1272, %dma_start3A_1273] : memref<7x128x128xf32, #tpu.memory_space<vmem>> -> memref<1x128x128xf32, #tpu.memory_space<vmem>>
    %dma_start3A_1275 = tpu.memref_squeeze %dma_start3A_1274 : memref<1x128x128xf32, #tpu.memory_space<vmem>> -> memref<128x128xf32, #tpu.memory_space<vmem>>
    tpu.enqueue_dma source(%dma_start3A_1275 : memref<128x128xf32, #tpu.memory_space<vmem>>) target(%dma_start3A_1271 : memref<128x128xf32, #tpu.memory_space<hbm>>) target_semaphore(%arg11 : memref<!tpu.dma_semaphore, #tpu.memory_space<semaphore_mem>>)
    %dma_wait3A_1276 = arith.constant 3 : i32
    %dma_wait3A_1277 = arith.constant 0 : i32
    %dma_wait3A_1278 = arith.constant 0 : i32
    %dma_wait3A_1279 = tpu.memref_slice %arg6[%dma_wait3A_1276, %dma_wait3A_1277, %dma_wait3A_1278] : memref<7x128x128xf32, #tpu.memory_space<vmem>> -> memref<1x128x128xf32, #tpu.memory_space<vmem>>
    %dma_wait3A_1280 = tpu.memref_squeeze %dma_wait3A_1279 : memref<1x128x128xf32, #tpu.memory_space<vmem>> -> memref<128x128xf32, #tpu.memory_space<vmem>>
    %dma_wait3A_1281 = tpu.memref_reshape %arg4 : memref<4x2048x8x128xf32, #tpu.memory_space<hbm>> -> memref<65536x128xf32, #tpu.memory_space<hbm>>
    %dma_wait3A_1282 = arith.constant 0 : i32
    %dma_wait3A_1283 = tpu.memref_slice %dma_wait3A_1281[%add3A_1108, %dma_wait3A_1282] : memref<65536x128xf32, #tpu.memory_space<hbm>> -> memref<128x128xf32, #tpu.memory_space<hbm>>
    %dma_wait3A_1284 = tpu.memref_reshape %arg4 : memref<4x2048x8x128xf32, #tpu.memory_space<hbm>> -> memref<65536x128xf32, #tpu.memory_space<hbm>>
    %dma_wait3A_1285 = arith.constant 0 : i32
    %dma_wait3A_1286 = tpu.memref_slice %dma_wait3A_1284[%add3A_1108, %dma_wait3A_1285] : memref<65536x128xf32, #tpu.memory_space<hbm>> -> memref<128x128xf32, #tpu.memory_space<hbm>>
    %dma_wait3A_1287 = arith.constant 0 : i32
    %dma_wait3A_1288 = arith.constant 0 : i32
    %dma_wait3A_1289 = tpu.memref_slice %arg6[%dma_wait3A_1276, %dma_wait3A_1287, %dma_wait3A_1288] : memref<7x128x128xf32, #tpu.memory_space<vmem>> -> memref<1x128x128xf32, #tpu.memory_space<vmem>>
    %dma_wait3A_1290 = tpu.memref_squeeze %dma_wait3A_1289 : memref<1x128x128xf32, #tpu.memory_space<vmem>> -> memref<128x128xf32, #tpu.memory_space<vmem>>
    tpu.wait_dma2 semaphore(%arg10 : memref<!tpu.dma_semaphore, #tpu.memory_space<semaphore_mem>>) src(%dma_wait3A_1290 : memref<128x128xf32, #tpu.memory_space<vmem>>) dst(%dma_wait3A_1286 : memref<128x128xf32, #tpu.memory_space<hbm>>)
    %get3A_1291 = arith.constant 10 : i32
    %get3A_1292 = arith.index_cast %get3A_1291 : i32 to index
    %get3A_1293 = arith.constant 0 : index
    %get3A_1294 = tpu.vector_load %arg5[%get3A_1292, %get3A_1293] {strides = array<i32>} : memref<16x128xi32, #tpu.memory_space<vmem>>, vector<1x16xi32>,
    %get3A_1295 = vector.shape_cast %get3A_1294 : vector<1x16xi32> to vector<16xi32>
    %add3A_1296 = arith.addi %get3A_1295, %mul3A_9 : vector<16xi32>
    %swap3A_1297 = arith.constant 10 : i32
    %swap3A_1298 = arith.index_cast %swap3A_1297 : i32 to index
    %swap3A_1299 = arith.constant 0 : index
    %swap3A_1300 = tpu.vector_load %arg5[%swap3A_1298, %swap3A_1299] {strides = array<i32>} : memref<16x128xi32, #tpu.memory_space<vmem>>, vector<1x16xi32>,
    %swap3A_1301 = vector.shape_cast %swap3A_1300 : vector<1x16xi32> to vector<16xi32>
    %swap3A_1302 = vector.shape_cast %add3A_1296 : vector<16xi32> to vector<1x16xi32>
    tpu.vector_store %arg5[%swap3A_1298, %swap3A_1299], %swap3A_1302 {strides = array<i32>} : memref<16x128xi32, #tpu.memory_space<vmem>>, vector<1x16xi32>,
    %get3A_1303 = arith.constant 10 : i32
    %get3A_1304 = arith.index_cast %get3A_1303 : i32 to index
    %get3A_1305 = arith.constant 16 : index
    %get3A_1306 = tpu.vector_load %arg5[%get3A_1304, %get3A_1305] {strides = array<i32>} : memref<16x128xi32, #tpu.memory_space<vmem>>, vector<1x16xi32>,
    %get3A_1307 = vector.shape_cast %get3A_1306 : vector<1x16xi32> to vector<16xi32>
    %add3A_1308 = arith.addi %get3A_1307, %mul3A_9 : vector<16xi32>
    %swap3A_1309 = arith.constant 10 : i32
    %swap3A_1310 = arith.index_cast %swap3A_1309 : i32 to index
    %swap3A_1311 = arith.constant 16 : index
    %swap3A_1312 = tpu.vector_load %arg5[%swap3A_1310, %swap3A_1311] {strides = array<i32>} : memref<16x128xi32, #tpu.memory_space<vmem>>, vector<1x16xi32>,
    %swap3A_1313 = vector.shape_cast %swap3A_1312 : vector<1x16xi32> to vector<16xi32>
    %swap3A_1314 = vector.shape_cast %add3A_1308 : vector<16xi32> to vector<1x16xi32>
    tpu.vector_store %arg5[%swap3A_1310, %swap3A_1311], %swap3A_1314 {strides = array<i32>} : memref<16x128xi32, #tpu.memory_space<vmem>>, vector<1x16xi32>,
    %get3A_1315 = arith.constant 10 : i32
    %get3A_1316 = arith.index_cast %get3A_1315 : i32 to index
    %get3A_1317 = arith.constant 32 : index
    %get3A_1318 = tpu.vector_load %arg5[%get3A_1316, %get3A_1317] {strides = array<i32>} : memref<16x128xi32, #tpu.memory_space<vmem>>, vector<1x16xi32>,
    %get3A_1319 = vector.shape_cast %get3A_1318 : vector<1x16xi32> to vector<16xi32>
    %add3A_1320 = arith.addi %get3A_1319, %mul3A_9 : vector<16xi32>
    %swap3A_1321 = arith.constant 10 : i32
    %swap3A_1322 = arith.index_cast %swap3A_1321 : i32 to index
    %swap3A_1323 = arith.constant 32 : index
    %swap3A_1324 = tpu.vector_load %arg5[%swap3A_1322, %swap3A_1323] {strides = array<i32>} : memref<16x128xi32, #tpu.memory_space<vmem>>, vector<1x16xi32>,
    %swap3A_1325 = vector.shape_cast %swap3A_1324 : vector<1x16xi32> to vector<16xi32>
    %swap3A_1326 = vector.shape_cast %add3A_1320 : vector<16xi32> to vector<1x16xi32>
    tpu.vector_store %arg5[%swap3A_1322, %swap3A_1323], %swap3A_1326 {strides = array<i32>} : memref<16x128xi32, #tpu.memory_space<vmem>>, vector<1x16xi32>,
    %get3A_1327 = arith.constant 10 : i32
    %get3A_1328 = arith.index_cast %get3A_1327 : i32 to index
    %get3A_1329 = arith.constant 48 : index
    %get3A_1330 = tpu.vector_load %arg5[%get3A_1328, %get3A_1329] {strides = array<i32>} : memref<16x128xi32, #tpu.memory_space<vmem>>, vector<1x16xi32>,
    %get3A_1331 = vector.shape_cast %get3A_1330 : vector<1x16xi32> to vector<16xi32>
    %add3A_1332 = arith.addi %get3A_1331, %mul3A_9 : vector<16xi32>
    %swap3A_1333 = arith.constant 10 : i32
    %swap3A_1334 = arith.index_cast %swap3A_1333 : i32 to index
    %swap3A_1335 = arith.constant 48 : index
    %swap3A_1336 = tpu.vector_load %arg5[%swap3A_1334, %swap3A_1335] {strides = array<i32>} : memref<16x128xi32, #tpu.memory_space<vmem>>, vector<1x16xi32>,
    %swap3A_1337 = vector.shape_cast %swap3A_1336 : vector<1x16xi32> to vector<16xi32>
    %swap3A_1338 = vector.shape_cast %add3A_1332 : vector<16xi32> to vector<1x16xi32>
    tpu.vector_store %arg5[%swap3A_1334, %swap3A_1335], %swap3A_1338 {strides = array<i32>} : memref<16x128xi32, #tpu.memory_space<vmem>>, vector<1x16xi32>,
    %get3A_1339 = arith.constant 10 : i32
    %get3A_1340 = arith.index_cast %get3A_1339 : i32 to index
    %get3A_1341 = arith.constant 64 : index
    %get3A_1342 = tpu.vector_load %arg5[%get3A_1340, %get3A_1341] {strides = array<i32>} : memref<16x128xi32, #tpu.memory_space<vmem>>, vector<1x16xi32>,
    %get3A_1343 = vector.shape_cast %get3A_1342 : vector<1x16xi32> to vector<16xi32>
    %add3A_1344 = arith.addi %get3A_1343, %mul3A_9 : vector<16xi32>
    %swap3A_1345 = arith.constant 10 : i32
    %swap3A_1346 = arith.index_cast %swap3A_1345 : i32 to index
    %swap3A_1347 = arith.constant 64 : index
    %swap3A_1348 = tpu.vector_load %arg5[%swap3A_1346, %swap3A_1347] {strides = array<i32>} : memref<16x128xi32, #tpu.memory_space<vmem>>, vector<1x16xi32>,
    %swap3A_1349 = vector.shape_cast %swap3A_1348 : vector<1x16xi32> to vector<16xi32>
    %swap3A_1350 = vector.shape_cast %add3A_1344 : vector<16xi32> to vector<1x16xi32>
    tpu.vector_store %arg5[%swap3A_1346, %swap3A_1347], %swap3A_1350 {strides = array<i32>} : memref<16x128xi32, #tpu.memory_space<vmem>>, vector<1x16xi32>,
    %get3A_1351 = arith.constant 10 : i32
    %get3A_1352 = arith.index_cast %get3A_1351 : i32 to index
    %get3A_1353 = arith.constant 80 : index
    %get3A_1354 = tpu.vector_load %arg5[%get3A_1352, %get3A_1353] {strides = array<i32>} : memref<16x128xi32, #tpu.memory_space<vmem>>, vector<1x16xi32>,
    %get3A_1355 = vector.shape_cast %get3A_1354 : vector<1x16xi32> to vector<16xi32>
    %add3A_1356 = arith.addi %get3A_1355, %mul3A_9 : vector<16xi32>
    %swap3A_1357 = arith.constant 10 : i32
    %swap3A_1358 = arith.index_cast %swap3A_1357 : i32 to index
    %swap3A_1359 = arith.constant 80 : index
    %swap3A_1360 = tpu.vector_load %arg5[%swap3A_1358, %swap3A_1359] {strides = array<i32>} : memref<16x128xi32, #tpu.memory_space<vmem>>, vector<1x16xi32>,
    %swap3A_1361 = vector.shape_cast %swap3A_1360 : vector<1x16xi32> to vector<16xi32>
    %swap3A_1362 = vector.shape_cast %add3A_1356 : vector<16xi32> to vector<1x16xi32>
    tpu.vector_store %arg5[%swap3A_1358, %swap3A_1359], %swap3A_1362 {strides = array<i32>} : memref<16x128xi32, #tpu.memory_space<vmem>>, vector<1x16xi32>,
    %get3A_1363 = arith.constant 10 : i32
    %get3A_1364 = arith.index_cast %get3A_1363 : i32 to index
    %get3A_1365 = arith.constant 96 : index
    %get3A_1366 = tpu.vector_load %arg5[%get3A_1364, %get3A_1365] {strides = array<i32>} : memref<16x128xi32, #tpu.memory_space<vmem>>, vector<1x16xi32>,
    %get3A_1367 = vector.shape_cast %get3A_1366 : vector<1x16xi32> to vector<16xi32>
    %add3A_1368 = arith.addi %get3A_1367, %mul3A_9 : vector<16xi32>
    %swap3A_1369 = arith.constant 10 : i32
    %swap3A_1370 = arith.index_cast %swap3A_1369 : i32 to index
    %swap3A_1371 = arith.constant 96 : index
    %swap3A_1372 = tpu.vector_load %arg5[%swap3A_1370, %swap3A_1371] {strides = array<i32>} : memref<16x128xi32, #tpu.memory_space<vmem>>, vector<1x16xi32>,
    %swap3A_1373 = vector.shape_cast %swap3A_1372 : vector<1x16xi32> to vector<16xi32>
    %swap3A_1374 = vector.shape_cast %add3A_1368 : vector<16xi32> to vector<1x16xi32>
    tpu.vector_store %arg5[%swap3A_1370, %swap3A_1371], %swap3A_1374 {strides = array<i32>} : memref<16x128xi32, #tpu.memory_space<vmem>>, vector<1x16xi32>,
    %get3A_1375 = arith.constant 10 : i32
    %get3A_1376 = arith.index_cast %get3A_1375 : i32 to index
    %get3A_1377 = arith.constant 112 : index
    %get3A_1378 = tpu.vector_load %arg5[%get3A_1376, %get3A_1377] {strides = array<i32>} : memref<16x128xi32, #tpu.memory_space<vmem>>, vector<1x16xi32>,
    %get3A_1379 = vector.shape_cast %get3A_1378 : vector<1x16xi32> to vector<16xi32>
    %add3A_1380 = arith.addi %get3A_1379, %mul3A_9 : vector<16xi32>
    %swap3A_1381 = arith.constant 10 : i32
    %swap3A_1382 = arith.index_cast %swap3A_1381 : i32 to index
    %swap3A_1383 = arith.constant 112 : index
    %swap3A_1384 = tpu.vector_load %arg5[%swap3A_1382, %swap3A_1383] {strides = array<i32>} : memref<16x128xi32, #tpu.memory_space<vmem>>, vector<1x16xi32>,
    %swap3A_1385 = vector.shape_cast %swap3A_1384 : vector<1x16xi32> to vector<16xi32>
    %swap3A_1386 = vector.shape_cast %add3A_1380 : vector<16xi32> to vector<1x16xi32>
    tpu.vector_store %arg5[%swap3A_1382, %swap3A_1383], %swap3A_1386 {strides = array<i32>} : memref<16x128xi32, #tpu.memory_space<vmem>>, vector<1x16xi32>,
    %dma_start3A_1387 = arith.constant 10 : i32
    %dma_start3A_1388 = arith.constant 3 : i32
    %dma_start3A_1389 = arith.constant 0 : i32
    %dma_start3A_1390 = arith.constant 0 : i32
    %dma_start3A_1391 = tpu.memref_slice %arg6[%dma_start3A_1388, %dma_start3A_1389, %dma_start3A_1390] : memref<7x128x128xf32, #tpu.memory_space<vmem>> -> memref<1x128x128xf32, #tpu.memory_space<vmem>>
    %dma_start3A_1392 = tpu.memref_squeeze %dma_start3A_1391 : memref<1x128x128xf32, #tpu.memory_space<vmem>> -> memref<128x128xf32, #tpu.memory_space<vmem>>
    %dma_start3A_1393 = arith.constant 0 : i32
    %dma_start3A_1394 = tpu.memref_slice %arg5[%dma_start3A_1387, %dma_start3A_1393] : memref<16x128xi32, #tpu.memory_space<vmem>> -> memref<1x128xi32, #tpu.memory_space<vmem>>
    %dma_start3A_1395 = tpu.memref_squeeze %dma_start3A_1394 : memref<1x128xi32, #tpu.memory_space<vmem>> -> memref<128xi32, #tpu.memory_space<vmem>>
    %dma_start3A_1396 = arith.constant 0 : i32
    %dma_start3A_1397 = arith.constant 0 : i32
    %dma_start3A_1398 = tpu.memref_slice %arg2[%dma_start3A_1396, %dma_start3A_1397] : memref<800000x128xf32, #tpu.memory_space<hbm>> -> memref<800000x128xf32, #tpu.memory_space<hbm>>
    tpu.enqueue_indirect_dma source(%dma_start3A_1398 : memref<800000x128xf32, #tpu.memory_space<hbm>>) target(%dma_start3A_1392 : memref<128x128xf32, #tpu.memory_space<vmem>>) offsets(%dma_start3A_1395 : memref<128xi32, #tpu.memory_space<vmem>>) semaphore(%arg10 : memref<!tpu.dma_semaphore, #tpu.memory_space<semaphore_mem>>)
    %dma_wait3A_1399 = arith.constant 5 : i32
    %dma_wait3A_1400 = arith.constant 5 : i32
    %dma_wait3A_1401 = arith.constant 0 : i32
    %dma_wait3A_1402 = arith.constant 0 : i32
    %dma_wait3A_1403 = tpu.memref_slice %arg6[%dma_wait3A_1400, %dma_wait3A_1401, %dma_wait3A_1402] : memref<7x128x128xf32, #tpu.memory_space<vmem>> -> memref<1x128x128xf32, #tpu.memory_space<vmem>>
    %dma_wait3A_1404 = tpu.memref_squeeze %dma_wait3A_1403 : memref<1x128x128xf32, #tpu.memory_space<vmem>> -> memref<128x128xf32, #tpu.memory_space<vmem>>
    %dma_wait3A_1405 = arith.constant 0 : i32
    %dma_wait3A_1406 = tpu.memref_slice %arg5[%dma_wait3A_1399, %dma_wait3A_1405] : memref<16x128xi32, #tpu.memory_space<vmem>> -> memref<1x128xi32, #tpu.memory_space<vmem>>
    %dma_wait3A_1407 = tpu.memref_squeeze %dma_wait3A_1406 : memref<1x128xi32, #tpu.memory_space<vmem>> -> memref<128xi32, #tpu.memory_space<vmem>>
    %dma_wait3A_1408 = arith.constant 0 : i32
    %dma_wait3A_1409 = arith.constant 0 : i32
    %dma_wait3A_1410 = tpu.memref_slice %arg2[%dma_wait3A_1408, %dma_wait3A_1409] : memref<800000x128xf32, #tpu.memory_space<hbm>> -> memref<800000x128xf32, #tpu.memory_space<hbm>>
    tpu.wait_indirect_dma semaphore(%arg12 : memref<!tpu.dma_semaphore, #tpu.memory_space<semaphore_mem>>) src(%dma_wait3A_1410 : memref<800000x128xf32, #tpu.memory_space<hbm>>) dst(%dma_wait3A_1404 : memref<128x128xf32, #tpu.memory_space<vmem>>)
    %add3A_1411 = arith.constant 640 : i32
    %add3A_1412 = arith.addi %mul3A_2, %add3A_1411 : i32
    %dma_start3A_1413 = arith.constant 5 : i32
    %dma_start3A_1414 = arith.constant 0 : i32
    %dma_start3A_1415 = arith.constant 0 : i32
    %dma_start3A_1416 = tpu.memref_slice %arg6[%dma_start3A_1413, %dma_start3A_1414, %dma_start3A_1415] : memref<7x128x128xf32, #tpu.memory_space<vmem>> -> memref<1x128x128xf32, #tpu.memory_space<vmem>>
    %dma_start3A_1417 = tpu.memref_squeeze %dma_start3A_1416 : memref<1x128x128xf32, #tpu.memory_space<vmem>> -> memref<128x128xf32, #tpu.memory_space<vmem>>
    %dma_start3A_1418 = tpu.memref_reshape %arg4 : memref<4x2048x8x128xf32, #tpu.memory_space<hbm>> -> memref<65536x128xf32, #tpu.memory_space<hbm>>
    %dma_start3A_1419 = arith.constant 0 : i32
    %dma_start3A_1420 = tpu.memref_slice %dma_start3A_1418[%add3A_1412, %dma_start3A_1419] : memref<65536x128xf32, #tpu.memory_space<hbm>> -> memref<128x128xf32, #tpu.memory_space<hbm>>
    %dma_start3A_1421 = tpu.memref_reshape %arg4 : memref<4x2048x8x128xf32, #tpu.memory_space<hbm>> -> memref<65536x128xf32, #tpu.memory_space<hbm>>
    %dma_start3A_1422 = arith.constant 0 : i32
    %dma_start3A_1423 = tpu.memref_slice %dma_start3A_1421[%add3A_1412, %dma_start3A_1422] : memref<65536x128xf32, #tpu.memory_space<hbm>> -> memref<128x128xf32, #tpu.memory_space<hbm>>
    %dma_start3A_1424 = arith.constant 0 : i32
    %dma_start3A_1425 = arith.constant 0 : i32
    %dma_start3A_1426 = tpu.memref_slice %arg6[%dma_start3A_1413, %dma_start3A_1424, %dma_start3A_1425] : memref<7x128x128xf32, #tpu.memory_space<vmem>> -> memref<1x128x128xf32, #tpu.memory_space<vmem>>
    %dma_start3A_1427 = tpu.memref_squeeze %dma_start3A_1426 : memref<1x128x128xf32, #tpu.memory_space<vmem>> -> memref<128x128xf32, #tpu.memory_space<vmem>>
    tpu.enqueue_dma source(%dma_start3A_1427 : memref<128x128xf32, #tpu.memory_space<vmem>>) target(%dma_start3A_1423 : memref<128x128xf32, #tpu.memory_space<hbm>>) target_semaphore(%arg12 : memref<!tpu.dma_semaphore, #tpu.memory_space<semaphore_mem>>)
    %dma_wait3A_1428 = arith.constant 4 : i32
    %dma_wait3A_1429 = arith.constant 0 : i32
    %dma_wait3A_1430 = arith.constant 0 : i32
    %dma_wait3A_1431 = tpu.memref_slice %arg6[%dma_wait3A_1428, %dma_wait3A_1429, %dma_wait3A_1430] : memref<7x128x128xf32, #tpu.memory_space<vmem>> -> memref<1x128x128xf32, #tpu.memory_space<vmem>>
    %dma_wait3A_1432 = tpu.memref_squeeze %dma_wait3A_1431 : memref<1x128x128xf32, #tpu.memory_space<vmem>> -> memref<128x128xf32, #tpu.memory_space<vmem>>
    %dma_wait3A_1433 = tpu.memref_reshape %arg4 : memref<4x2048x8x128xf32, #tpu.memory_space<hbm>> -> memref<65536x128xf32, #tpu.memory_space<hbm>>
    %dma_wait3A_1434 = arith.constant 0 : i32
    %dma_wait3A_1435 = tpu.memref_slice %dma_wait3A_1433[%add3A_1260, %dma_wait3A_1434] : memref<65536x128xf32, #tpu.memory_space<hbm>> -> memref<128x128xf32, #tpu.memory_space<hbm>>
    %dma_wait3A_1436 = tpu.memref_reshape %arg4 : memref<4x2048x8x128xf32, #tpu.memory_space<hbm>> -> memref<65536x128xf32, #tpu.memory_space<hbm>>
    %dma_wait3A_1437 = arith.constant 0 : i32
    %dma_wait3A_1438 = tpu.memref_slice %dma_wait3A_1436[%add3A_1260, %dma_wait3A_1437] : memref<65536x128xf32, #tpu.memory_space<hbm>> -> memref<128x128xf32, #tpu.memory_space<hbm>>
    %dma_wait3A_1439 = arith.constant 0 : i32
    %dma_wait3A_1440 = arith.constant 0 : i32
    %dma_wait3A_1441 = tpu.memref_slice %arg6[%dma_wait3A_1428, %dma_wait3A_1439, %dma_wait3A_1440] : memref<7x128x128xf32, #tpu.memory_space<vmem>> -> memref<1x128x128xf32, #tpu.memory_space<vmem>>
    %dma_wait3A_1442 = tpu.memref_squeeze %dma_wait3A_1441 : memref<1x128x128xf32, #tpu.memory_space<vmem>> -> memref<128x128xf32, #tpu.memory_space<vmem>>
    tpu.wait_dma2 semaphore(%arg11 : memref<!tpu.dma_semaphore, #tpu.memory_space<semaphore_mem>>) src(%dma_wait3A_1442 : memref<128x128xf32, #tpu.memory_space<vmem>>) dst(%dma_wait3A_1438 : memref<128x128xf32, #tpu.memory_space<hbm>>)
    %get3A_1443 = arith.constant 11 : i32
    %get3A_1444 = arith.index_cast %get3A_1443 : i32 to index
    %get3A_1445 = arith.constant 0 : index
    %get3A_1446 = tpu.vector_load %arg5[%get3A_1444, %get3A_1445] {strides = array<i32>} : memref<16x128xi32, #tpu.memory_space<vmem>>, vector<1x16xi32>,
    %get3A_1447 = vector.shape_cast %get3A_1446 : vector<1x16xi32> to vector<16xi32>
    %add3A_1448 = arith.addi %get3A_1447, %mul3A_9 : vector<16xi32>
    %swap3A_1449 = arith.constant 11 : i32
    %swap3A_1450 = arith.index_cast %swap3A_1449 : i32 to index
    %swap3A_1451 = arith.constant 0 : index
    %swap3A_1452 = tpu.vector_load %arg5[%swap3A_1450, %swap3A_1451] {strides = array<i32>} : memref<16x128xi32, #tpu.memory_space<vmem>>, vector<1x16xi32>,
    %swap3A_1453 = vector.shape_cast %swap3A_1452 : vector<1x16xi32> to vector<16xi32>
    %swap3A_1454 = vector.shape_cast %add3A_1448 : vector<16xi32> to vector<1x16xi32>
    tpu.vector_store %arg5[%swap3A_1450, %swap3A_1451], %swap3A_1454 {strides = array<i32>} : memref<16x128xi32, #tpu.memory_space<vmem>>, vector<1x16xi32>,
    %get3A_1455 = arith.constant 11 : i32
    %get3A_1456 = arith.index_cast %get3A_1455 : i32 to index
    %get3A_1457 = arith.constant 16 : index
    %get3A_1458 = tpu.vector_load %arg5[%get3A_1456, %get3A_1457] {strides = array<i32>} : memref<16x128xi32, #tpu.memory_space<vmem>>, vector<1x16xi32>,
    %get3A_1459 = vector.shape_cast %get3A_1458 : vector<1x16xi32> to vector<16xi32>
    %add3A_1460 = arith.addi %get3A_1459, %mul3A_9 : vector<16xi32>
    %swap3A_1461 = arith.constant 11 : i32
    %swap3A_1462 = arith.index_cast %swap3A_1461 : i32 to index
    %swap3A_1463 = arith.constant 16 : index
    %swap3A_1464 = tpu.vector_load %arg5[%swap3A_1462, %swap3A_1463] {strides = array<i32>} : memref<16x128xi32, #tpu.memory_space<vmem>>, vector<1x16xi32>,
    %swap3A_1465 = vector.shape_cast %swap3A_1464 : vector<1x16xi32> to vector<16xi32>
    %swap3A_1466 = vector.shape_cast %add3A_1460 : vector<16xi32> to vector<1x16xi32>
    tpu.vector_store %arg5[%swap3A_1462, %swap3A_1463], %swap3A_1466 {strides = array<i32>} : memref<16x128xi32, #tpu.memory_space<vmem>>, vector<1x16xi32>,
    %get3A_1467 = arith.constant 11 : i32
    %get3A_1468 = arith.index_cast %get3A_1467 : i32 to index
    %get3A_1469 = arith.constant 32 : index
    %get3A_1470 = tpu.vector_load %arg5[%get3A_1468, %get3A_1469] {strides = array<i32>} : memref<16x128xi32, #tpu.memory_space<vmem>>, vector<1x16xi32>,
    %get3A_1471 = vector.shape_cast %get3A_1470 : vector<1x16xi32> to vector<16xi32>
    %add3A_1472 = arith.addi %get3A_1471, %mul3A_9 : vector<16xi32>
    %swap3A_1473 = arith.constant 11 : i32
    %swap3A_1474 = arith.index_cast %swap3A_1473 : i32 to index
    %swap3A_1475 = arith.constant 32 : index
    %swap3A_1476 = tpu.vector_load %arg5[%swap3A_1474, %swap3A_1475] {strides = array<i32>} : memref<16x128xi32, #tpu.memory_space<vmem>>, vector<1x16xi32>,
    %swap3A_1477 = vector.shape_cast %swap3A_1476 : vector<1x16xi32> to vector<16xi32>
    %swap3A_1478 = vector.shape_cast %add3A_1472 : vector<16xi32> to vector<1x16xi32>
    tpu.vector_store %arg5[%swap3A_1474, %swap3A_1475], %swap3A_1478 {strides = array<i32>} : memref<16x128xi32, #tpu.memory_space<vmem>>, vector<1x16xi32>,
    %get3A_1479 = arith.constant 11 : i32
    %get3A_1480 = arith.index_cast %get3A_1479 : i32 to index
    %get3A_1481 = arith.constant 48 : index
    %get3A_1482 = tpu.vector_load %arg5[%get3A_1480, %get3A_1481] {strides = array<i32>} : memref<16x128xi32, #tpu.memory_space<vmem>>, vector<1x16xi32>,
    %get3A_1483 = vector.shape_cast %get3A_1482 : vector<1x16xi32> to vector<16xi32>
    %add3A_1484 = arith.addi %get3A_1483, %mul3A_9 : vector<16xi32>
    %swap3A_1485 = arith.constant 11 : i32
    %swap3A_1486 = arith.index_cast %swap3A_1485 : i32 to index
    %swap3A_1487 = arith.constant 48 : index
    %swap3A_1488 = tpu.vector_load %arg5[%swap3A_1486, %swap3A_1487] {strides = array<i32>} : memref<16x128xi32, #tpu.memory_space<vmem>>, vector<1x16xi32>,
    %swap3A_1489 = vector.shape_cast %swap3A_1488 : vector<1x16xi32> to vector<16xi32>
    %swap3A_1490 = vector.shape_cast %add3A_1484 : vector<16xi32> to vector<1x16xi32>
    tpu.vector_store %arg5[%swap3A_1486, %swap3A_1487], %swap3A_1490 {strides = array<i32>} : memref<16x128xi32, #tpu.memory_space<vmem>>, vector<1x16xi32>,
    %get3A_1491 = arith.constant 11 : i32
    %get3A_1492 = arith.index_cast %get3A_1491 : i32 to index
    %get3A_1493 = arith.constant 64 : index
    %get3A_1494 = tpu.vector_load %arg5[%get3A_1492, %get3A_1493] {strides = array<i32>} : memref<16x128xi32, #tpu.memory_space<vmem>>, vector<1x16xi32>,
    %get3A_1495 = vector.shape_cast %get3A_1494 : vector<1x16xi32> to vector<16xi32>
    %add3A_1496 = arith.addi %get3A_1495, %mul3A_9 : vector<16xi32>
    %swap3A_1497 = arith.constant 11 : i32
    %swap3A_1498 = arith.index_cast %swap3A_1497 : i32 to index
    %swap3A_1499 = arith.constant 64 : index
    %swap3A_1500 = tpu.vector_load %arg5[%swap3A_1498, %swap3A_1499] {strides = array<i32>} : memref<16x128xi32, #tpu.memory_space<vmem>>, vector<1x16xi32>,
    %swap3A_1501 = vector.shape_cast %swap3A_1500 : vector<1x16xi32> to vector<16xi32>
    %swap3A_1502 = vector.shape_cast %add3A_1496 : vector<16xi32> to vector<1x16xi32>
    tpu.vector_store %arg5[%swap3A_1498, %swap3A_1499], %swap3A_1502 {strides = array<i32>} : memref<16x128xi32, #tpu.memory_space<vmem>>, vector<1x16xi32>,
    %get3A_1503 = arith.constant 11 : i32
    %get3A_1504 = arith.index_cast %get3A_1503 : i32 to index
    %get3A_1505 = arith.constant 80 : index
    %get3A_1506 = tpu.vector_load %arg5[%get3A_1504, %get3A_1505] {strides = array<i32>} : memref<16x128xi32, #tpu.memory_space<vmem>>, vector<1x16xi32>,
    %get3A_1507 = vector.shape_cast %get3A_1506 : vector<1x16xi32> to vector<16xi32>
    %add3A_1508 = arith.addi %get3A_1507, %mul3A_9 : vector<16xi32>
    %swap3A_1509 = arith.constant 11 : i32
    %swap3A_1510 = arith.index_cast %swap3A_1509 : i32 to index
    %swap3A_1511 = arith.constant 80 : index
    %swap3A_1512 = tpu.vector_load %arg5[%swap3A_1510, %swap3A_1511] {strides = array<i32>} : memref<16x128xi32, #tpu.memory_space<vmem>>, vector<1x16xi32>,
    %swap3A_1513 = vector.shape_cast %swap3A_1512 : vector<1x16xi32> to vector<16xi32>
    %swap3A_1514 = vector.shape_cast %add3A_1508 : vector<16xi32> to vector<1x16xi32>
    tpu.vector_store %arg5[%swap3A_1510, %swap3A_1511], %swap3A_1514 {strides = array<i32>} : memref<16x128xi32, #tpu.memory_space<vmem>>, vector<1x16xi32>,
    %get3A_1515 = arith.constant 11 : i32
    %get3A_1516 = arith.index_cast %get3A_1515 : i32 to index
    %get3A_1517 = arith.constant 96 : index
    %get3A_1518 = tpu.vector_load %arg5[%get3A_1516, %get3A_1517] {strides = array<i32>} : memref<16x128xi32, #tpu.memory_space<vmem>>, vector<1x16xi32>,
    %get3A_1519 = vector.shape_cast %get3A_1518 : vector<1x16xi32> to vector<16xi32>
    %add3A_1520 = arith.addi %get3A_1519, %mul3A_9 : vector<16xi32>
    %swap3A_1521 = arith.constant 11 : i32
    %swap3A_1522 = arith.index_cast %swap3A_1521 : i32 to index
    %swap3A_1523 = arith.constant 96 : index
    %swap3A_1524 = tpu.vector_load %arg5[%swap3A_1522, %swap3A_1523] {strides = array<i32>} : memref<16x128xi32, #tpu.memory_space<vmem>>, vector<1x16xi32>,
    %swap3A_1525 = vector.shape_cast %swap3A_1524 : vector<1x16xi32> to vector<16xi32>
    %swap3A_1526 = vector.shape_cast %add3A_1520 : vector<16xi32> to vector<1x16xi32>
    tpu.vector_store %arg5[%swap3A_1522, %swap3A_1523], %swap3A_1526 {strides = array<i32>} : memref<16x128xi32, #tpu.memory_space<vmem>>, vector<1x16xi32>,
    %get3A_1527 = arith.constant 11 : i32
    %get3A_1528 = arith.index_cast %get3A_1527 : i32 to index
    %get3A_1529 = arith.constant 112 : index
    %get3A_1530 = tpu.vector_load %arg5[%get3A_1528, %get3A_1529] {strides = array<i32>} : memref<16x128xi32, #tpu.memory_space<vmem>>, vector<1x16xi32>,
    %get3A_1531 = vector.shape_cast %get3A_1530 : vector<1x16xi32> to vector<16xi32>
    %add3A_1532 = arith.addi %get3A_1531, %mul3A_9 : vector<16xi32>
    %swap3A_1533 = arith.constant 11 : i32
    %swap3A_1534 = arith.index_cast %swap3A_1533 : i32 to index
    %swap3A_1535 = arith.constant 112 : index
    %swap3A_1536 = tpu.vector_load %arg5[%swap3A_1534, %swap3A_1535] {strides = array<i32>} : memref<16x128xi32, #tpu.memory_space<vmem>>, vector<1x16xi32>,
    %swap3A_1537 = vector.shape_cast %swap3A_1536 : vector<1x16xi32> to vector<16xi32>
    %swap3A_1538 = vector.shape_cast %add3A_1532 : vector<16xi32> to vector<1x16xi32>
    tpu.vector_store %arg5[%swap3A_1534, %swap3A_1535], %swap3A_1538 {strides = array<i32>} : memref<16x128xi32, #tpu.memory_space<vmem>>, vector<1x16xi32>,
    %dma_start3A_1539 = arith.constant 11 : i32
    %dma_start3A_1540 = arith.constant 4 : i32
    %dma_start3A_1541 = arith.constant 0 : i32
    %dma_start3A_1542 = arith.constant 0 : i32
    %dma_start3A_1543 = tpu.memref_slice %arg6[%dma_start3A_1540, %dma_start3A_1541, %dma_start3A_1542] : memref<7x128x128xf32, #tpu.memory_space<vmem>> -> memref<1x128x128xf32, #tpu.memory_space<vmem>>
    %dma_start3A_1544 = tpu.memref_squeeze %dma_start3A_1543 : memref<1x128x128xf32, #tpu.memory_space<vmem>> -> memref<128x128xf32, #tpu.memory_space<vmem>>
    %dma_start3A_1545 = arith.constant 0 : i32
    %dma_start3A_1546 = tpu.memref_slice %arg5[%dma_start3A_1539, %dma_start3A_1545] : memref<16x128xi32, #tpu.memory_space<vmem>> -> memref<1x128xi32, #tpu.memory_space<vmem>>
    %dma_start3A_1547 = tpu.memref_squeeze %dma_start3A_1546 : memref<1x128xi32, #tpu.memory_space<vmem>> -> memref<128xi32, #tpu.memory_space<vmem>>
    %dma_start3A_1548 = arith.constant 0 : i32
    %dma_start3A_1549 = arith.constant 0 : i32
    %dma_start3A_1550 = tpu.memref_slice %arg2[%dma_start3A_1548, %dma_start3A_1549] : memref<800000x128xf32, #tpu.memory_space<hbm>> -> memref<800000x128xf32, #tpu.memory_space<hbm>>
    tpu.enqueue_indirect_dma source(%dma_start3A_1550 : memref<800000x128xf32, #tpu.memory_space<hbm>>) target(%dma_start3A_1544 : memref<128x128xf32, #tpu.memory_space<vmem>>) offsets(%dma_start3A_1547 : memref<128xi32, #tpu.memory_space<vmem>>) semaphore(%arg11 : memref<!tpu.dma_semaphore, #tpu.memory_space<semaphore_mem>>)
    %dma_wait3A_1551 = arith.constant 6 : i32
    %dma_wait3A_1552 = arith.constant 6 : i32
    %dma_wait3A_1553 = arith.constant 0 : i32
    %dma_wait3A_1554 = arith.constant 0 : i32
    %dma_wait3A_1555 = tpu.memref_slice %arg6[%dma_wait3A_1552, %dma_wait3A_1553, %dma_wait3A_1554] : memref<7x128x128xf32, #tpu.memory_space<vmem>> -> memref<1x128x128xf32, #tpu.memory_space<vmem>>
    %dma_wait3A_1556 = tpu.memref_squeeze %dma_wait3A_1555 : memref<1x128x128xf32, #tpu.memory_space<vmem>> -> memref<128x128xf32, #tpu.memory_space<vmem>>
    %dma_wait3A_1557 = arith.constant 0 : i32
    %dma_wait3A_1558 = tpu.memref_slice %arg5[%dma_wait3A_1551, %dma_wait3A_1557] : memref<16x128xi32, #tpu.memory_space<vmem>> -> memref<1x128xi32, #tpu.memory_space<vmem>>
    %dma_wait3A_1559 = tpu.memref_squeeze %dma_wait3A_1558 : memref<1x128xi32, #tpu.memory_space<vmem>> -> memref<128xi32, #tpu.memory_space<vmem>>
    %dma_wait3A_1560 = arith.constant 0 : i32
    %dma_wait3A_1561 = arith.constant 0 : i32
    %dma_wait3A_1562 = tpu.memref_slice %arg2[%dma_wait3A_1560, %dma_wait3A_1561] : memref<800000x128xf32, #tpu.memory_space<hbm>> -> memref<800000x128xf32, #tpu.memory_space<hbm>>
    tpu.wait_indirect_dma semaphore(%arg13 : memref<!tpu.dma_semaphore, #tpu.memory_space<semaphore_mem>>) src(%dma_wait3A_1562 : memref<800000x128xf32, #tpu.memory_space<hbm>>) dst(%dma_wait3A_1556 : memref<128x128xf32, #tpu.memory_space<vmem>>)
    %add3A_1563 = arith.constant 768 : i32
    %add3A_1564 = arith.addi %mul3A_2, %add3A_1563 : i32
    %dma_start3A_1565 = arith.constant 6 : i32
    %dma_start3A_1566 = arith.constant 0 : i32
    %dma_start3A_1567 = arith.constant 0 : i32
    %dma_start3A_1568 = tpu.memref_slice %arg6[%dma_start3A_1565, %dma_start3A_1566, %dma_start3A_1567] : memref<7x128x128xf32, #tpu.memory_space<vmem>> -> memref<1x128x128xf32, #tpu.memory_space<vmem>>
    %dma_start3A_1569 = tpu.memref_squeeze %dma_start3A_1568 : memref<1x128x128xf32, #tpu.memory_space<vmem>> -> memref<128x128xf32, #tpu.memory_space<vmem>>
    %dma_start3A_1570 = tpu.memref_reshape %arg4 : memref<4x2048x8x128xf32, #tpu.memory_space<hbm>> -> memref<65536x128xf32, #tpu.memory_space<hbm>>
    %dma_start3A_1571 = arith.constant 0 : i32
    %dma_start3A_1572 = tpu.memref_slice %dma_start3A_1570[%add3A_1564, %dma_start3A_1571] : memref<65536x128xf32, #tpu.memory_space<hbm>> -> memref<128x128xf32, #tpu.memory_space<hbm>>
    %dma_start3A_1573 = tpu.memref_reshape %arg4 : memref<4x2048x8x128xf32, #tpu.memory_space<hbm>> -> memref<65536x128xf32, #tpu.memory_space<hbm>>
    %dma_start3A_1574 = arith.constant 0 : i32
    %dma_start3A_1575 = tpu.memref_slice %dma_start3A_1573[%add3A_1564, %dma_start3A_1574] : memref<65536x128xf32, #tpu.memory_space<hbm>> -> memref<128x128xf32, #tpu.memory_space<hbm>>
    %dma_start3A_1576 = arith.constant 0 : i32
    %dma_start3A_1577 = arith.constant 0 : i32
    %dma_start3A_1578 = tpu.memref_slice %arg6[%dma_start3A_1565, %dma_start3A_1576, %dma_start3A_1577] : memref<7x128x128xf32, #tpu.memory_space<vmem>> -> memref<1x128x128xf32, #tpu.memory_space<vmem>>
    %dma_start3A_1579 = tpu.memref_squeeze %dma_start3A_1578 : memref<1x128x128xf32, #tpu.memory_space<vmem>> -> memref<128x128xf32, #tpu.memory_space<vmem>>
    tpu.enqueue_dma source(%dma_start3A_1579 : memref<128x128xf32, #tpu.memory_space<vmem>>) target(%dma_start3A_1575 : memref<128x128xf32, #tpu.memory_space<hbm>>) target_semaphore(%arg13 : memref<!tpu.dma_semaphore, #tpu.memory_space<semaphore_mem>>)
    %dma_wait3A_1580 = arith.constant 5 : i32
    %dma_wait3A_1581 = arith.constant 0 : i32
    %dma_wait3A_1582 = arith.constant 0 : i32
    %dma_wait3A_1583 = tpu.memref_slice %arg6[%dma_wait3A_1580, %dma_wait3A_1581, %dma_wait3A_1582] : memref<7x128x128xf32, #tpu.memory_space<vmem>> -> memref<1x128x128xf32, #tpu.memory_space<vmem>>
    %dma_wait3A_1584 = tpu.memref_squeeze %dma_wait3A_1583 : memref<1x128x128xf32, #tpu.memory_space<vmem>> -> memref<128x128xf32, #tpu.memory_space<vmem>>
    %dma_wait3A_1585 = tpu.memref_reshape %arg4 : memref<4x2048x8x128xf32, #tpu.memory_space<hbm>> -> memref<65536x128xf32, #tpu.memory_space<hbm>>
    %dma_wait3A_1586 = arith.constant 0 : i32
    %dma_wait3A_1587 = tpu.memref_slice %dma_wait3A_1585[%add3A_1412, %dma_wait3A_1586] : memref<65536x128xf32, #tpu.memory_space<hbm>> -> memref<128x128xf32, #tpu.memory_space<hbm>>
    %dma_wait3A_1588 = tpu.memref_reshape %arg4 : memref<4x2048x8x128xf32, #tpu.memory_space<hbm>> -> memref<65536x128xf32, #tpu.memory_space<hbm>>
    %dma_wait3A_1589 = arith.constant 0 : i32
    %dma_wait3A_1590 = tpu.memref_slice %dma_wait3A_1588[%add3A_1412, %dma_wait3A_1589] : memref<65536x128xf32, #tpu.memory_space<hbm>> -> memref<128x128xf32, #tpu.memory_space<hbm>>
    %dma_wait3A_1591 = arith.constant 0 : i32
    %dma_wait3A_1592 = arith.constant 0 : i32
    %dma_wait3A_1593 = tpu.memref_slice %arg6[%dma_wait3A_1580, %dma_wait3A_1591, %dma_wait3A_1592] : memref<7x128x128xf32, #tpu.memory_space<vmem>> -> memref<1x128x128xf32, #tpu.memory_space<vmem>>
    %dma_wait3A_1594 = tpu.memref_squeeze %dma_wait3A_1593 : memref<1x128x128xf32, #tpu.memory_space<vmem>> -> memref<128x128xf32, #tpu.memory_space<vmem>>
    tpu.wait_dma2 semaphore(%arg12 : memref<!tpu.dma_semaphore, #tpu.memory_space<semaphore_mem>>) src(%dma_wait3A_1594 : memref<128x128xf32, #tpu.memory_space<vmem>>) dst(%dma_wait3A_1590 : memref<128x128xf32, #tpu.memory_space<hbm>>)
    %get3A_1595 = arith.constant 12 : i32
    %get3A_1596 = arith.index_cast %get3A_1595 : i32 to index
    %get3A_1597 = arith.constant 0 : index
    %get3A_1598 = tpu.vector_load %arg5[%get3A_1596, %get3A_1597] {strides = array<i32>} : memref<16x128xi32, #tpu.memory_space<vmem>>, vector<1x16xi32>,
    %get3A_1599 = vector.shape_cast %get3A_1598 : vector<1x16xi32> to vector<16xi32>
    %add3A_1600 = arith.addi %get3A_1599, %mul3A_9 : vector<16xi32>
    %swap3A_1601 = arith.constant 12 : i32
    %swap3A_1602 = arith.index_cast %swap3A_1601 : i32 to index
    %swap3A_1603 = arith.constant 0 : index
    %swap3A_1604 = tpu.vector_load %arg5[%swap3A_1602, %swap3A_1603] {strides = array<i32>} : memref<16x128xi32, #tpu.memory_space<vmem>>, vector<1x16xi32>,
    %swap3A_1605 = vector.shape_cast %swap3A_1604 : vector<1x16xi32> to vector<16xi32>
    %swap3A_1606 = vector.shape_cast %add3A_1600 : vector<16xi32> to vector<1x16xi32>
    tpu.vector_store %arg5[%swap3A_1602, %swap3A_1603], %swap3A_1606 {strides = array<i32>} : memref<16x128xi32, #tpu.memory_space<vmem>>, vector<1x16xi32>,
    %get3A_1607 = arith.constant 12 : i32
    %get3A_1608 = arith.index_cast %get3A_1607 : i32 to index
    %get3A_1609 = arith.constant 16 : index
    %get3A_1610 = tpu.vector_load %arg5[%get3A_1608, %get3A_1609] {strides = array<i32>} : memref<16x128xi32, #tpu.memory_space<vmem>>, vector<1x16xi32>,
    %get3A_1611 = vector.shape_cast %get3A_1610 : vector<1x16xi32> to vector<16xi32>
    %add3A_1612 = arith.addi %get3A_1611, %mul3A_9 : vector<16xi32>
    %swap3A_1613 = arith.constant 12 : i32
    %swap3A_1614 = arith.index_cast %swap3A_1613 : i32 to index
    %swap3A_1615 = arith.constant 16 : index
    %swap3A_1616 = tpu.vector_load %arg5[%swap3A_1614, %swap3A_1615] {strides = array<i32>} : memref<16x128xi32, #tpu.memory_space<vmem>>, vector<1x16xi32>,
    %swap3A_1617 = vector.shape_cast %swap3A_1616 : vector<1x16xi32> to vector<16xi32>
    %swap3A_1618 = vector.shape_cast %add3A_1612 : vector<16xi32> to vector<1x16xi32>
    tpu.vector_store %arg5[%swap3A_1614, %swap3A_1615], %swap3A_1618 {strides = array<i32>} : memref<16x128xi32, #tpu.memory_space<vmem>>, vector<1x16xi32>,
    %get3A_1619 = arith.constant 12 : i32
    %get3A_1620 = arith.index_cast %get3A_1619 : i32 to index
    %get3A_1621 = arith.constant 32 : index
    %get3A_1622 = tpu.vector_load %arg5[%get3A_1620, %get3A_1621] {strides = array<i32>} : memref<16x128xi32, #tpu.memory_space<vmem>>, vector<1x16xi32>,
    %get3A_1623 = vector.shape_cast %get3A_1622 : vector<1x16xi32> to vector<16xi32>
    %add3A_1624 = arith.addi %get3A_1623, %mul3A_9 : vector<16xi32>
    %swap3A_1625 = arith.constant 12 : i32
    %swap3A_1626 = arith.index_cast %swap3A_1625 : i32 to index
    %swap3A_1627 = arith.constant 32 : index
    %swap3A_1628 = tpu.vector_load %arg5[%swap3A_1626, %swap3A_1627] {strides = array<i32>} : memref<16x128xi32, #tpu.memory_space<vmem>>, vector<1x16xi32>,
    %swap3A_1629 = vector.shape_cast %swap3A_1628 : vector<1x16xi32> to vector<16xi32>
    %swap3A_1630 = vector.shape_cast %add3A_1624 : vector<16xi32> to vector<1x16xi32>
    tpu.vector_store %arg5[%swap3A_1626, %swap3A_1627], %swap3A_1630 {strides = array<i32>} : memref<16x128xi32, #tpu.memory_space<vmem>>, vector<1x16xi32>,
    %get3A_1631 = arith.constant 12 : i32
    %get3A_1632 = arith.index_cast %get3A_1631 : i32 to index
    %get3A_1633 = arith.constant 48 : index
    %get3A_1634 = tpu.vector_load %arg5[%get3A_1632, %get3A_1633] {strides = array<i32>} : memref<16x128xi32, #tpu.memory_space<vmem>>, vector<1x16xi32>,
    %get3A_1635 = vector.shape_cast %get3A_1634 : vector<1x16xi32> to vector<16xi32>
    %add3A_1636 = arith.addi %get3A_1635, %mul3A_9 : vector<16xi32>
    %swap3A_1637 = arith.constant 12 : i32
    %swap3A_1638 = arith.index_cast %swap3A_1637 : i32 to index
    %swap3A_1639 = arith.constant 48 : index
    %swap3A_1640 = tpu.vector_load %arg5[%swap3A_1638, %swap3A_1639] {strides = array<i32>} : memref<16x128xi32, #tpu.memory_space<vmem>>, vector<1x16xi32>,
    %swap3A_1641 = vector.shape_cast %swap3A_1640 : vector<1x16xi32> to vector<16xi32>
    %swap3A_1642 = vector.shape_cast %add3A_1636 : vector<16xi32> to vector<1x16xi32>
    tpu.vector_store %arg5[%swap3A_1638, %swap3A_1639], %swap3A_1642 {strides = array<i32>} : memref<16x128xi32, #tpu.memory_space<vmem>>, vector<1x16xi32>,
    %get3A_1643 = arith.constant 12 : i32
    %get3A_1644 = arith.index_cast %get3A_1643 : i32 to index
    %get3A_1645 = arith.constant 64 : index
    %get3A_1646 = tpu.vector_load %arg5[%get3A_1644, %get3A_1645] {strides = array<i32>} : memref<16x128xi32, #tpu.memory_space<vmem>>, vector<1x16xi32>,
    %get3A_1647 = vector.shape_cast %get3A_1646 : vector<1x16xi32> to vector<16xi32>
    %add3A_1648 = arith.addi %get3A_1647, %mul3A_9 : vector<16xi32>
    %swap3A_1649 = arith.constant 12 : i32
    %swap3A_1650 = arith.index_cast %swap3A_1649 : i32 to index
    %swap3A_1651 = arith.constant 64 : index
    %swap3A_1652 = tpu.vector_load %arg5[%swap3A_1650, %swap3A_1651] {strides = array<i32>} : memref<16x128xi32, #tpu.memory_space<vmem>>, vector<1x16xi32>,
    %swap3A_1653 = vector.shape_cast %swap3A_1652 : vector<1x16xi32> to vector<16xi32>
    %swap3A_1654 = vector.shape_cast %add3A_1648 : vector<16xi32> to vector<1x16xi32>
    tpu.vector_store %arg5[%swap3A_1650, %swap3A_1651], %swap3A_1654 {strides = array<i32>} : memref<16x128xi32, #tpu.memory_space<vmem>>, vector<1x16xi32>,
    %get3A_1655 = arith.constant 12 : i32
    %get3A_1656 = arith.index_cast %get3A_1655 : i32 to index
    %get3A_1657 = arith.constant 80 : index
    %get3A_1658 = tpu.vector_load %arg5[%get3A_1656, %get3A_1657] {strides = array<i32>} : memref<16x128xi32, #tpu.memory_space<vmem>>, vector<1x16xi32>,
    %get3A_1659 = vector.shape_cast %get3A_1658 : vector<1x16xi32> to vector<16xi32>
    %add3A_1660 = arith.addi %get3A_1659, %mul3A_9 : vector<16xi32>
    %swap3A_1661 = arith.constant 12 : i32
    %swap3A_1662 = arith.index_cast %swap3A_1661 : i32 to index
    %swap3A_1663 = arith.constant 80 : index
    %swap3A_1664 = tpu.vector_load %arg5[%swap3A_1662, %swap3A_1663] {strides = array<i32>} : memref<16x128xi32, #tpu.memory_space<vmem>>, vector<1x16xi32>,
    %swap3A_1665 = vector.shape_cast %swap3A_1664 : vector<1x16xi32> to vector<16xi32>
    %swap3A_1666 = vector.shape_cast %add3A_1660 : vector<16xi32> to vector<1x16xi32>
    tpu.vector_store %arg5[%swap3A_1662, %swap3A_1663], %swap3A_1666 {strides = array<i32>} : memref<16x128xi32, #tpu.memory_space<vmem>>, vector<1x16xi32>,
    %get3A_1667 = arith.constant 12 : i32
    %get3A_1668 = arith.index_cast %get3A_1667 : i32 to index
    %get3A_1669 = arith.constant 96 : index
    %get3A_1670 = tpu.vector_load %arg5[%get3A_1668, %get3A_1669] {strides = array<i32>} : memref<16x128xi32, #tpu.memory_space<vmem>>, vector<1x16xi32>,
    %get3A_1671 = vector.shape_cast %get3A_1670 : vector<1x16xi32> to vector<16xi32>
    %add3A_1672 = arith.addi %get3A_1671, %mul3A_9 : vector<16xi32>
    %swap3A_1673 = arith.constant 12 : i32
    %swap3A_1674 = arith.index_cast %swap3A_1673 : i32 to index
    %swap3A_1675 = arith.constant 96 : index
    %swap3A_1676 = tpu.vector_load %arg5[%swap3A_1674, %swap3A_1675] {strides = array<i32>} : memref<16x128xi32, #tpu.memory_space<vmem>>, vector<1x16xi32>,
    %swap3A_1677 = vector.shape_cast %swap3A_1676 : vector<1x16xi32> to vector<16xi32>
    %swap3A_1678 = vector.shape_cast %add3A_1672 : vector<16xi32> to vector<1x16xi32>
    tpu.vector_store %arg5[%swap3A_1674, %swap3A_1675], %swap3A_1678 {strides = array<i32>} : memref<16x128xi32, #tpu.memory_space<vmem>>, vector<1x16xi32>,
    %get3A_1679 = arith.constant 12 : i32
    %get3A_1680 = arith.index_cast %get3A_1679 : i32 to index
    %get3A_1681 = arith.constant 112 : index
    %get3A_1682 = tpu.vector_load %arg5[%get3A_1680, %get3A_1681] {strides = array<i32>} : memref<16x128xi32, #tpu.memory_space<vmem>>, vector<1x16xi32>,
    %get3A_1683 = vector.shape_cast %get3A_1682 : vector<1x16xi32> to vector<16xi32>
    %add3A_1684 = arith.addi %get3A_1683, %mul3A_9 : vector<16xi32>
    %swap3A_1685 = arith.constant 12 : i32
    %swap3A_1686 = arith.index_cast %swap3A_1685 : i32 to index
    %swap3A_1687 = arith.constant 112 : index
    %swap3A_1688 = tpu.vector_load %arg5[%swap3A_1686, %swap3A_1687] {strides = array<i32>} : memref<16x128xi32, #tpu.memory_space<vmem>>, vector<1x16xi32>,
    %swap3A_1689 = vector.shape_cast %swap3A_1688 : vector<1x16xi32> to vector<16xi32>
    %swap3A_1690 = vector.shape_cast %add3A_1684 : vector<16xi32> to vector<1x16xi32>
    tpu.vector_store %arg5[%swap3A_1686, %swap3A_1687], %swap3A_1690 {strides = array<i32>} : memref<16x128xi32, #tpu.memory_space<vmem>>, vector<1x16xi32>,
    %dma_start3A_1691 = arith.constant 12 : i32
    %dma_start3A_1692 = arith.constant 5 : i32
    %dma_start3A_1693 = arith.constant 0 : i32
    %dma_start3A_1694 = arith.constant 0 : i32
    %dma_start3A_1695 = tpu.memref_slice %arg6[%dma_start3A_1692, %dma_start3A_1693, %dma_start3A_1694] : memref<7x128x128xf32, #tpu.memory_space<vmem>> -> memref<1x128x128xf32, #tpu.memory_space<vmem>>
    %dma_start3A_1696 = tpu.memref_squeeze %dma_start3A_1695 : memref<1x128x128xf32, #tpu.memory_space<vmem>> -> memref<128x128xf32, #tpu.memory_space<vmem>>
    %dma_start3A_1697 = arith.constant 0 : i32
    %dma_start3A_1698 = tpu.memref_slice %arg5[%dma_start3A_1691, %dma_start3A_1697] : memref<16x128xi32, #tpu.memory_space<vmem>> -> memref<1x128xi32, #tpu.memory_space<vmem>>
    %dma_start3A_1699 = tpu.memref_squeeze %dma_start3A_1698 : memref<1x128xi32, #tpu.memory_space<vmem>> -> memref<128xi32, #tpu.memory_space<vmem>>
    %dma_start3A_1700 = arith.constant 0 : i32
    %dma_start3A_1701 = arith.constant 0 : i32
    %dma_start3A_1702 = tpu.memref_slice %arg2[%dma_start3A_1700, %dma_start3A_1701] : memref<800000x128xf32, #tpu.memory_space<hbm>> -> memref<800000x128xf32, #tpu.memory_space<hbm>>
    tpu.enqueue_indirect_dma source(%dma_start3A_1702 : memref<800000x128xf32, #tpu.memory_space<hbm>>) target(%dma_start3A_1696 : memref<128x128xf32, #tpu.memory_space<vmem>>) offsets(%dma_start3A_1699 : memref<128xi32, #tpu.memory_space<vmem>>) semaphore(%arg12 : memref<!tpu.dma_semaphore, #tpu.memory_space<semaphore_mem>>)
    %dma_wait3A_1703 = arith.constant 7 : i32
    %dma_wait3A_1704 = arith.constant 0 : i32
    %dma_wait3A_1705 = arith.constant 0 : i32
    %dma_wait3A_1706 = arith.constant 0 : i32
    %dma_wait3A_1707 = tpu.memref_slice %arg6[%dma_wait3A_1704, %dma_wait3A_1705, %dma_wait3A_1706] : memref<7x128x128xf32, #tpu.memory_space<vmem>> -> memref<1x128x128xf32, #tpu.memory_space<vmem>>
    %dma_wait3A_1708 = tpu.memref_squeeze %dma_wait3A_1707 : memref<1x128x128xf32, #tpu.memory_space<vmem>> -> memref<128x128xf32, #tpu.memory_space<vmem>>
    %dma_wait3A_1709 = arith.constant 0 : i32
    %dma_wait3A_1710 = tpu.memref_slice %arg5[%dma_wait3A_1703, %dma_wait3A_1709] : memref<16x128xi32, #tpu.memory_space<vmem>> -> memref<1x128xi32, #tpu.memory_space<vmem>>
    %dma_wait3A_1711 = tpu.memref_squeeze %dma_wait3A_1710 : memref<1x128xi32, #tpu.memory_space<vmem>> -> memref<128xi32, #tpu.memory_space<vmem>>
    %dma_wait3A_1712 = arith.constant 0 : i32
    %dma_wait3A_1713 = arith.constant 0 : i32
    %dma_wait3A_1714 = tpu.memref_slice %arg2[%dma_wait3A_1712, %dma_wait3A_1713] : memref<800000x128xf32, #tpu.memory_space<hbm>> -> memref<800000x128xf32, #tpu.memory_space<hbm>>
    tpu.wait_indirect_dma semaphore(%arg7 : memref<!tpu.dma_semaphore, #tpu.memory_space<semaphore_mem>>) src(%dma_wait3A_1714 : memref<800000x128xf32, #tpu.memory_space<hbm>>) dst(%dma_wait3A_1708 : memref<128x128xf32, #tpu.memory_space<vmem>>)
    %add3A_1715 = arith.constant 896 : i32
    %add3A_1716 = arith.addi %mul3A_2, %add3A_1715 : i32
    %dma_start3A_1717 = arith.constant 0 : i32
    %dma_start3A_1718 = arith.constant 0 : i32
    %dma_start3A_1719 = arith.constant 0 : i32
    %dma_start3A_1720 = tpu.memref_slice %arg6[%dma_start3A_1717, %dma_start3A_1718, %dma_start3A_1719] : memref<7x128x128xf32, #tpu.memory_space<vmem>> -> memref<1x128x128xf32, #tpu.memory_space<vmem>>
    %dma_start3A_1721 = tpu.memref_squeeze %dma_start3A_1720 : memref<1x128x128xf32, #tpu.memory_space<vmem>> -> memref<128x128xf32, #tpu.memory_space<vmem>>
    %dma_start3A_1722 = tpu.memref_reshape %arg4 : memref<4x2048x8x128xf32, #tpu.memory_space<hbm>> -> memref<65536x128xf32, #tpu.memory_space<hbm>>
    %dma_start3A_1723 = arith.constant 0 : i32
    %dma_start3A_1724 = tpu.memref_slice %dma_start3A_1722[%add3A_1716, %dma_start3A_1723] : memref<65536x128xf32, #tpu.memory_space<hbm>> -> memref<128x128xf32, #tpu.memory_space<hbm>>
    %dma_start3A_1725 = tpu.memref_reshape %arg4 : memref<4x2048x8x128xf32, #tpu.memory_space<hbm>> -> memref<65536x128xf32, #tpu.memory_space<hbm>>
    %dma_start3A_1726 = arith.constant 0 : i32
    %dma_start3A_1727 = tpu.memref_slice %dma_start3A_1725[%add3A_1716, %dma_start3A_1726] : memref<65536x128xf32, #tpu.memory_space<hbm>> -> memref<128x128xf32, #tpu.memory_space<hbm>>
    %dma_start3A_1728 = arith.constant 0 : i32
    %dma_start3A_1729 = arith.constant 0 : i32
    %dma_start3A_1730 = tpu.memref_slice %arg6[%dma_start3A_1717, %dma_start3A_1728, %dma_start3A_1729] : memref<7x128x128xf32, #tpu.memory_space<vmem>> -> memref<1x128x128xf32, #tpu.memory_space<vmem>>
    %dma_start3A_1731 = tpu.memref_squeeze %dma_start3A_1730 : memref<1x128x128xf32, #tpu.memory_space<vmem>> -> memref<128x128xf32, #tpu.memory_space<vmem>>
    tpu.enqueue_dma source(%dma_start3A_1731 : memref<128x128xf32, #tpu.memory_space<vmem>>) target(%dma_start3A_1727 : memref<128x128xf32, #tpu.memory_space<hbm>>) target_semaphore(%arg7 : memref<!tpu.dma_semaphore, #tpu.memory_space<semaphore_mem>>)
    %dma_wait3A_1732 = arith.constant 6 : i32
    %dma_wait3A_1733 = arith.constant 0 : i32
    %dma_wait3A_1734 = arith.constant 0 : i32
    %dma_wait3A_1735 = tpu.memref_slice %arg6[%dma_wait3A_1732, %dma_wait3A_1733, %dma_wait3A_1734] : memref<7x128x128xf32, #tpu.memory_space<vmem>> -> memref<1x128x128xf32, #tpu.memory_space<vmem>>
    %dma_wait3A_1736 = tpu.memref_squeeze %dma_wait3A_1735 : memref<1x128x128xf32, #tpu.memory_space<vmem>> -> memref<128x128xf32, #tpu.memory_space<vmem>>
    %dma_wait3A_1737 = tpu.memref_reshape %arg4 : memref<4x2048x8x128xf32, #tpu.memory_space<hbm>> -> memref<65536x128xf32, #tpu.memory_space<hbm>>
    %dma_wait3A_1738 = arith.constant 0 : i32
    %dma_wait3A_1739 = tpu.memref_slice %dma_wait3A_1737[%add3A_1564, %dma_wait3A_1738] : memref<65536x128xf32, #tpu.memory_space<hbm>> -> memref<128x128xf32, #tpu.memory_space<hbm>>
    %dma_wait3A_1740 = tpu.memref_reshape %arg4 : memref<4x2048x8x128xf32, #tpu.memory_space<hbm>> -> memref<65536x128xf32, #tpu.memory_space<hbm>>
    %dma_wait3A_1741 = arith.constant 0 : i32
    %dma_wait3A_1742 = tpu.memref_slice %dma_wait3A_1740[%add3A_1564, %dma_wait3A_1741] : memref<65536x128xf32, #tpu.memory_space<hbm>> -> memref<128x128xf32, #tpu.memory_space<hbm>>
    %dma_wait3A_1743 = arith.constant 0 : i32
    %dma_wait3A_1744 = arith.constant 0 : i32
    %dma_wait3A_1745 = tpu.memref_slice %arg6[%dma_wait3A_1732, %dma_wait3A_1743, %dma_wait3A_1744] : memref<7x128x128xf32, #tpu.memory_space<vmem>> -> memref<1x128x128xf32, #tpu.memory_space<vmem>>
    %dma_wait3A_1746 = tpu.memref_squeeze %dma_wait3A_1745 : memref<1x128x128xf32, #tpu.memory_space<vmem>> -> memref<128x128xf32, #tpu.memory_space<vmem>>
    tpu.wait_dma2 semaphore(%arg13 : memref<!tpu.dma_semaphore, #tpu.memory_space<semaphore_mem>>) src(%dma_wait3A_1746 : memref<128x128xf32, #tpu.memory_space<vmem>>) dst(%dma_wait3A_1742 : memref<128x128xf32, #tpu.memory_space<hbm>>)
    %get3A_1747 = arith.constant 13 : i32
    %get3A_1748 = arith.index_cast %get3A_1747 : i32 to index
    %get3A_1749 = arith.constant 0 : index
    %get3A_1750 = tpu.vector_load %arg5[%get3A_1748, %get3A_1749] {strides = array<i32>} : memref<16x128xi32, #tpu.memory_space<vmem>>, vector<1x16xi32>,
    %get3A_1751 = vector.shape_cast %get3A_1750 : vector<1x16xi32> to vector<16xi32>
    %add3A_1752 = arith.addi %get3A_1751, %mul3A_9 : vector<16xi32>
    %swap3A_1753 = arith.constant 13 : i32
    %swap3A_1754 = arith.index_cast %swap3A_1753 : i32 to index
    %swap3A_1755 = arith.constant 0 : index
    %swap3A_1756 = tpu.vector_load %arg5[%swap3A_1754, %swap3A_1755] {strides = array<i32>} : memref<16x128xi32, #tpu.memory_space<vmem>>, vector<1x16xi32>,
    %swap3A_1757 = vector.shape_cast %swap3A_1756 : vector<1x16xi32> to vector<16xi32>
    %swap3A_1758 = vector.shape_cast %add3A_1752 : vector<16xi32> to vector<1x16xi32>
    tpu.vector_store %arg5[%swap3A_1754, %swap3A_1755], %swap3A_1758 {strides = array<i32>} : memref<16x128xi32, #tpu.memory_space<vmem>>, vector<1x16xi32>,
    %get3A_1759 = arith.constant 13 : i32
    %get3A_1760 = arith.index_cast %get3A_1759 : i32 to index
    %get3A_1761 = arith.constant 16 : index
    %get3A_1762 = tpu.vector_load %arg5[%get3A_1760, %get3A_1761] {strides = array<i32>} : memref<16x128xi32, #tpu.memory_space<vmem>>, vector<1x16xi32>,
    %get3A_1763 = vector.shape_cast %get3A_1762 : vector<1x16xi32> to vector<16xi32>
    %add3A_1764 = arith.addi %get3A_1763, %mul3A_9 : vector<16xi32>
    %swap3A_1765 = arith.constant 13 : i32
    %swap3A_1766 = arith.index_cast %swap3A_1765 : i32 to index
    %swap3A_1767 = arith.constant 16 : index
    %swap3A_1768 = tpu.vector_load %arg5[%swap3A_1766, %swap3A_1767] {strides = array<i32>} : memref<16x128xi32, #tpu.memory_space<vmem>>, vector<1x16xi32>,
    %swap3A_1769 = vector.shape_cast %swap3A_1768 : vector<1x16xi32> to vector<16xi32>
    %swap3A_1770 = vector.shape_cast %add3A_1764 : vector<16xi32> to vector<1x16xi32>
    tpu.vector_store %arg5[%swap3A_1766, %swap3A_1767], %swap3A_1770 {strides = array<i32>} : memref<16x128xi32, #tpu.memory_space<vmem>>, vector<1x16xi32>,
    %get3A_1771 = arith.constant 13 : i32
    %get3A_1772 = arith.index_cast %get3A_1771 : i32 to index
    %get3A_1773 = arith.constant 32 : index
    %get3A_1774 = tpu.vector_load %arg5[%get3A_1772, %get3A_1773] {strides = array<i32>} : memref<16x128xi32, #tpu.memory_space<vmem>>, vector<1x16xi32>,
    %get3A_1775 = vector.shape_cast %get3A_1774 : vector<1x16xi32> to vector<16xi32>
    %add3A_1776 = arith.addi %get3A_1775, %mul3A_9 : vector<16xi32>
    %swap3A_1777 = arith.constant 13 : i32
    %swap3A_1778 = arith.index_cast %swap3A_1777 : i32 to index
    %swap3A_1779 = arith.constant 32 : index
    %swap3A_1780 = tpu.vector_load %arg5[%swap3A_1778, %swap3A_1779] {strides = array<i32>} : memref<16x128xi32, #tpu.memory_space<vmem>>, vector<1x16xi32>,
    %swap3A_1781 = vector.shape_cast %swap3A_1780 : vector<1x16xi32> to vector<16xi32>
    %swap3A_1782 = vector.shape_cast %add3A_1776 : vector<16xi32> to vector<1x16xi32>
    tpu.vector_store %arg5[%swap3A_1778, %swap3A_1779], %swap3A_1782 {strides = array<i32>} : memref<16x128xi32, #tpu.memory_space<vmem>>, vector<1x16xi32>,
    %get3A_1783 = arith.constant 13 : i32
    %get3A_1784 = arith.index_cast %get3A_1783 : i32 to index
    %get3A_1785 = arith.constant 48 : index
    %get3A_1786 = tpu.vector_load %arg5[%get3A_1784, %get3A_1785] {strides = array<i32>} : memref<16x128xi32, #tpu.memory_space<vmem>>, vector<1x16xi32>,
    %get3A_1787 = vector.shape_cast %get3A_1786 : vector<1x16xi32> to vector<16xi32>
    %add3A_1788 = arith.addi %get3A_1787, %mul3A_9 : vector<16xi32>
    %swap3A_1789 = arith.constant 13 : i32
    %swap3A_1790 = arith.index_cast %swap3A_1789 : i32 to index
    %swap3A_1791 = arith.constant 48 : index
    %swap3A_1792 = tpu.vector_load %arg5[%swap3A_1790, %swap3A_1791] {strides = array<i32>} : memref<16x128xi32, #tpu.memory_space<vmem>>, vector<1x16xi32>,
    %swap3A_1793 = vector.shape_cast %swap3A_1792 : vector<1x16xi32> to vector<16xi32>
    %swap3A_1794 = vector.shape_cast %add3A_1788 : vector<16xi32> to vector<1x16xi32>
    tpu.vector_store %arg5[%swap3A_1790, %swap3A_1791], %swap3A_1794 {strides = array<i32>} : memref<16x128xi32, #tpu.memory_space<vmem>>, vector<1x16xi32>,
    %get3A_1795 = arith.constant 13 : i32
    %get3A_1796 = arith.index_cast %get3A_1795 : i32 to index
    %get3A_1797 = arith.constant 64 : index
    %get3A_1798 = tpu.vector_load %arg5[%get3A_1796, %get3A_1797] {strides = array<i32>} : memref<16x128xi32, #tpu.memory_space<vmem>>, vector<1x16xi32>,
    %get3A_1799 = vector.shape_cast %get3A_1798 : vector<1x16xi32> to vector<16xi32>
    %add3A_1800 = arith.addi %get3A_1799, %mul3A_9 : vector<16xi32>
    %swap3A_1801 = arith.constant 13 : i32
    %swap3A_1802 = arith.index_cast %swap3A_1801 : i32 to index
    %swap3A_1803 = arith.constant 64 : index
    %swap3A_1804 = tpu.vector_load %arg5[%swap3A_1802, %swap3A_1803] {strides = array<i32>} : memref<16x128xi32, #tpu.memory_space<vmem>>, vector<1x16xi32>,
    %swap3A_1805 = vector.shape_cast %swap3A_1804 : vector<1x16xi32> to vector<16xi32>
    %swap3A_1806 = vector.shape_cast %add3A_1800 : vector<16xi32> to vector<1x16xi32>
    tpu.vector_store %arg5[%swap3A_1802, %swap3A_1803], %swap3A_1806 {strides = array<i32>} : memref<16x128xi32, #tpu.memory_space<vmem>>, vector<1x16xi32>,
    %get3A_1807 = arith.constant 13 : i32
    %get3A_1808 = arith.index_cast %get3A_1807 : i32 to index
    %get3A_1809 = arith.constant 80 : index
    %get3A_1810 = tpu.vector_load %arg5[%get3A_1808, %get3A_1809] {strides = array<i32>} : memref<16x128xi32, #tpu.memory_space<vmem>>, vector<1x16xi32>,
    %get3A_1811 = vector.shape_cast %get3A_1810 : vector<1x16xi32> to vector<16xi32>
    %add3A_1812 = arith.addi %get3A_1811, %mul3A_9 : vector<16xi32>
    %swap3A_1813 = arith.constant 13 : i32
    %swap3A_1814 = arith.index_cast %swap3A_1813 : i32 to index
    %swap3A_1815 = arith.constant 80 : index
    %swap3A_1816 = tpu.vector_load %arg5[%swap3A_1814, %swap3A_1815] {strides = array<i32>} : memref<16x128xi32, #tpu.memory_space<vmem>>, vector<1x16xi32>,
    %swap3A_1817 = vector.shape_cast %swap3A_1816 : vector<1x16xi32> to vector<16xi32>
    %swap3A_1818 = vector.shape_cast %add3A_1812 : vector<16xi32> to vector<1x16xi32>
    tpu.vector_store %arg5[%swap3A_1814, %swap3A_1815], %swap3A_1818 {strides = array<i32>} : memref<16x128xi32, #tpu.memory_space<vmem>>, vector<1x16xi32>,
    %get3A_1819 = arith.constant 13 : i32
    %get3A_1820 = arith.index_cast %get3A_1819 : i32 to index
    %get3A_1821 = arith.constant 96 : index
    %get3A_1822 = tpu.vector_load %arg5[%get3A_1820, %get3A_1821] {strides = array<i32>} : memref<16x128xi32, #tpu.memory_space<vmem>>, vector<1x16xi32>,
    %get3A_1823 = vector.shape_cast %get3A_1822 : vector<1x16xi32> to vector<16xi32>
    %add3A_1824 = arith.addi %get3A_1823, %mul3A_9 : vector<16xi32>
    %swap3A_1825 = arith.constant 13 : i32
    %swap3A_1826 = arith.index_cast %swap3A_1825 : i32 to index
    %swap3A_1827 = arith.constant 96 : index
    %swap3A_1828 = tpu.vector_load %arg5[%swap3A_1826, %swap3A_1827] {strides = array<i32>} : memref<16x128xi32, #tpu.memory_space<vmem>>, vector<1x16xi32>,
    %swap3A_1829 = vector.shape_cast %swap3A_1828 : vector<1x16xi32> to vector<16xi32>
    %swap3A_1830 = vector.shape_cast %add3A_1824 : vector<16xi32> to vector<1x16xi32>
    tpu.vector_store %arg5[%swap3A_1826, %swap3A_1827], %swap3A_1830 {strides = array<i32>} : memref<16x128xi32, #tpu.memory_space<vmem>>, vector<1x16xi32>,
    %get3A_1831 = arith.constant 13 : i32
    %get3A_1832 = arith.index_cast %get3A_1831 : i32 to index
    %get3A_1833 = arith.constant 112 : index
    %get3A_1834 = tpu.vector_load %arg5[%get3A_1832, %get3A_1833] {strides = array<i32>} : memref<16x128xi32, #tpu.memory_space<vmem>>, vector<1x16xi32>,
    %get3A_1835 = vector.shape_cast %get3A_1834 : vector<1x16xi32> to vector<16xi32>
    %add3A_1836 = arith.addi %get3A_1835, %mul3A_9 : vector<16xi32>
    %swap3A_1837 = arith.constant 13 : i32
    %swap3A_1838 = arith.index_cast %swap3A_1837 : i32 to index
    %swap3A_1839 = arith.constant 112 : index
    %swap3A_1840 = tpu.vector_load %arg5[%swap3A_1838, %swap3A_1839] {strides = array<i32>} : memref<16x128xi32, #tpu.memory_space<vmem>>, vector<1x16xi32>,
    %swap3A_1841 = vector.shape_cast %swap3A_1840 : vector<1x16xi32> to vector<16xi32>
    %swap3A_1842 = vector.shape_cast %add3A_1836 : vector<16xi32> to vector<1x16xi32>
    tpu.vector_store %arg5[%swap3A_1838, %swap3A_1839], %swap3A_1842 {strides = array<i32>} : memref<16x128xi32, #tpu.memory_space<vmem>>, vector<1x16xi32>,
    %dma_start3A_1843 = arith.constant 13 : i32
    %dma_start3A_1844 = arith.constant 6 : i32
    %dma_start3A_1845 = arith.constant 0 : i32
    %dma_start3A_1846 = arith.constant 0 : i32
    %dma_start3A_1847 = tpu.memref_slice %arg6[%dma_start3A_1844, %dma_start3A_1845, %dma_start3A_1846] : memref<7x128x128xf32, #tpu.memory_space<vmem>> -> memref<1x128x128xf32, #tpu.memory_space<vmem>>
    %dma_start3A_1848 = tpu.memref_squeeze %dma_start3A_1847 : memref<1x128x128xf32, #tpu.memory_space<vmem>> -> memref<128x128xf32, #tpu.memory_space<vmem>>
    %dma_start3A_1849 = arith.constant 0 : i32
    %dma_start3A_1850 = tpu.memref_slice %arg5[%dma_start3A_1843, %dma_start3A_1849] : memref<16x128xi32, #tpu.memory_space<vmem>> -> memref<1x128xi32, #tpu.memory_space<vmem>>
    %dma_start3A_1851 = tpu.memref_squeeze %dma_start3A_1850 : memref<1x128xi32, #tpu.memory_space<vmem>> -> memref<128xi32, #tpu.memory_space<vmem>>
    %dma_start3A_1852 = arith.constant 0 : i32
    %dma_start3A_1853 = arith.constant 0 : i32
    %dma_start3A_1854 = tpu.memref_slice %arg2[%dma_start3A_1852, %dma_start3A_1853] : memref<800000x128xf32, #tpu.memory_space<hbm>> -> memref<800000x128xf32, #tpu.memory_space<hbm>>
    tpu.enqueue_indirect_dma source(%dma_start3A_1854 : memref<800000x128xf32, #tpu.memory_space<hbm>>) target(%dma_start3A_1848 : memref<128x128xf32, #tpu.memory_space<vmem>>) offsets(%dma_start3A_1851 : memref<128xi32, #tpu.memory_space<vmem>>) semaphore(%arg13 : memref<!tpu.dma_semaphore, #tpu.memory_space<semaphore_mem>>)
    %dma_wait3A_1855 = arith.constant 8 : i32
    %dma_wait3A_1856 = arith.constant 1 : i32
    %dma_wait3A_1857 = arith.constant 0 : i32
    %dma_wait3A_1858 = arith.constant 0 : i32
    %dma_wait3A_1859 = tpu.memref_slice %arg6[%dma_wait3A_1856, %dma_wait3A_1857, %dma_wait3A_1858] : memref<7x128x128xf32, #tpu.memory_space<vmem>> -> memref<1x128x128xf32, #tpu.memory_space<vmem>>
    %dma_wait3A_1860 = tpu.memref_squeeze %dma_wait3A_1859 : memref<1x128x128xf32, #tpu.memory_space<vmem>> -> memref<128x128xf32, #tpu.memory_space<vmem>>
    %dma_wait3A_1861 = arith.constant 0 : i32
    %dma_wait3A_1862 = tpu.memref_slice %arg5[%dma_wait3A_1855, %dma_wait3A_1861] : memref<16x128xi32, #tpu.memory_space<vmem>> -> memref<1x128xi32, #tpu.memory_space<vmem>>
    %dma_wait3A_1863 = tpu.memref_squeeze %dma_wait3A_1862 : memref<1x128xi32, #tpu.memory_space<vmem>> -> memref<128xi32, #tpu.memory_space<vmem>>
    %dma_wait3A_1864 = arith.constant 0 : i32
    %dma_wait3A_1865 = arith.constant 0 : i32
    %dma_wait3A_1866 = tpu.memref_slice %arg2[%dma_wait3A_1864, %dma_wait3A_1865] : memref<800000x128xf32, #tpu.memory_space<hbm>> -> memref<800000x128xf32, #tpu.memory_space<hbm>>
    tpu.wait_indirect_dma semaphore(%arg8 : memref<!tpu.dma_semaphore, #tpu.memory_space<semaphore_mem>>) src(%dma_wait3A_1866 : memref<800000x128xf32, #tpu.memory_space<hbm>>) dst(%dma_wait3A_1860 : memref<128x128xf32, #tpu.memory_space<vmem>>)
    %add3A_1867 = arith.constant 1024 : i32
    %add3A_1868 = arith.addi %mul3A_2, %add3A_1867 : i32
    %dma_start3A_1869 = arith.constant 1 : i32
    %dma_start3A_1870 = arith.constant 0 : i32
    %dma_start3A_1871 = arith.constant 0 : i32
    %dma_start3A_1872 = tpu.memref_slice %arg6[%dma_start3A_1869, %dma_start3A_1870, %dma_start3A_1871] : memref<7x128x128xf32, #tpu.memory_space<vmem>> -> memref<1x128x128xf32, #tpu.memory_space<vmem>>
    %dma_start3A_1873 = tpu.memref_squeeze %dma_start3A_1872 : memref<1x128x128xf32, #tpu.memory_space<vmem>> -> memref<128x128xf32, #tpu.memory_space<vmem>>
    %dma_start3A_1874 = tpu.memref_reshape %arg4 : memref<4x2048x8x128xf32, #tpu.memory_space<hbm>> -> memref<65536x128xf32, #tpu.memory_space<hbm>>
    %dma_start3A_1875 = arith.constant 0 : i32
    %dma_start3A_1876 = tpu.memref_slice %dma_start3A_1874[%add3A_1868, %dma_start3A_1875] : memref<65536x128xf32, #tpu.memory_space<hbm>> -> memref<128x128xf32, #tpu.memory_space<hbm>>
    %dma_start3A_1877 = tpu.memref_reshape %arg4 : memref<4x2048x8x128xf32, #tpu.memory_space<hbm>> -> memref<65536x128xf32, #tpu.memory_space<hbm>>
    %dma_start3A_1878 = arith.constant 0 : i32
    %dma_start3A_1879 = tpu.memref_slice %dma_start3A_1877[%add3A_1868, %dma_start3A_1878] : memref<65536x128xf32, #tpu.memory_space<hbm>> -> memref<128x128xf32, #tpu.memory_space<hbm>>
    %dma_start3A_1880 = arith.constant 0 : i32
    %dma_start3A_1881 = arith.constant 0 : i32
    %dma_start3A_1882 = tpu.memref_slice %arg6[%dma_start3A_1869, %dma_start3A_1880, %dma_start3A_1881] : memref<7x128x128xf32, #tpu.memory_space<vmem>> -> memref<1x128x128xf32, #tpu.memory_space<vmem>>
    %dma_start3A_1883 = tpu.memref_squeeze %dma_start3A_1882 : memref<1x128x128xf32, #tpu.memory_space<vmem>> -> memref<128x128xf32, #tpu.memory_space<vmem>>
    tpu.enqueue_dma source(%dma_start3A_1883 : memref<128x128xf32, #tpu.memory_space<vmem>>) target(%dma_start3A_1879 : memref<128x128xf32, #tpu.memory_space<hbm>>) target_semaphore(%arg8 : memref<!tpu.dma_semaphore, #tpu.memory_space<semaphore_mem>>)
    %dma_wait3A_1884 = arith.constant 0 : i32
    %dma_wait3A_1885 = arith.constant 0 : i32
    %dma_wait3A_1886 = arith.constant 0 : i32
    %dma_wait3A_1887 = tpu.memref_slice %arg6[%dma_wait3A_1884, %dma_wait3A_1885, %dma_wait3A_1886] : memref<7x128x128xf32, #tpu.memory_space<vmem>> -> memref<1x128x128xf32, #tpu.memory_space<vmem>>
    %dma_wait3A_1888 = tpu.memref_squeeze %dma_wait3A_1887 : memref<1x128x128xf32, #tpu.memory_space<vmem>> -> memref<128x128xf32, #tpu.memory_space<vmem>>
    %dma_wait3A_1889 = tpu.memref_reshape %arg4 : memref<4x2048x8x128xf32, #tpu.memory_space<hbm>> -> memref<65536x128xf32, #tpu.memory_space<hbm>>
    %dma_wait3A_1890 = arith.constant 0 : i32
    %dma_wait3A_1891 = tpu.memref_slice %dma_wait3A_1889[%add3A_1716, %dma_wait3A_1890] : memref<65536x128xf32, #tpu.memory_space<hbm>> -> memref<128x128xf32, #tpu.memory_space<hbm>>
    %dma_wait3A_1892 = tpu.memref_reshape %arg4 : memref<4x2048x8x128xf32, #tpu.memory_space<hbm>> -> memref<65536x128xf32, #tpu.memory_space<hbm>>
    %dma_wait3A_1893 = arith.constant 0 : i32
    %dma_wait3A_1894 = tpu.memref_slice %dma_wait3A_1892[%add3A_1716, %dma_wait3A_1893] : memref<65536x128xf32, #tpu.memory_space<hbm>> -> memref<128x128xf32, #tpu.memory_space<hbm>>
    %dma_wait3A_1895 = arith.constant 0 : i32
    %dma_wait3A_1896 = arith.constant 0 : i32
    %dma_wait3A_1897 = tpu.memref_slice %arg6[%dma_wait3A_1884, %dma_wait3A_1895, %dma_wait3A_1896] : memref<7x128x128xf32, #tpu.memory_space<vmem>> -> memref<1x128x128xf32, #tpu.memory_space<vmem>>
    %dma_wait3A_1898 = tpu.memref_squeeze %dma_wait3A_1897 : memref<1x128x128xf32, #tpu.memory_space<vmem>> -> memref<128x128xf32, #tpu.memory_space<vmem>>
    tpu.wait_dma2 semaphore(%arg7 : memref<!tpu.dma_semaphore, #tpu.memory_space<semaphore_mem>>) src(%dma_wait3A_1898 : memref<128x128xf32, #tpu.memory_space<vmem>>) dst(%dma_wait3A_1894 : memref<128x128xf32, #tpu.memory_space<hbm>>)
    %get3A_1899 = arith.constant 14 : i32
    %get3A_1900 = arith.index_cast %get3A_1899 : i32 to index
    %get3A_1901 = arith.constant 0 : index
    %get3A_1902 = tpu.vector_load %arg5[%get3A_1900, %get3A_1901] {strides = array<i32>} : memref<16x128xi32, #tpu.memory_space<vmem>>, vector<1x16xi32>,
    %get3A_1903 = vector.shape_cast %get3A_1902 : vector<1x16xi32> to vector<16xi32>
    %add3A_1904 = arith.addi %get3A_1903, %mul3A_9 : vector<16xi32>
    %swap3A_1905 = arith.constant 14 : i32
    %swap3A_1906 = arith.index_cast %swap3A_1905 : i32 to index
    %swap3A_1907 = arith.constant 0 : index
    %swap3A_1908 = tpu.vector_load %arg5[%swap3A_1906, %swap3A_1907] {strides = array<i32>} : memref<16x128xi32, #tpu.memory_space<vmem>>, vector<1x16xi32>,
    %swap3A_1909 = vector.shape_cast %swap3A_1908 : vector<1x16xi32> to vector<16xi32>
    %swap3A_1910 = vector.shape_cast %add3A_1904 : vector<16xi32> to vector<1x16xi32>
    tpu.vector_store %arg5[%swap3A_1906, %swap3A_1907], %swap3A_1910 {strides = array<i32>} : memref<16x128xi32, #tpu.memory_space<vmem>>, vector<1x16xi32>,
    %get3A_1911 = arith.constant 14 : i32
    %get3A_1912 = arith.index_cast %get3A_1911 : i32 to index
    %get3A_1913 = arith.constant 16 : index
    %get3A_1914 = tpu.vector_load %arg5[%get3A_1912, %get3A_1913] {strides = array<i32>} : memref<16x128xi32, #tpu.memory_space<vmem>>, vector<1x16xi32>,
    %get3A_1915 = vector.shape_cast %get3A_1914 : vector<1x16xi32> to vector<16xi32>
    %add3A_1916 = arith.addi %get3A_1915, %mul3A_9 : vector<16xi32>
    %swap3A_1917 = arith.constant 14 : i32
    %swap3A_1918 = arith.index_cast %swap3A_1917 : i32 to index
    %swap3A_1919 = arith.constant 16 : index
    %swap3A_1920 = tpu.vector_load %arg5[%swap3A_1918, %swap3A_1919] {strides = array<i32>} : memref<16x128xi32, #tpu.memory_space<vmem>>, vector<1x16xi32>,
    %swap3A_1921 = vector.shape_cast %swap3A_1920 : vector<1x16xi32> to vector<16xi32>
    %swap3A_1922 = vector.shape_cast %add3A_1916 : vector<16xi32> to vector<1x16xi32>
    tpu.vector_store %arg5[%swap3A_1918, %swap3A_1919], %swap3A_1922 {strides = array<i32>} : memref<16x128xi32, #tpu.memory_space<vmem>>, vector<1x16xi32>,
    %get3A_1923 = arith.constant 14 : i32
    %get3A_1924 = arith.index_cast %get3A_1923 : i32 to index
    %get3A_1925 = arith.constant 32 : index
    %get3A_1926 = tpu.vector_load %arg5[%get3A_1924, %get3A_1925] {strides = array<i32>} : memref<16x128xi32, #tpu.memory_space<vmem>>, vector<1x16xi32>,
    %get3A_1927 = vector.shape_cast %get3A_1926 : vector<1x16xi32> to vector<16xi32>
    %add3A_1928 = arith.addi %get3A_1927, %mul3A_9 : vector<16xi32>
    %swap3A_1929 = arith.constant 14 : i32
    %swap3A_1930 = arith.index_cast %swap3A_1929 : i32 to index
    %swap3A_1931 = arith.constant 32 : index
    %swap3A_1932 = tpu.vector_load %arg5[%swap3A_1930, %swap3A_1931] {strides = array<i32>} : memref<16x128xi32, #tpu.memory_space<vmem>>, vector<1x16xi32>,
    %swap3A_1933 = vector.shape_cast %swap3A_1932 : vector<1x16xi32> to vector<16xi32>
    %swap3A_1934 = vector.shape_cast %add3A_1928 : vector<16xi32> to vector<1x16xi32>
    tpu.vector_store %arg5[%swap3A_1930, %swap3A_1931], %swap3A_1934 {strides = array<i32>} : memref<16x128xi32, #tpu.memory_space<vmem>>, vector<1x16xi32>,
    %get3A_1935 = arith.constant 14 : i32
    %get3A_1936 = arith.index_cast %get3A_1935 : i32 to index
    %get3A_1937 = arith.constant 48 : index
    %get3A_1938 = tpu.vector_load %arg5[%get3A_1936, %get3A_1937] {strides = array<i32>} : memref<16x128xi32, #tpu.memory_space<vmem>>, vector<1x16xi32>,
    %get3A_1939 = vector.shape_cast %get3A_1938 : vector<1x16xi32> to vector<16xi32>
    %add3A_1940 = arith.addi %get3A_1939, %mul3A_9 : vector<16xi32>
    %swap3A_1941 = arith.constant 14 : i32
    %swap3A_1942 = arith.index_cast %swap3A_1941 : i32 to index
    %swap3A_1943 = arith.constant 48 : index
    %swap3A_1944 = tpu.vector_load %arg5[%swap3A_1942, %swap3A_1943] {strides = array<i32>} : memref<16x128xi32, #tpu.memory_space<vmem>>, vector<1x16xi32>,
    %swap3A_1945 = vector.shape_cast %swap3A_1944 : vector<1x16xi32> to vector<16xi32>
    %swap3A_1946 = vector.shape_cast %add3A_1940 : vector<16xi32> to vector<1x16xi32>
    tpu.vector_store %arg5[%swap3A_1942, %swap3A_1943], %swap3A_1946 {strides = array<i32>} : memref<16x128xi32, #tpu.memory_space<vmem>>, vector<1x16xi32>,
    %get3A_1947 = arith.constant 14 : i32
    %get3A_1948 = arith.index_cast %get3A_1947 : i32 to index
    %get3A_1949 = arith.constant 64 : index
    %get3A_1950 = tpu.vector_load %arg5[%get3A_1948, %get3A_1949] {strides = array<i32>} : memref<16x128xi32, #tpu.memory_space<vmem>>, vector<1x16xi32>,
    %get3A_1951 = vector.shape_cast %get3A_1950 : vector<1x16xi32> to vector<16xi32>
    %add3A_1952 = arith.addi %get3A_1951, %mul3A_9 : vector<16xi32>
    %swap3A_1953 = arith.constant 14 : i32
    %swap3A_1954 = arith.index_cast %swap3A_1953 : i32 to index
    %swap3A_1955 = arith.constant 64 : index
    %swap3A_1956 = tpu.vector_load %arg5[%swap3A_1954, %swap3A_1955] {strides = array<i32>} : memref<16x128xi32, #tpu.memory_space<vmem>>, vector<1x16xi32>,
    %swap3A_1957 = vector.shape_cast %swap3A_1956 : vector<1x16xi32> to vector<16xi32>
    %swap3A_1958 = vector.shape_cast %add3A_1952 : vector<16xi32> to vector<1x16xi32>
    tpu.vector_store %arg5[%swap3A_1954, %swap3A_1955], %swap3A_1958 {strides = array<i32>} : memref<16x128xi32, #tpu.memory_space<vmem>>, vector<1x16xi32>,
    %get3A_1959 = arith.constant 14 : i32
    %get3A_1960 = arith.index_cast %get3A_1959 : i32 to index
    %get3A_1961 = arith.constant 80 : index
    %get3A_1962 = tpu.vector_load %arg5[%get3A_1960, %get3A_1961] {strides = array<i32>} : memref<16x128xi32, #tpu.memory_space<vmem>>, vector<1x16xi32>,
    %get3A_1963 = vector.shape_cast %get3A_1962 : vector<1x16xi32> to vector<16xi32>
    %add3A_1964 = arith.addi %get3A_1963, %mul3A_9 : vector<16xi32>
    %swap3A_1965 = arith.constant 14 : i32
    %swap3A_1966 = arith.index_cast %swap3A_1965 : i32 to index
    %swap3A_1967 = arith.constant 80 : index
    %swap3A_1968 = tpu.vector_load %arg5[%swap3A_1966, %swap3A_1967] {strides = array<i32>} : memref<16x128xi32, #tpu.memory_space<vmem>>, vector<1x16xi32>,
    %swap3A_1969 = vector.shape_cast %swap3A_1968 : vector<1x16xi32> to vector<16xi32>
    %swap3A_1970 = vector.shape_cast %add3A_1964 : vector<16xi32> to vector<1x16xi32>
    tpu.vector_store %arg5[%swap3A_1966, %swap3A_1967], %swap3A_1970 {strides = array<i32>} : memref<16x128xi32, #tpu.memory_space<vmem>>, vector<1x16xi32>,
    %get3A_1971 = arith.constant 14 : i32
    %get3A_1972 = arith.index_cast %get3A_1971 : i32 to index
    %get3A_1973 = arith.constant 96 : index
    %get3A_1974 = tpu.vector_load %arg5[%get3A_1972, %get3A_1973] {strides = array<i32>} : memref<16x128xi32, #tpu.memory_space<vmem>>, vector<1x16xi32>,
    %get3A_1975 = vector.shape_cast %get3A_1974 : vector<1x16xi32> to vector<16xi32>
    %add3A_1976 = arith.addi %get3A_1975, %mul3A_9 : vector<16xi32>
    %swap3A_1977 = arith.constant 14 : i32
    %swap3A_1978 = arith.index_cast %swap3A_1977 : i32 to index
    %swap3A_1979 = arith.constant 96 : index
    %swap3A_1980 = tpu.vector_load %arg5[%swap3A_1978, %swap3A_1979] {strides = array<i32>} : memref<16x128xi32, #tpu.memory_space<vmem>>, vector<1x16xi32>,
    %swap3A_1981 = vector.shape_cast %swap3A_1980 : vector<1x16xi32> to vector<16xi32>
    %swap3A_1982 = vector.shape_cast %add3A_1976 : vector<16xi32> to vector<1x16xi32>
    tpu.vector_store %arg5[%swap3A_1978, %swap3A_1979], %swap3A_1982 {strides = array<i32>} : memref<16x128xi32, #tpu.memory_space<vmem>>, vector<1x16xi32>,
    %get3A_1983 = arith.constant 14 : i32
    %get3A_1984 = arith.index_cast %get3A_1983 : i32 to index
    %get3A_1985 = arith.constant 112 : index
    %get3A_1986 = tpu.vector_load %arg5[%get3A_1984, %get3A_1985] {strides = array<i32>} : memref<16x128xi32, #tpu.memory_space<vmem>>, vector<1x16xi32>,
    %get3A_1987 = vector.shape_cast %get3A_1986 : vector<1x16xi32> to vector<16xi32>
    %add3A_1988 = arith.addi %get3A_1987, %mul3A_9 : vector<16xi32>
    %swap3A_1989 = arith.constant 14 : i32
    %swap3A_1990 = arith.index_cast %swap3A_1989 : i32 to index
    %swap3A_1991 = arith.constant 112 : index
    %swap3A_1992 = tpu.vector_load %arg5[%swap3A_1990, %swap3A_1991] {strides = array<i32>} : memref<16x128xi32, #tpu.memory_space<vmem>>, vector<1x16xi32>,
    %swap3A_1993 = vector.shape_cast %swap3A_1992 : vector<1x16xi32> to vector<16xi32>
    %swap3A_1994 = vector.shape_cast %add3A_1988 : vector<16xi32> to vector<1x16xi32>
    tpu.vector_store %arg5[%swap3A_1990, %swap3A_1991], %swap3A_1994 {strides = array<i32>} : memref<16x128xi32, #tpu.memory_space<vmem>>, vector<1x16xi32>,
    %dma_start3A_1995 = arith.constant 14 : i32
    %dma_start3A_1996 = arith.constant 0 : i32
    %dma_start3A_1997 = arith.constant 0 : i32
    %dma_start3A_1998 = arith.constant 0 : i32
    %dma_start3A_1999 = tpu.memref_slice %arg6[%dma_start3A_1996, %dma_start3A_1997, %dma_start3A_1998] : memref<7x128x128xf32, #tpu.memory_space<vmem>> -> memref<1x128x128xf32, #tpu.memory_space<vmem>>
    %dma_start3A_2000 = tpu.memref_squeeze %dma_start3A_1999 : memref<1x128x128xf32, #tpu.memory_space<vmem>> -> memref<128x128xf32, #tpu.memory_space<vmem>>
    %dma_start3A_2001 = arith.constant 0 : i32
    %dma_start3A_2002 = tpu.memref_slice %arg5[%dma_start3A_1995, %dma_start3A_2001] : memref<16x128xi32, #tpu.memory_space<vmem>> -> memref<1x128xi32, #tpu.memory_space<vmem>>
    %dma_start3A_2003 = tpu.memref_squeeze %dma_start3A_2002 : memref<1x128xi32, #tpu.memory_space<vmem>> -> memref<128xi32, #tpu.memory_space<vmem>>
    %dma_start3A_2004 = arith.constant 0 : i32
    %dma_start3A_2005 = arith.constant 0 : i32
    %dma_start3A_2006 = tpu.memref_slice %arg2[%dma_start3A_2004, %dma_start3A_2005] : memref<800000x128xf32, #tpu.memory_space<hbm>> -> memref<800000x128xf32, #tpu.memory_space<hbm>>
    tpu.enqueue_indirect_dma source(%dma_start3A_2006 : memref<800000x128xf32, #tpu.memory_space<hbm>>) target(%dma_start3A_2000 : memref<128x128xf32, #tpu.memory_space<vmem>>) offsets(%dma_start3A_2003 : memref<128xi32, #tpu.memory_space<vmem>>) semaphore(%arg7 : memref<!tpu.dma_semaphore, #tpu.memory_space<semaphore_mem>>)
    %dma_wait3A_2007 = arith.constant 9 : i32
    %dma_wait3A_2008 = arith.constant 2 : i32
    %dma_wait3A_2009 = arith.constant 0 : i32
    %dma_wait3A_2010 = arith.constant 0 : i32
    %dma_wait3A_2011 = tpu.memref_slice %arg6[%dma_wait3A_2008, %dma_wait3A_2009, %dma_wait3A_2010] : memref<7x128x128xf32, #tpu.memory_space<vmem>> -> memref<1x128x128xf32, #tpu.memory_space<vmem>>
    %dma_wait3A_2012 = tpu.memref_squeeze %dma_wait3A_2011 : memref<1x128x128xf32, #tpu.memory_space<vmem>> -> memref<128x128xf32, #tpu.memory_space<vmem>>
    %dma_wait3A_2013 = arith.constant 0 : i32
    %dma_wait3A_2014 = tpu.memref_slice %arg5[%dma_wait3A_2007, %dma_wait3A_2013] : memref<16x128xi32, #tpu.memory_space<vmem>> -> memref<1x128xi32, #tpu.memory_space<vmem>>
    %dma_wait3A_2015 = tpu.memref_squeeze %dma_wait3A_2014 : memref<1x128xi32, #tpu.memory_space<vmem>> -> memref<128xi32, #tpu.memory_space<vmem>>
    %dma_wait3A_2016 = arith.constant 0 : i32
    %dma_wait3A_2017 = arith.constant 0 : i32
    %dma_wait3A_2018 = tpu.memref_slice %arg2[%dma_wait3A_2016, %dma_wait3A_2017] : memref<800000x128xf32, #tpu.memory_space<hbm>> -> memref<800000x128xf32, #tpu.memory_space<hbm>>
    tpu.wait_indirect_dma semaphore(%arg9 : memref<!tpu.dma_semaphore, #tpu.memory_space<semaphore_mem>>) src(%dma_wait3A_2018 : memref<800000x128xf32, #tpu.memory_space<hbm>>) dst(%dma_wait3A_2012 : memref<128x128xf32, #tpu.memory_space<vmem>>)
    %add3A_2019 = arith.constant 1152 : i32
    %add3A_2020 = arith.addi %mul3A_2, %add3A_2019 : i32
    %dma_start3A_2021 = arith.constant 2 : i32
    %dma_start3A_2022 = arith.constant 0 : i32
    %dma_start3A_2023 = arith.constant 0 : i32
    %dma_start3A_2024 = tpu.memref_slice %arg6[%dma_start3A_2021, %dma_start3A_2022, %dma_start3A_2023] : memref<7x128x128xf32, #tpu.memory_space<vmem>> -> memref<1x128x128xf32, #tpu.memory_space<vmem>>
    %dma_start3A_2025 = tpu.memref_squeeze %dma_start3A_2024 : memref<1x128x128xf32, #tpu.memory_space<vmem>> -> memref<128x128xf32, #tpu.memory_space<vmem>>
    %dma_start3A_2026 = tpu.memref_reshape %arg4 : memref<4x2048x8x128xf32, #tpu.memory_space<hbm>> -> memref<65536x128xf32, #tpu.memory_space<hbm>>
    %dma_start3A_2027 = arith.constant 0 : i32
    %dma_start3A_2028 = tpu.memref_slice %dma_start3A_2026[%add3A_2020, %dma_start3A_2027] : memref<65536x128xf32, #tpu.memory_space<hbm>> -> memref<128x128xf32, #tpu.memory_space<hbm>>
    %dma_start3A_2029 = tpu.memref_reshape %arg4 : memref<4x2048x8x128xf32, #tpu.memory_space<hbm>> -> memref<65536x128xf32, #tpu.memory_space<hbm>>
    %dma_start3A_2030 = arith.constant 0 : i32
    %dma_start3A_2031 = tpu.memref_slice %dma_start3A_2029[%add3A_2020, %dma_start3A_2030] : memref<65536x128xf32, #tpu.memory_space<hbm>> -> memref<128x128xf32, #tpu.memory_space<hbm>>
    %dma_start3A_2032 = arith.constant 0 : i32
    %dma_start3A_2033 = arith.constant 0 : i32
    %dma_start3A_2034 = tpu.memref_slice %arg6[%dma_start3A_2021, %dma_start3A_2032, %dma_start3A_2033] : memref<7x128x128xf32, #tpu.memory_space<vmem>> -> memref<1x128x128xf32, #tpu.memory_space<vmem>>
    %dma_start3A_2035 = tpu.memref_squeeze %dma_start3A_2034 : memref<1x128x128xf32, #tpu.memory_space<vmem>> -> memref<128x128xf32, #tpu.memory_space<vmem>>
    tpu.enqueue_dma source(%dma_start3A_2035 : memref<128x128xf32, #tpu.memory_space<vmem>>) target(%dma_start3A_2031 : memref<128x128xf32, #tpu.memory_space<hbm>>) target_semaphore(%arg9 : memref<!tpu.dma_semaphore, #tpu.memory_space<semaphore_mem>>)
    %dma_wait3A_2036 = arith.constant 1 : i32
    %dma_wait3A_2037 = arith.constant 0 : i32
    %dma_wait3A_2038 = arith.constant 0 : i32
    %dma_wait3A_2039 = tpu.memref_slice %arg6[%dma_wait3A_2036, %dma_wait3A_2037, %dma_wait3A_2038] : memref<7x128x128xf32, #tpu.memory_space<vmem>> -> memref<1x128x128xf32, #tpu.memory_space<vmem>>
    %dma_wait3A_2040 = tpu.memref_squeeze %dma_wait3A_2039 : memref<1x128x128xf32, #tpu.memory_space<vmem>> -> memref<128x128xf32, #tpu.memory_space<vmem>>
    %dma_wait3A_2041 = tpu.memref_reshape %arg4 : memref<4x2048x8x128xf32, #tpu.memory_space<hbm>> -> memref<65536x128xf32, #tpu.memory_space<hbm>>
    %dma_wait3A_2042 = arith.constant 0 : i32
    %dma_wait3A_2043 = tpu.memref_slice %dma_wait3A_2041[%add3A_1868, %dma_wait3A_2042] : memref<65536x128xf32, #tpu.memory_space<hbm>> -> memref<128x128xf32, #tpu.memory_space<hbm>>
    %dma_wait3A_2044 = tpu.memref_reshape %arg4 : memref<4x2048x8x128xf32, #tpu.memory_space<hbm>> -> memref<65536x128xf32, #tpu.memory_space<hbm>>
    %dma_wait3A_2045 = arith.constant 0 : i32
    %dma_wait3A_2046 = tpu.memref_slice %dma_wait3A_2044[%add3A_1868, %dma_wait3A_2045] : memref<65536x128xf32, #tpu.memory_space<hbm>> -> memref<128x128xf32, #tpu.memory_space<hbm>>
    %dma_wait3A_2047 = arith.constant 0 : i32
    %dma_wait3A_2048 = arith.constant 0 : i32
    %dma_wait3A_2049 = tpu.memref_slice %arg6[%dma_wait3A_2036, %dma_wait3A_2047, %dma_wait3A_2048] : memref<7x128x128xf32, #tpu.memory_space<vmem>> -> memref<1x128x128xf32, #tpu.memory_space<vmem>>
    %dma_wait3A_2050 = tpu.memref_squeeze %dma_wait3A_2049 : memref<1x128x128xf32, #tpu.memory_space<vmem>> -> memref<128x128xf32, #tpu.memory_space<vmem>>
    tpu.wait_dma2 semaphore(%arg8 : memref<!tpu.dma_semaphore, #tpu.memory_space<semaphore_mem>>) src(%dma_wait3A_2050 : memref<128x128xf32, #tpu.memory_space<vmem>>) dst(%dma_wait3A_2046 : memref<128x128xf32, #tpu.memory_space<hbm>>)
    %get3A_2051 = arith.constant 15 : i32
    %get3A_2052 = arith.index_cast %get3A_2051 : i32 to index
    %get3A_2053 = arith.constant 0 : index
    %get3A_2054 = tpu.vector_load %arg5[%get3A_2052, %get3A_2053] {strides = array<i32>} : memref<16x128xi32, #tpu.memory_space<vmem>>, vector<1x16xi32>,
    %get3A_2055 = vector.shape_cast %get3A_2054 : vector<1x16xi32> to vector<16xi32>
    %add3A_2056 = arith.addi %get3A_2055, %mul3A_9 : vector<16xi32>
    %swap3A_2057 = arith.constant 15 : i32
    %swap3A_2058 = arith.index_cast %swap3A_2057 : i32 to index
    %swap3A_2059 = arith.constant 0 : index
    %swap3A_2060 = tpu.vector_load %arg5[%swap3A_2058, %swap3A_2059] {strides = array<i32>} : memref<16x128xi32, #tpu.memory_space<vmem>>, vector<1x16xi32>,
    %swap3A_2061 = vector.shape_cast %swap3A_2060 : vector<1x16xi32> to vector<16xi32>
    %swap3A_2062 = vector.shape_cast %add3A_2056 : vector<16xi32> to vector<1x16xi32>
    tpu.vector_store %arg5[%swap3A_2058, %swap3A_2059], %swap3A_2062 {strides = array<i32>} : memref<16x128xi32, #tpu.memory_space<vmem>>, vector<1x16xi32>,
    %get3A_2063 = arith.constant 15 : i32
    %get3A_2064 = arith.index_cast %get3A_2063 : i32 to index
    %get3A_2065 = arith.constant 16 : index
    %get3A_2066 = tpu.vector_load %arg5[%get3A_2064, %get3A_2065] {strides = array<i32>} : memref<16x128xi32, #tpu.memory_space<vmem>>, vector<1x16xi32>,
    %get3A_2067 = vector.shape_cast %get3A_2066 : vector<1x16xi32> to vector<16xi32>
    %add3A_2068 = arith.addi %get3A_2067, %mul3A_9 : vector<16xi32>
    %swap3A_2069 = arith.constant 15 : i32
    %swap3A_2070 = arith.index_cast %swap3A_2069 : i32 to index
    %swap3A_2071 = arith.constant 16 : index
    %swap3A_2072 = tpu.vector_load %arg5[%swap3A_2070, %swap3A_2071] {strides = array<i32>} : memref<16x128xi32, #tpu.memory_space<vmem>>, vector<1x16xi32>,
    %swap3A_2073 = vector.shape_cast %swap3A_2072 : vector<1x16xi32> to vector<16xi32>
    %swap3A_2074 = vector.shape_cast %add3A_2068 : vector<16xi32> to vector<1x16xi32>
    tpu.vector_store %arg5[%swap3A_2070, %swap3A_2071], %swap3A_2074 {strides = array<i32>} : memref<16x128xi32, #tpu.memory_space<vmem>>, vector<1x16xi32>,
    %get3A_2075 = arith.constant 15 : i32
    %get3A_2076 = arith.index_cast %get3A_2075 : i32 to index
    %get3A_2077 = arith.constant 32 : index
    %get3A_2078 = tpu.vector_load %arg5[%get3A_2076, %get3A_2077] {strides = array<i32>} : memref<16x128xi32, #tpu.memory_space<vmem>>, vector<1x16xi32>,
    %get3A_2079 = vector.shape_cast %get3A_2078 : vector<1x16xi32> to vector<16xi32>
    %add3A_2080 = arith.addi %get3A_2079, %mul3A_9 : vector<16xi32>
    %swap3A_2081 = arith.constant 15 : i32
    %swap3A_2082 = arith.index_cast %swap3A_2081 : i32 to index
    %swap3A_2083 = arith.constant 32 : index
    %swap3A_2084 = tpu.vector_load %arg5[%swap3A_2082, %swap3A_2083] {strides = array<i32>} : memref<16x128xi32, #tpu.memory_space<vmem>>, vector<1x16xi32>,
    %swap3A_2085 = vector.shape_cast %swap3A_2084 : vector<1x16xi32> to vector<16xi32>
    %swap3A_2086 = vector.shape_cast %add3A_2080 : vector<16xi32> to vector<1x16xi32>
    tpu.vector_store %arg5[%swap3A_2082, %swap3A_2083], %swap3A_2086 {strides = array<i32>} : memref<16x128xi32, #tpu.memory_space<vmem>>, vector<1x16xi32>,
    %get3A_2087 = arith.constant 15 : i32
    %get3A_2088 = arith.index_cast %get3A_2087 : i32 to index
    %get3A_2089 = arith.constant 48 : index
    %get3A_2090 = tpu.vector_load %arg5[%get3A_2088, %get3A_2089] {strides = array<i32>} : memref<16x128xi32, #tpu.memory_space<vmem>>, vector<1x16xi32>,
    %get3A_2091 = vector.shape_cast %get3A_2090 : vector<1x16xi32> to vector<16xi32>
    %add3A_2092 = arith.addi %get3A_2091, %mul3A_9 : vector<16xi32>
    %swap3A_2093 = arith.constant 15 : i32
    %swap3A_2094 = arith.index_cast %swap3A_2093 : i32 to index
    %swap3A_2095 = arith.constant 48 : index
    %swap3A_2096 = tpu.vector_load %arg5[%swap3A_2094, %swap3A_2095] {strides = array<i32>} : memref<16x128xi32, #tpu.memory_space<vmem>>, vector<1x16xi32>,
    %swap3A_2097 = vector.shape_cast %swap3A_2096 : vector<1x16xi32> to vector<16xi32>
    %swap3A_2098 = vector.shape_cast %add3A_2092 : vector<16xi32> to vector<1x16xi32>
    tpu.vector_store %arg5[%swap3A_2094, %swap3A_2095], %swap3A_2098 {strides = array<i32>} : memref<16x128xi32, #tpu.memory_space<vmem>>, vector<1x16xi32>,
    %get3A_2099 = arith.constant 15 : i32
    %get3A_2100 = arith.index_cast %get3A_2099 : i32 to index
    %get3A_2101 = arith.constant 64 : index
    %get3A_2102 = tpu.vector_load %arg5[%get3A_2100, %get3A_2101] {strides = array<i32>} : memref<16x128xi32, #tpu.memory_space<vmem>>, vector<1x16xi32>,
    %get3A_2103 = vector.shape_cast %get3A_2102 : vector<1x16xi32> to vector<16xi32>
    %add3A_2104 = arith.addi %get3A_2103, %mul3A_9 : vector<16xi32>
    %swap3A_2105 = arith.constant 15 : i32
    %swap3A_2106 = arith.index_cast %swap3A_2105 : i32 to index
    %swap3A_2107 = arith.constant 64 : index
    %swap3A_2108 = tpu.vector_load %arg5[%swap3A_2106, %swap3A_2107] {strides = array<i32>} : memref<16x128xi32, #tpu.memory_space<vmem>>, vector<1x16xi32>,
    %swap3A_2109 = vector.shape_cast %swap3A_2108 : vector<1x16xi32> to vector<16xi32>
    %swap3A_2110 = vector.shape_cast %add3A_2104 : vector<16xi32> to vector<1x16xi32>
    tpu.vector_store %arg5[%swap3A_2106, %swap3A_2107], %swap3A_2110 {strides = array<i32>} : memref<16x128xi32, #tpu.memory_space<vmem>>, vector<1x16xi32>,
    %get3A_2111 = arith.constant 15 : i32
    %get3A_2112 = arith.index_cast %get3A_2111 : i32 to index
    %get3A_2113 = arith.constant 80 : index
    %get3A_2114 = tpu.vector_load %arg5[%get3A_2112, %get3A_2113] {strides = array<i32>} : memref<16x128xi32, #tpu.memory_space<vmem>>, vector<1x16xi32>,
    %get3A_2115 = vector.shape_cast %get3A_2114 : vector<1x16xi32> to vector<16xi32>
    %add3A_2116 = arith.addi %get3A_2115, %mul3A_9 : vector<16xi32>
    %swap3A_2117 = arith.constant 15 : i32
    %swap3A_2118 = arith.index_cast %swap3A_2117 : i32 to index
    %swap3A_2119 = arith.constant 80 : index
    %swap3A_2120 = tpu.vector_load %arg5[%swap3A_2118, %swap3A_2119] {strides = array<i32>} : memref<16x128xi32, #tpu.memory_space<vmem>>, vector<1x16xi32>,
    %swap3A_2121 = vector.shape_cast %swap3A_2120 : vector<1x16xi32> to vector<16xi32>
    %swap3A_2122 = vector.shape_cast %add3A_2116 : vector<16xi32> to vector<1x16xi32>
    tpu.vector_store %arg5[%swap3A_2118, %swap3A_2119], %swap3A_2122 {strides = array<i32>} : memref<16x128xi32, #tpu.memory_space<vmem>>, vector<1x16xi32>,
    %get3A_2123 = arith.constant 15 : i32
    %get3A_2124 = arith.index_cast %get3A_2123 : i32 to index
    %get3A_2125 = arith.constant 96 : index
    %get3A_2126 = tpu.vector_load %arg5[%get3A_2124, %get3A_2125] {strides = array<i32>} : memref<16x128xi32, #tpu.memory_space<vmem>>, vector<1x16xi32>,
    %get3A_2127 = vector.shape_cast %get3A_2126 : vector<1x16xi32> to vector<16xi32>
    %add3A_2128 = arith.addi %get3A_2127, %mul3A_9 : vector<16xi32>
    %swap3A_2129 = arith.constant 15 : i32
    %swap3A_2130 = arith.index_cast %swap3A_2129 : i32 to index
    %swap3A_2131 = arith.constant 96 : index
    %swap3A_2132 = tpu.vector_load %arg5[%swap3A_2130, %swap3A_2131] {strides = array<i32>} : memref<16x128xi32, #tpu.memory_space<vmem>>, vector<1x16xi32>,
    %swap3A_2133 = vector.shape_cast %swap3A_2132 : vector<1x16xi32> to vector<16xi32>
    %swap3A_2134 = vector.shape_cast %add3A_2128 : vector<16xi32> to vector<1x16xi32>
    tpu.vector_store %arg5[%swap3A_2130, %swap3A_2131], %swap3A_2134 {strides = array<i32>} : memref<16x128xi32, #tpu.memory_space<vmem>>, vector<1x16xi32>,
    %get3A_2135 = arith.constant 15 : i32
    %get3A_2136 = arith.index_cast %get3A_2135 : i32 to index
    %get3A_2137 = arith.constant 112 : index
    %get3A_2138 = tpu.vector_load %arg5[%get3A_2136, %get3A_2137] {strides = array<i32>} : memref<16x128xi32, #tpu.memory_space<vmem>>, vector<1x16xi32>,
    %get3A_2139 = vector.shape_cast %get3A_2138 : vector<1x16xi32> to vector<16xi32>
    %add3A_2140 = arith.addi %get3A_2139, %mul3A_9 : vector<16xi32>
    %swap3A_2141 = arith.constant 15 : i32
    %swap3A_2142 = arith.index_cast %swap3A_2141 : i32 to index
    %swap3A_2143 = arith.constant 112 : index
    %swap3A_2144 = tpu.vector_load %arg5[%swap3A_2142, %swap3A_2143] {strides = array<i32>} : memref<16x128xi32, #tpu.memory_space<vmem>>, vector<1x16xi32>,
    %swap3A_2145 = vector.shape_cast %swap3A_2144 : vector<1x16xi32> to vector<16xi32>
    %swap3A_2146 = vector.shape_cast %add3A_2140 : vector<16xi32> to vector<1x16xi32>
    tpu.vector_store %arg5[%swap3A_2142, %swap3A_2143], %swap3A_2146 {strides = array<i32>} : memref<16x128xi32, #tpu.memory_space<vmem>>, vector<1x16xi32>,
    %dma_start3A_2147 = arith.constant 15 : i32
    %dma_start3A_2148 = arith.constant 1 : i32
    %dma_start3A_2149 = arith.constant 0 : i32
    %dma_start3A_2150 = arith.constant 0 : i32
    %dma_start3A_2151 = tpu.memref_slice %arg6[%dma_start3A_2148, %dma_start3A_2149, %dma_start3A_2150] : memref<7x128x128xf32, #tpu.memory_space<vmem>> -> memref<1x128x128xf32, #tpu.memory_space<vmem>>
    %dma_start3A_2152 = tpu.memref_squeeze %dma_start3A_2151 : memref<1x128x128xf32, #tpu.memory_space<vmem>> -> memref<128x128xf32, #tpu.memory_space<vmem>>
    %dma_start3A_2153 = arith.constant 0 : i32
    %dma_start3A_2154 = tpu.memref_slice %arg5[%dma_start3A_2147, %dma_start3A_2153] : memref<16x128xi32, #tpu.memory_space<vmem>> -> memref<1x128xi32, #tpu.memory_space<vmem>>
    %dma_start3A_2155 = tpu.memref_squeeze %dma_start3A_2154 : memref<1x128xi32, #tpu.memory_space<vmem>> -> memref<128xi32, #tpu.memory_space<vmem>>
    %dma_start3A_2156 = arith.constant 0 : i32
    %dma_start3A_2157 = arith.constant 0 : i32
    %dma_start3A_2158 = tpu.memref_slice %arg2[%dma_start3A_2156, %dma_start3A_2157] : memref<800000x128xf32, #tpu.memory_space<hbm>> -> memref<800000x128xf32, #tpu.memory_space<hbm>>
    tpu.enqueue_indirect_dma source(%dma_start3A_2158 : memref<800000x128xf32, #tpu.memory_space<hbm>>) target(%dma_start3A_2152 : memref<128x128xf32, #tpu.memory_space<vmem>>) offsets(%dma_start3A_2155 : memref<128xi32, #tpu.memory_space<vmem>>) semaphore(%arg8 : memref<!tpu.dma_semaphore, #tpu.memory_space<semaphore_mem>>)
    %dma_wait3A_2159 = arith.constant 10 : i32
    %dma_wait3A_2160 = arith.constant 3 : i32
    %dma_wait3A_2161 = arith.constant 0 : i32
    %dma_wait3A_2162 = arith.constant 0 : i32
    %dma_wait3A_2163 = tpu.memref_slice %arg6[%dma_wait3A_2160, %dma_wait3A_2161, %dma_wait3A_2162] : memref<7x128x128xf32, #tpu.memory_space<vmem>> -> memref<1x128x128xf32, #tpu.memory_space<vmem>>
    %dma_wait3A_2164 = tpu.memref_squeeze %dma_wait3A_2163 : memref<1x128x128xf32, #tpu.memory_space<vmem>> -> memref<128x128xf32, #tpu.memory_space<vmem>>
    %dma_wait3A_2165 = arith.constant 0 : i32
    %dma_wait3A_2166 = tpu.memref_slice %arg5[%dma_wait3A_2159, %dma_wait3A_2165] : memref<16x128xi32, #tpu.memory_space<vmem>> -> memref<1x128xi32, #tpu.memory_space<vmem>>
    %dma_wait3A_2167 = tpu.memref_squeeze %dma_wait3A_2166 : memref<1x128xi32, #tpu.memory_space<vmem>> -> memref<128xi32, #tpu.memory_space<vmem>>
    %dma_wait3A_2168 = arith.constant 0 : i32
    %dma_wait3A_2169 = arith.constant 0 : i32
    %dma_wait3A_2170 = tpu.memref_slice %arg2[%dma_wait3A_2168, %dma_wait3A_2169] : memref<800000x128xf32, #tpu.memory_space<hbm>> -> memref<800000x128xf32, #tpu.memory_space<hbm>>
    tpu.wait_indirect_dma semaphore(%arg10 : memref<!tpu.dma_semaphore, #tpu.memory_space<semaphore_mem>>) src(%dma_wait3A_2170 : memref<800000x128xf32, #tpu.memory_space<hbm>>) dst(%dma_wait3A_2164 : memref<128x128xf32, #tpu.memory_space<vmem>>)
    %add3A_2171 = arith.constant 1280 : i32
    %add3A_2172 = arith.addi %mul3A_2, %add3A_2171 : i32
    %dma_start3A_2173 = arith.constant 3 : i32
    %dma_start3A_2174 = arith.constant 0 : i32
    %dma_start3A_2175 = arith.constant 0 : i32
    %dma_start3A_2176 = tpu.memref_slice %arg6[%dma_start3A_2173, %dma_start3A_2174, %dma_start3A_2175] : memref<7x128x128xf32, #tpu.memory_space<vmem>> -> memref<1x128x128xf32, #tpu.memory_space<vmem>>
    %dma_start3A_2177 = tpu.memref_squeeze %dma_start3A_2176 : memref<1x128x128xf32, #tpu.memory_space<vmem>> -> memref<128x128xf32, #tpu.memory_space<vmem>>
    %dma_start3A_2178 = tpu.memref_reshape %arg4 : memref<4x2048x8x128xf32, #tpu.memory_space<hbm>> -> memref<65536x128xf32, #tpu.memory_space<hbm>>
    %dma_start3A_2179 = arith.constant 0 : i32
    %dma_start3A_2180 = tpu.memref_slice %dma_start3A_2178[%add3A_2172, %dma_start3A_2179] : memref<65536x128xf32, #tpu.memory_space<hbm>> -> memref<128x128xf32, #tpu.memory_space<hbm>>
    %dma_start3A_2181 = tpu.memref_reshape %arg4 : memref<4x2048x8x128xf32, #tpu.memory_space<hbm>> -> memref<65536x128xf32, #tpu.memory_space<hbm>>
    %dma_start3A_2182 = arith.constant 0 : i32
    %dma_start3A_2183 = tpu.memref_slice %dma_start3A_2181[%add3A_2172, %dma_start3A_2182] : memref<65536x128xf32, #tpu.memory_space<hbm>> -> memref<128x128xf32, #tpu.memory_space<hbm>>
    %dma_start3A_2184 = arith.constant 0 : i32
    %dma_start3A_2185 = arith.constant 0 : i32
    %dma_start3A_2186 = tpu.memref_slice %arg6[%dma_start3A_2173, %dma_start3A_2184, %dma_start3A_2185] : memref<7x128x128xf32, #tpu.memory_space<vmem>> -> memref<1x128x128xf32, #tpu.memory_space<vmem>>
    %dma_start3A_2187 = tpu.memref_squeeze %dma_start3A_2186 : memref<1x128x128xf32, #tpu.memory_space<vmem>> -> memref<128x128xf32, #tpu.memory_space<vmem>>
    tpu.enqueue_dma source(%dma_start3A_2187 : memref<128x128xf32, #tpu.memory_space<vmem>>) target(%dma_start3A_2183 : memref<128x128xf32, #tpu.memory_space<hbm>>) target_semaphore(%arg10 : memref<!tpu.dma_semaphore, #tpu.memory_space<semaphore_mem>>)
    %dma_wait3A_2188 = arith.constant 11 : i32
    %dma_wait3A_2189 = arith.constant 4 : i32
    %dma_wait3A_2190 = arith.constant 0 : i32
    %dma_wait3A_2191 = arith.constant 0 : i32
    %dma_wait3A_2192 = tpu.memref_slice %arg6[%dma_wait3A_2189, %dma_wait3A_2190, %dma_wait3A_2191] : memref<7x128x128xf32, #tpu.memory_space<vmem>> -> memref<1x128x128xf32, #tpu.memory_space<vmem>>
    %dma_wait3A_2193 = tpu.memref_squeeze %dma_wait3A_2192 : memref<1x128x128xf32, #tpu.memory_space<vmem>> -> memref<128x128xf32, #tpu.memory_space<vmem>>
    %dma_wait3A_2194 = arith.constant 0 : i32
    %dma_wait3A_2195 = tpu.memref_slice %arg5[%dma_wait3A_2188, %dma_wait3A_2194] : memref<16x128xi32, #tpu.memory_space<vmem>> -> memref<1x128xi32, #tpu.memory_space<vmem>>
    %dma_wait3A_2196 = tpu.memref_squeeze %dma_wait3A_2195 : memref<1x128xi32, #tpu.memory_space<vmem>> -> memref<128xi32, #tpu.memory_space<vmem>>
    %dma_wait3A_2197 = arith.constant 0 : i32
    %dma_wait3A_2198 = arith.constant 0 : i32
    %dma_wait3A_2199 = tpu.memref_slice %arg2[%dma_wait3A_2197, %dma_wait3A_2198] : memref<800000x128xf32, #tpu.memory_space<hbm>> -> memref<800000x128xf32, #tpu.memory_space<hbm>>
    tpu.wait_indirect_dma semaphore(%arg11 : memref<!tpu.dma_semaphore, #tpu.memory_space<semaphore_mem>>) src(%dma_wait3A_2199 : memref<800000x128xf32, #tpu.memory_space<hbm>>) dst(%dma_wait3A_2193 : memref<128x128xf32, #tpu.memory_space<vmem>>)
    %add3A_2200 = arith.constant 1408 : i32
    %add3A_2201 = arith.addi %mul3A_2, %add3A_2200 : i32
    %dma_start3A_2202 = arith.constant 4 : i32
    %dma_start3A_2203 = arith.constant 0 : i32
    %dma_start3A_2204 = arith.constant 0 : i32
    %dma_start3A_2205 = tpu.memref_slice %arg6[%dma_start3A_2202, %dma_start3A_2203, %dma_start3A_2204] : memref<7x128x128xf32, #tpu.memory_space<vmem>> -> memref<1x128x128xf32, #tpu.memory_space<vmem>>
    %dma_start3A_2206 = tpu.memref_squeeze %dma_start3A_2205 : memref<1x128x128xf32, #tpu.memory_space<vmem>> -> memref<128x128xf32, #tpu.memory_space<vmem>>
    %dma_start3A_2207 = tpu.memref_reshape %arg4 : memref<4x2048x8x128xf32, #tpu.memory_space<hbm>> -> memref<65536x128xf32, #tpu.memory_space<hbm>>
    %dma_start3A_2208 = arith.constant 0 : i32
    %dma_start3A_2209 = tpu.memref_slice %dma_start3A_2207[%add3A_2201, %dma_start3A_2208] : memref<65536x128xf32, #tpu.memory_space<hbm>> -> memref<128x128xf32, #tpu.memory_space<hbm>>
    %dma_start3A_2210 = tpu.memref_reshape %arg4 : memref<4x2048x8x128xf32, #tpu.memory_space<hbm>> -> memref<65536x128xf32, #tpu.memory_space<hbm>>
    %dma_start3A_2211 = arith.constant 0 : i32
    %dma_start3A_2212 = tpu.memref_slice %dma_start3A_2210[%add3A_2201, %dma_start3A_2211] : memref<65536x128xf32, #tpu.memory_space<hbm>> -> memref<128x128xf32, #tpu.memory_space<hbm>>
    %dma_start3A_2213 = arith.constant 0 : i32
    %dma_start3A_2214 = arith.constant 0 : i32
    %dma_start3A_2215 = tpu.memref_slice %arg6[%dma_start3A_2202, %dma_start3A_2213, %dma_start3A_2214] : memref<7x128x128xf32, #tpu.memory_space<vmem>> -> memref<1x128x128xf32, #tpu.memory_space<vmem>>
    %dma_start3A_2216 = tpu.memref_squeeze %dma_start3A_2215 : memref<1x128x128xf32, #tpu.memory_space<vmem>> -> memref<128x128xf32, #tpu.memory_space<vmem>>
    tpu.enqueue_dma source(%dma_start3A_2216 : memref<128x128xf32, #tpu.memory_space<vmem>>) target(%dma_start3A_2212 : memref<128x128xf32, #tpu.memory_space<hbm>>) target_semaphore(%arg11 : memref<!tpu.dma_semaphore, #tpu.memory_space<semaphore_mem>>)
    %dma_wait3A_2217 = arith.constant 12 : i32
    %dma_wait3A_2218 = arith.constant 5 : i32
    %dma_wait3A_2219 = arith.constant 0 : i32
    %dma_wait3A_2220 = arith.constant 0 : i32
    %dma_wait3A_2221 = tpu.memref_slice %arg6[%dma_wait3A_2218, %dma_wait3A_2219, %dma_wait3A_2220] : memref<7x128x128xf32, #tpu.memory_space<vmem>> -> memref<1x128x128xf32, #tpu.memory_space<vmem>>
    %dma_wait3A_2222 = tpu.memref_squeeze %dma_wait3A_2221 : memref<1x128x128xf32, #tpu.memory_space<vmem>> -> memref<128x128xf32, #tpu.memory_space<vmem>>
    %dma_wait3A_2223 = arith.constant 0 : i32
    %dma_wait3A_2224 = tpu.memref_slice %arg5[%dma_wait3A_2217, %dma_wait3A_2223] : memref<16x128xi32, #tpu.memory_space<vmem>> -> memref<1x128xi32, #tpu.memory_space<vmem>>
    %dma_wait3A_2225 = tpu.memref_squeeze %dma_wait3A_2224 : memref<1x128xi32, #tpu.memory_space<vmem>> -> memref<128xi32, #tpu.memory_space<vmem>>
    %dma_wait3A_2226 = arith.constant 0 : i32
    %dma_wait3A_2227 = arith.constant 0 : i32
    %dma_wait3A_2228 = tpu.memref_slice %arg2[%dma_wait3A_2226, %dma_wait3A_2227] : memref<800000x128xf32, #tpu.memory_space<hbm>> -> memref<800000x128xf32, #tpu.memory_space<hbm>>
    tpu.wait_indirect_dma semaphore(%arg12 : memref<!tpu.dma_semaphore, #tpu.memory_space<semaphore_mem>>) src(%dma_wait3A_2228 : memref<800000x128xf32, #tpu.memory_space<hbm>>) dst(%dma_wait3A_2222 : memref<128x128xf32, #tpu.memory_space<vmem>>)
    %add3A_2229 = arith.constant 1536 : i32
    %add3A_2230 = arith.addi %mul3A_2, %add3A_2229 : i32
    %dma_start3A_2231 = arith.constant 5 : i32
    %dma_start3A_2232 = arith.constant 0 : i32
    %dma_start3A_2233 = arith.constant 0 : i32
    %dma_start3A_2234 = tpu.memref_slice %arg6[%dma_start3A_2231, %dma_start3A_2232, %dma_start3A_2233] : memref<7x128x128xf32, #tpu.memory_space<vmem>> -> memref<1x128x128xf32, #tpu.memory_space<vmem>>
    %dma_start3A_2235 = tpu.memref_squeeze %dma_start3A_2234 : memref<1x128x128xf32, #tpu.memory_space<vmem>> -> memref<128x128xf32, #tpu.memory_space<vmem>>
    %dma_start3A_2236 = tpu.memref_reshape %arg4 : memref<4x2048x8x128xf32, #tpu.memory_space<hbm>> -> memref<65536x128xf32, #tpu.memory_space<hbm>>
    %dma_start3A_2237 = arith.constant 0 : i32
    %dma_start3A_2238 = tpu.memref_slice %dma_start3A_2236[%add3A_2230, %dma_start3A_2237] : memref<65536x128xf32, #tpu.memory_space<hbm>> -> memref<128x128xf32, #tpu.memory_space<hbm>>
    %dma_start3A_2239 = tpu.memref_reshape %arg4 : memref<4x2048x8x128xf32, #tpu.memory_space<hbm>> -> memref<65536x128xf32, #tpu.memory_space<hbm>>
    %dma_start3A_2240 = arith.constant 0 : i32
    %dma_start3A_2241 = tpu.memref_slice %dma_start3A_2239[%add3A_2230, %dma_start3A_2240] : memref<65536x128xf32, #tpu.memory_space<hbm>> -> memref<128x128xf32, #tpu.memory_space<hbm>>
    %dma_start3A_2242 = arith.constant 0 : i32
    %dma_start3A_2243 = arith.constant 0 : i32
    %dma_start3A_2244 = tpu.memref_slice %arg6[%dma_start3A_2231, %dma_start3A_2242, %dma_start3A_2243] : memref<7x128x128xf32, #tpu.memory_space<vmem>> -> memref<1x128x128xf32, #tpu.memory_space<vmem>>
    %dma_start3A_2245 = tpu.memref_squeeze %dma_start3A_2244 : memref<1x128x128xf32, #tpu.memory_space<vmem>> -> memref<128x128xf32, #tpu.memory_space<vmem>>
    tpu.enqueue_dma source(%dma_start3A_2245 : memref<128x128xf32, #tpu.memory_space<vmem>>) target(%dma_start3A_2241 : memref<128x128xf32, #tpu.memory_space<hbm>>) target_semaphore(%arg12 : memref<!tpu.dma_semaphore, #tpu.memory_space<semaphore_mem>>)
    %dma_wait3A_2246 = arith.constant 13 : i32
    %dma_wait3A_2247 = arith.constant 6 : i32
    %dma_wait3A_2248 = arith.constant 0 : i32
    %dma_wait3A_2249 = arith.constant 0 : i32
    %dma_wait3A_2250 = tpu.memref_slice %arg6[%dma_wait3A_2247, %dma_wait3A_2248, %dma_wait3A_2249] : memref<7x128x128xf32, #tpu.memory_space<vmem>> -> memref<1x128x128xf32, #tpu.memory_space<vmem>>
    %dma_wait3A_2251 = tpu.memref_squeeze %dma_wait3A_2250 : memref<1x128x128xf32, #tpu.memory_space<vmem>> -> memref<128x128xf32, #tpu.memory_space<vmem>>
    %dma_wait3A_2252 = arith.constant 0 : i32
    %dma_wait3A_2253 = tpu.memref_slice %arg5[%dma_wait3A_2246, %dma_wait3A_2252] : memref<16x128xi32, #tpu.memory_space<vmem>> -> memref<1x128xi32, #tpu.memory_space<vmem>>
    %dma_wait3A_2254 = tpu.memref_squeeze %dma_wait3A_2253 : memref<1x128xi32, #tpu.memory_space<vmem>> -> memref<128xi32, #tpu.memory_space<vmem>>
    %dma_wait3A_2255 = arith.constant 0 : i32
    %dma_wait3A_2256 = arith.constant 0 : i32
    %dma_wait3A_2257 = tpu.memref_slice %arg2[%dma_wait3A_2255, %dma_wait3A_2256] : memref<800000x128xf32, #tpu.memory_space<hbm>> -> memref<800000x128xf32, #tpu.memory_space<hbm>>
    tpu.wait_indirect_dma semaphore(%arg13 : memref<!tpu.dma_semaphore, #tpu.memory_space<semaphore_mem>>) src(%dma_wait3A_2257 : memref<800000x128xf32, #tpu.memory_space<hbm>>) dst(%dma_wait3A_2251 : memref<128x128xf32, #tpu.memory_space<vmem>>)
    %add3A_2258 = arith.constant 1664 : i32
    %add3A_2259 = arith.addi %mul3A_2, %add3A_2258 : i32
    %dma_start3A_2260 = arith.constant 6 : i32
    %dma_start3A_2261 = arith.constant 0 : i32
    %dma_start3A_2262 = arith.constant 0 : i32
    %dma_start3A_2263 = tpu.memref_slice %arg6[%dma_start3A_2260, %dma_start3A_2261, %dma_start3A_2262] : memref<7x128x128xf32, #tpu.memory_space<vmem>> -> memref<1x128x128xf32, #tpu.memory_space<vmem>>
    %dma_start3A_2264 = tpu.memref_squeeze %dma_start3A_2263 : memref<1x128x128xf32, #tpu.memory_space<vmem>> -> memref<128x128xf32, #tpu.memory_space<vmem>>
    %dma_start3A_2265 = tpu.memref_reshape %arg4 : memref<4x2048x8x128xf32, #tpu.memory_space<hbm>> -> memref<65536x128xf32, #tpu.memory_space<hbm>>
    %dma_start3A_2266 = arith.constant 0 : i32
    %dma_start3A_2267 = tpu.memref_slice %dma_start3A_2265[%add3A_2259, %dma_start3A_2266] : memref<65536x128xf32, #tpu.memory_space<hbm>> -> memref<128x128xf32, #tpu.memory_space<hbm>>
    %dma_start3A_2268 = tpu.memref_reshape %arg4 : memref<4x2048x8x128xf32, #tpu.memory_space<hbm>> -> memref<65536x128xf32, #tpu.memory_space<hbm>>
    %dma_start3A_2269 = arith.constant 0 : i32
    %dma_start3A_2270 = tpu.memref_slice %dma_start3A_2268[%add3A_2259, %dma_start3A_2269] : memref<65536x128xf32, #tpu.memory_space<hbm>> -> memref<128x128xf32, #tpu.memory_space<hbm>>
    %dma_start3A_2271 = arith.constant 0 : i32
    %dma_start3A_2272 = arith.constant 0 : i32
    %dma_start3A_2273 = tpu.memref_slice %arg6[%dma_start3A_2260, %dma_start3A_2271, %dma_start3A_2272] : memref<7x128x128xf32, #tpu.memory_space<vmem>> -> memref<1x128x128xf32, #tpu.memory_space<vmem>>
    %dma_start3A_2274 = tpu.memref_squeeze %dma_start3A_2273 : memref<1x128x128xf32, #tpu.memory_space<vmem>> -> memref<128x128xf32, #tpu.memory_space<vmem>>
    tpu.enqueue_dma source(%dma_start3A_2274 : memref<128x128xf32, #tpu.memory_space<vmem>>) target(%dma_start3A_2270 : memref<128x128xf32, #tpu.memory_space<hbm>>) target_semaphore(%arg13 : memref<!tpu.dma_semaphore, #tpu.memory_space<semaphore_mem>>)
    %dma_wait3A_2275 = arith.constant 14 : i32
    %dma_wait3A_2276 = arith.constant 0 : i32
    %dma_wait3A_2277 = arith.constant 0 : i32
    %dma_wait3A_2278 = arith.constant 0 : i32
    %dma_wait3A_2279 = tpu.memref_slice %arg6[%dma_wait3A_2276, %dma_wait3A_2277, %dma_wait3A_2278] : memref<7x128x128xf32, #tpu.memory_space<vmem>> -> memref<1x128x128xf32, #tpu.memory_space<vmem>>
    %dma_wait3A_2280 = tpu.memref_squeeze %dma_wait3A_2279 : memref<1x128x128xf32, #tpu.memory_space<vmem>> -> memref<128x128xf32, #tpu.memory_space<vmem>>
    %dma_wait3A_2281 = arith.constant 0 : i32
    %dma_wait3A_2282 = tpu.memref_slice %arg5[%dma_wait3A_2275, %dma_wait3A_2281] : memref<16x128xi32, #tpu.memory_space<vmem>> -> memref<1x128xi32, #tpu.memory_space<vmem>>
    %dma_wait3A_2283 = tpu.memref_squeeze %dma_wait3A_2282 : memref<1x128xi32, #tpu.memory_space<vmem>> -> memref<128xi32, #tpu.memory_space<vmem>>
    %dma_wait3A_2284 = arith.constant 0 : i32
    %dma_wait3A_2285 = arith.constant 0 : i32
    %dma_wait3A_2286 = tpu.memref_slice %arg2[%dma_wait3A_2284, %dma_wait3A_2285] : memref<800000x128xf32, #tpu.memory_space<hbm>> -> memref<800000x128xf32, #tpu.memory_space<hbm>>
    tpu.wait_indirect_dma semaphore(%arg7 : memref<!tpu.dma_semaphore, #tpu.memory_space<semaphore_mem>>) src(%dma_wait3A_2286 : memref<800000x128xf32, #tpu.memory_space<hbm>>) dst(%dma_wait3A_2280 : memref<128x128xf32, #tpu.memory_space<vmem>>)
    %add3A_2287 = arith.constant 1792 : i32
    %add3A_2288 = arith.addi %mul3A_2, %add3A_2287 : i32
    %dma_start3A_2289 = arith.constant 0 : i32
    %dma_start3A_2290 = arith.constant 0 : i32
    %dma_start3A_2291 = arith.constant 0 : i32
    %dma_start3A_2292 = tpu.memref_slice %arg6[%dma_start3A_2289, %dma_start3A_2290, %dma_start3A_2291] : memref<7x128x128xf32, #tpu.memory_space<vmem>> -> memref<1x128x128xf32, #tpu.memory_space<vmem>>
    %dma_start3A_2293 = tpu.memref_squeeze %dma_start3A_2292 : memref<1x128x128xf32, #tpu.memory_space<vmem>> -> memref<128x128xf32, #tpu.memory_space<vmem>>
    %dma_start3A_2294 = tpu.memref_reshape %arg4 : memref<4x2048x8x128xf32, #tpu.memory_space<hbm>> -> memref<65536x128xf32, #tpu.memory_space<hbm>>
    %dma_start3A_2295 = arith.constant 0 : i32
    %dma_start3A_2296 = tpu.memref_slice %dma_start3A_2294[%add3A_2288, %dma_start3A_2295] : memref<65536x128xf32, #tpu.memory_space<hbm>> -> memref<128x128xf32, #tpu.memory_space<hbm>>
    %dma_start3A_2297 = tpu.memref_reshape %arg4 : memref<4x2048x8x128xf32, #tpu.memory_space<hbm>> -> memref<65536x128xf32, #tpu.memory_space<hbm>>
    %dma_start3A_2298 = arith.constant 0 : i32
    %dma_start3A_2299 = tpu.memref_slice %dma_start3A_2297[%add3A_2288, %dma_start3A_2298] : memref<65536x128xf32, #tpu.memory_space<hbm>> -> memref<128x128xf32, #tpu.memory_space<hbm>>
    %dma_start3A_2300 = arith.constant 0 : i32
    %dma_start3A_2301 = arith.constant 0 : i32
    %dma_start3A_2302 = tpu.memref_slice %arg6[%dma_start3A_2289, %dma_start3A_2300, %dma_start3A_2301] : memref<7x128x128xf32, #tpu.memory_space<vmem>> -> memref<1x128x128xf32, #tpu.memory_space<vmem>>
    %dma_start3A_2303 = tpu.memref_squeeze %dma_start3A_2302 : memref<1x128x128xf32, #tpu.memory_space<vmem>> -> memref<128x128xf32, #tpu.memory_space<vmem>>
    tpu.enqueue_dma source(%dma_start3A_2303 : memref<128x128xf32, #tpu.memory_space<vmem>>) target(%dma_start3A_2299 : memref<128x128xf32, #tpu.memory_space<hbm>>) target_semaphore(%arg7 : memref<!tpu.dma_semaphore, #tpu.memory_space<semaphore_mem>>)
    %dma_wait3A_2304 = arith.constant 15 : i32
    %dma_wait3A_2305 = arith.constant 1 : i32
    %dma_wait3A_2306 = arith.constant 0 : i32
    %dma_wait3A_2307 = arith.constant 0 : i32
    %dma_wait3A_2308 = tpu.memref_slice %arg6[%dma_wait3A_2305, %dma_wait3A_2306, %dma_wait3A_2307] : memref<7x128x128xf32, #tpu.memory_space<vmem>> -> memref<1x128x128xf32, #tpu.memory_space<vmem>>
    %dma_wait3A_2309 = tpu.memref_squeeze %dma_wait3A_2308 : memref<1x128x128xf32, #tpu.memory_space<vmem>> -> memref<128x128xf32, #tpu.memory_space<vmem>>
    %dma_wait3A_2310 = arith.constant 0 : i32
    %dma_wait3A_2311 = tpu.memref_slice %arg5[%dma_wait3A_2304, %dma_wait3A_2310] : memref<16x128xi32, #tpu.memory_space<vmem>> -> memref<1x128xi32, #tpu.memory_space<vmem>>
    %dma_wait3A_2312 = tpu.memref_squeeze %dma_wait3A_2311 : memref<1x128xi32, #tpu.memory_space<vmem>> -> memref<128xi32, #tpu.memory_space<vmem>>
    %dma_wait3A_2313 = arith.constant 0 : i32
    %dma_wait3A_2314 = arith.constant 0 : i32
    %dma_wait3A_2315 = tpu.memref_slice %arg2[%dma_wait3A_2313, %dma_wait3A_2314] : memref<800000x128xf32, #tpu.memory_space<hbm>> -> memref<800000x128xf32, #tpu.memory_space<hbm>>
    tpu.wait_indirect_dma semaphore(%arg8 : memref<!tpu.dma_semaphore, #tpu.memory_space<semaphore_mem>>) src(%dma_wait3A_2315 : memref<800000x128xf32, #tpu.memory_space<hbm>>) dst(%dma_wait3A_2309 : memref<128x128xf32, #tpu.memory_space<vmem>>)
    %add3A_2316 = arith.constant 1920 : i32
    %add3A_2317 = arith.addi %mul3A_2, %add3A_2316 : i32
    %dma_start3A_2318 = arith.constant 1 : i32
    %dma_start3A_2319 = arith.constant 0 : i32
    %dma_start3A_2320 = arith.constant 0 : i32
    %dma_start3A_2321 = tpu.memref_slice %arg6[%dma_start3A_2318, %dma_start3A_2319, %dma_start3A_2320] : memref<7x128x128xf32, #tpu.memory_space<vmem>> -> memref<1x128x128xf32, #tpu.memory_space<vmem>>
    %dma_start3A_2322 = tpu.memref_squeeze %dma_start3A_2321 : memref<1x128x128xf32, #tpu.memory_space<vmem>> -> memref<128x128xf32, #tpu.memory_space<vmem>>
    %dma_start3A_2323 = tpu.memref_reshape %arg4 : memref<4x2048x8x128xf32, #tpu.memory_space<hbm>> -> memref<65536x128xf32, #tpu.memory_space<hbm>>
    %dma_start3A_2324 = arith.constant 0 : i32
    %dma_start3A_2325 = tpu.memref_slice %dma_start3A_2323[%add3A_2317, %dma_start3A_2324] : memref<65536x128xf32, #tpu.memory_space<hbm>> -> memref<128x128xf32, #tpu.memory_space<hbm>>
    %dma_start3A_2326 = tpu.memref_reshape %arg4 : memref<4x2048x8x128xf32, #tpu.memory_space<hbm>> -> memref<65536x128xf32, #tpu.memory_space<hbm>>
    %dma_start3A_2327 = arith.constant 0 : i32
    %dma_start3A_2328 = tpu.memref_slice %dma_start3A_2326[%add3A_2317, %dma_start3A_2327] : memref<65536x128xf32, #tpu.memory_space<hbm>> -> memref<128x128xf32, #tpu.memory_space<hbm>>
    %dma_start3A_2329 = arith.constant 0 : i32
    %dma_start3A_2330 = arith.constant 0 : i32
    %dma_start3A_2331 = tpu.memref_slice %arg6[%dma_start3A_2318, %dma_start3A_2329, %dma_start3A_2330] : memref<7x128x128xf32, #tpu.memory_space<vmem>> -> memref<1x128x128xf32, #tpu.memory_space<vmem>>
    %dma_start3A_2332 = tpu.memref_squeeze %dma_start3A_2331 : memref<1x128x128xf32, #tpu.memory_space<vmem>> -> memref<128x128xf32, #tpu.memory_space<vmem>>
    tpu.enqueue_dma source(%dma_start3A_2332 : memref<128x128xf32, #tpu.memory_space<vmem>>) target(%dma_start3A_2328 : memref<128x128xf32, #tpu.memory_space<hbm>>) target_semaphore(%arg8 : memref<!tpu.dma_semaphore, #tpu.memory_space<semaphore_mem>>)
    %dma_wait3A_2333 = arith.constant 2 : i32
    %dma_wait3A_2334 = arith.constant 0 : i32
    %dma_wait3A_2335 = arith.constant 0 : i32
    %dma_wait3A_2336 = tpu.memref_slice %arg6[%dma_wait3A_2333, %dma_wait3A_2334, %dma_wait3A_2335] : memref<7x128x128xf32, #tpu.memory_space<vmem>> -> memref<1x128x128xf32, #tpu.memory_space<vmem>>
    %dma_wait3A_2337 = tpu.memref_squeeze %dma_wait3A_2336 : memref<1x128x128xf32, #tpu.memory_space<vmem>> -> memref<128x128xf32, #tpu.memory_space<vmem>>
    %dma_wait3A_2338 = tpu.memref_reshape %arg4 : memref<4x2048x8x128xf32, #tpu.memory_space<hbm>> -> memref<65536x128xf32, #tpu.memory_space<hbm>>
    %dma_wait3A_2339 = arith.constant 0 : i32
    %dma_wait3A_2340 = tpu.memref_slice %dma_wait3A_2338[%add3A_2020, %dma_wait3A_2339] : memref<65536x128xf32, #tpu.memory_space<hbm>> -> memref<128x128xf32, #tpu.memory_space<hbm>>
    %dma_wait3A_2341 = tpu.memref_reshape %arg4 : memref<4x2048x8x128xf32, #tpu.memory_space<hbm>> -> memref<65536x128xf32, #tpu.memory_space<hbm>>
    %dma_wait3A_2342 = arith.constant 0 : i32
    %dma_wait3A_2343 = tpu.memref_slice %dma_wait3A_2341[%add3A_2020, %dma_wait3A_2342] : memref<65536x128xf32, #tpu.memory_space<hbm>> -> memref<128x128xf32, #tpu.memory_space<hbm>>
    %dma_wait3A_2344 = arith.constant 0 : i32
    %dma_wait3A_2345 = arith.constant 0 : i32
    %dma_wait3A_2346 = tpu.memref_slice %arg6[%dma_wait3A_2333, %dma_wait3A_2344, %dma_wait3A_2345] : memref<7x128x128xf32, #tpu.memory_space<vmem>> -> memref<1x128x128xf32, #tpu.memory_space<vmem>>
    %dma_wait3A_2347 = tpu.memref_squeeze %dma_wait3A_2346 : memref<1x128x128xf32, #tpu.memory_space<vmem>> -> memref<128x128xf32, #tpu.memory_space<vmem>>
    tpu.wait_dma2 semaphore(%arg9 : memref<!tpu.dma_semaphore, #tpu.memory_space<semaphore_mem>>) src(%dma_wait3A_2347 : memref<128x128xf32, #tpu.memory_space<vmem>>) dst(%dma_wait3A_2343 : memref<128x128xf32, #tpu.memory_space<hbm>>)
    %dma_wait3A_2348 = arith.constant 3 : i32
    %dma_wait3A_2349 = arith.constant 0 : i32
    %dma_wait3A_2350 = arith.constant 0 : i32
    %dma_wait3A_2351 = tpu.memref_slice %arg6[%dma_wait3A_2348, %dma_wait3A_2349, %dma_wait3A_2350] : memref<7x128x128xf32, #tpu.memory_space<vmem>> -> memref<1x128x128xf32, #tpu.memory_space<vmem>>
    %dma_wait3A_2352 = tpu.memref_squeeze %dma_wait3A_2351 : memref<1x128x128xf32, #tpu.memory_space<vmem>> -> memref<128x128xf32, #tpu.memory_space<vmem>>
    %dma_wait3A_2353 = tpu.memref_reshape %arg4 : memref<4x2048x8x128xf32, #tpu.memory_space<hbm>> -> memref<65536x128xf32, #tpu.memory_space<hbm>>
    %dma_wait3A_2354 = arith.constant 0 : i32
    %dma_wait3A_2355 = tpu.memref_slice %dma_wait3A_2353[%add3A_2172, %dma_wait3A_2354] : memref<65536x128xf32, #tpu.memory_space<hbm>> -> memref<128x128xf32, #tpu.memory_space<hbm>>
    %dma_wait3A_2356 = tpu.memref_reshape %arg4 : memref<4x2048x8x128xf32, #tpu.memory_space<hbm>> -> memref<65536x128xf32, #tpu.memory_space<hbm>>
    %dma_wait3A_2357 = arith.constant 0 : i32
    %dma_wait3A_2358 = tpu.memref_slice %dma_wait3A_2356[%add3A_2172, %dma_wait3A_2357] : memref<65536x128xf32, #tpu.memory_space<hbm>> -> memref<128x128xf32, #tpu.memory_space<hbm>>
    %dma_wait3A_2359 = arith.constant 0 : i32
    %dma_wait3A_2360 = arith.constant 0 : i32
    %dma_wait3A_2361 = tpu.memref_slice %arg6[%dma_wait3A_2348, %dma_wait3A_2359, %dma_wait3A_2360] : memref<7x128x128xf32, #tpu.memory_space<vmem>> -> memref<1x128x128xf32, #tpu.memory_space<vmem>>
    %dma_wait3A_2362 = tpu.memref_squeeze %dma_wait3A_2361 : memref<1x128x128xf32, #tpu.memory_space<vmem>> -> memref<128x128xf32, #tpu.memory_space<vmem>>
    tpu.wait_dma2 semaphore(%arg10 : memref<!tpu.dma_semaphore, #tpu.memory_space<semaphore_mem>>) src(%dma_wait3A_2362 : memref<128x128xf32, #tpu.memory_space<vmem>>) dst(%dma_wait3A_2358 : memref<128x128xf32, #tpu.memory_space<hbm>>)
    %dma_wait3A_2363 = arith.constant 4 : i32
    %dma_wait3A_2364 = arith.constant 0 : i32
    %dma_wait3A_2365 = arith.constant 0 : i32
    %dma_wait3A_2366 = tpu.memref_slice %arg6[%dma_wait3A_2363, %dma_wait3A_2364, %dma_wait3A_2365] : memref<7x128x128xf32, #tpu.memory_space<vmem>> -> memref<1x128x128xf32, #tpu.memory_space<vmem>>
    %dma_wait3A_2367 = tpu.memref_squeeze %dma_wait3A_2366 : memref<1x128x128xf32, #tpu.memory_space<vmem>> -> memref<128x128xf32, #tpu.memory_space<vmem>>
    %dma_wait3A_2368 = tpu.memref_reshape %arg4 : memref<4x2048x8x128xf32, #tpu.memory_space<hbm>> -> memref<65536x128xf32, #tpu.memory_space<hbm>>
    %dma_wait3A_2369 = arith.constant 0 : i32
    %dma_wait3A_2370 = tpu.memref_slice %dma_wait3A_2368[%add3A_2201, %dma_wait3A_2369] : memref<65536x128xf32, #tpu.memory_space<hbm>> -> memref<128x128xf32, #tpu.memory_space<hbm>>
    %dma_wait3A_2371 = tpu.memref_reshape %arg4 : memref<4x2048x8x128xf32, #tpu.memory_space<hbm>> -> memref<65536x128xf32, #tpu.memory_space<hbm>>
    %dma_wait3A_2372 = arith.constant 0 : i32
    %dma_wait3A_2373 = tpu.memref_slice %dma_wait3A_2371[%add3A_2201, %dma_wait3A_2372] : memref<65536x128xf32, #tpu.memory_space<hbm>> -> memref<128x128xf32, #tpu.memory_space<hbm>>
    %dma_wait3A_2374 = arith.constant 0 : i32
    %dma_wait3A_2375 = arith.constant 0 : i32
    %dma_wait3A_2376 = tpu.memref_slice %arg6[%dma_wait3A_2363, %dma_wait3A_2374, %dma_wait3A_2375] : memref<7x128x128xf32, #tpu.memory_space<vmem>> -> memref<1x128x128xf32, #tpu.memory_space<vmem>>
    %dma_wait3A_2377 = tpu.memref_squeeze %dma_wait3A_2376 : memref<1x128x128xf32, #tpu.memory_space<vmem>> -> memref<128x128xf32, #tpu.memory_space<vmem>>
    tpu.wait_dma2 semaphore(%arg11 : memref<!tpu.dma_semaphore, #tpu.memory_space<semaphore_mem>>) src(%dma_wait3A_2377 : memref<128x128xf32, #tpu.memory_space<vmem>>) dst(%dma_wait3A_2373 : memref<128x128xf32, #tpu.memory_space<hbm>>)
    %dma_wait3A_2378 = arith.constant 5 : i32
    %dma_wait3A_2379 = arith.constant 0 : i32
    %dma_wait3A_2380 = arith.constant 0 : i32
    %dma_wait3A_2381 = tpu.memref_slice %arg6[%dma_wait3A_2378, %dma_wait3A_2379, %dma_wait3A_2380] : memref<7x128x128xf32, #tpu.memory_space<vmem>> -> memref<1x128x128xf32, #tpu.memory_space<vmem>>
    %dma_wait3A_2382 = tpu.memref_squeeze %dma_wait3A_2381 : memref<1x128x128xf32, #tpu.memory_space<vmem>> -> memref<128x128xf32, #tpu.memory_space<vmem>>
    %dma_wait3A_2383 = tpu.memref_reshape %arg4 : memref<4x2048x8x128xf32, #tpu.memory_space<hbm>> -> memref<65536x128xf32, #tpu.memory_space<hbm>>
    %dma_wait3A_2384 = arith.constant 0 : i32
    %dma_wait3A_2385 = tpu.memref_slice %dma_wait3A_2383[%add3A_2230, %dma_wait3A_2384] : memref<65536x128xf32, #tpu.memory_space<hbm>> -> memref<128x128xf32, #tpu.memory_space<hbm>>
    %dma_wait3A_2386 = tpu.memref_reshape %arg4 : memref<4x2048x8x128xf32, #tpu.memory_space<hbm>> -> memref<65536x128xf32, #tpu.memory_space<hbm>>
    %dma_wait3A_2387 = arith.constant 0 : i32
    %dma_wait3A_2388 = tpu.memref_slice %dma_wait3A_2386[%add3A_2230, %dma_wait3A_2387] : memref<65536x128xf32, #tpu.memory_space<hbm>> -> memref<128x128xf32, #tpu.memory_space<hbm>>
    %dma_wait3A_2389 = arith.constant 0 : i32
    %dma_wait3A_2390 = arith.constant 0 : i32
    %dma_wait3A_2391 = tpu.memref_slice %arg6[%dma_wait3A_2378, %dma_wait3A_2389, %dma_wait3A_2390] : memref<7x128x128xf32, #tpu.memory_space<vmem>> -> memref<1x128x128xf32, #tpu.memory_space<vmem>>
    %dma_wait3A_2392 = tpu.memref_squeeze %dma_wait3A_2391 : memref<1x128x128xf32, #tpu.memory_space<vmem>> -> memref<128x128xf32, #tpu.memory_space<vmem>>
    tpu.wait_dma2 semaphore(%arg12 : memref<!tpu.dma_semaphore, #tpu.memory_space<semaphore_mem>>) src(%dma_wait3A_2392 : memref<128x128xf32, #tpu.memory_space<vmem>>) dst(%dma_wait3A_2388 : memref<128x128xf32, #tpu.memory_space<hbm>>)
    %dma_wait3A_2393 = arith.constant 6 : i32
    %dma_wait3A_2394 = arith.constant 0 : i32
    %dma_wait3A_2395 = arith.constant 0 : i32
    %dma_wait3A_2396 = tpu.memref_slice %arg6[%dma_wait3A_2393, %dma_wait3A_2394, %dma_wait3A_2395] : memref<7x128x128xf32, #tpu.memory_space<vmem>> -> memref<1x128x128xf32, #tpu.memory_space<vmem>>
    %dma_wait3A_2397 = tpu.memref_squeeze %dma_wait3A_2396 : memref<1x128x128xf32, #tpu.memory_space<vmem>> -> memref<128x128xf32, #tpu.memory_space<vmem>>
    %dma_wait3A_2398 = tpu.memref_reshape %arg4 : memref<4x2048x8x128xf32, #tpu.memory_space<hbm>> -> memref<65536x128xf32, #tpu.memory_space<hbm>>
    %dma_wait3A_2399 = arith.constant 0 : i32
    %dma_wait3A_2400 = tpu.memref_slice %dma_wait3A_2398[%add3A_2259, %dma_wait3A_2399] : memref<65536x128xf32, #tpu.memory_space<hbm>> -> memref<128x128xf32, #tpu.memory_space<hbm>>
    %dma_wait3A_2401 = tpu.memref_reshape %arg4 : memref<4x2048x8x128xf32, #tpu.memory_space<hbm>> -> memref<65536x128xf32, #tpu.memory_space<hbm>>
    %dma_wait3A_2402 = arith.constant 0 : i32
    %dma_wait3A_2403 = tpu.memref_slice %dma_wait3A_2401[%add3A_2259, %dma_wait3A_2402] : memref<65536x128xf32, #tpu.memory_space<hbm>> -> memref<128x128xf32, #tpu.memory_space<hbm>>
    %dma_wait3A_2404 = arith.constant 0 : i32
    %dma_wait3A_2405 = arith.constant 0 : i32
    %dma_wait3A_2406 = tpu.memref_slice %arg6[%dma_wait3A_2393, %dma_wait3A_2404, %dma_wait3A_2405] : memref<7x128x128xf32, #tpu.memory_space<vmem>> -> memref<1x128x128xf32, #tpu.memory_space<vmem>>
    %dma_wait3A_2407 = tpu.memref_squeeze %dma_wait3A_2406 : memref<1x128x128xf32, #tpu.memory_space<vmem>> -> memref<128x128xf32, #tpu.memory_space<vmem>>
    tpu.wait_dma2 semaphore(%arg13 : memref<!tpu.dma_semaphore, #tpu.memory_space<semaphore_mem>>) src(%dma_wait3A_2407 : memref<128x128xf32, #tpu.memory_space<vmem>>) dst(%dma_wait3A_2403 : memref<128x128xf32, #tpu.memory_space<hbm>>)
    %dma_wait3A_2408 = arith.constant 0 : i32
    %dma_wait3A_2409 = arith.constant 0 : i32
    %dma_wait3A_2410 = arith.constant 0 : i32
    %dma_wait3A_2411 = tpu.memref_slice %arg6[%dma_wait3A_2408, %dma_wait3A_2409, %dma_wait3A_2410] : memref<7x128x128xf32, #tpu.memory_space<vmem>> -> memref<1x128x128xf32, #tpu.memory_space<vmem>>
    %dma_wait3A_2412 = tpu.memref_squeeze %dma_wait3A_2411 : memref<1x128x128xf32, #tpu.memory_space<vmem>> -> memref<128x128xf32, #tpu.memory_space<vmem>>
    %dma_wait3A_2413 = tpu.memref_reshape %arg4 : memref<4x2048x8x128xf32, #tpu.memory_space<hbm>> -> memref<65536x128xf32, #tpu.memory_space<hbm>>
    %dma_wait3A_2414 = arith.constant 0 : i32
    %dma_wait3A_2415 = tpu.memref_slice %dma_wait3A_2413[%add3A_2288, %dma_wait3A_2414] : memref<65536x128xf32, #tpu.memory_space<hbm>> -> memref<128x128xf32, #tpu.memory_space<hbm>>
    %dma_wait3A_2416 = tpu.memref_reshape %arg4 : memref<4x2048x8x128xf32, #tpu.memory_space<hbm>> -> memref<65536x128xf32, #tpu.memory_space<hbm>>
    %dma_wait3A_2417 = arith.constant 0 : i32
    %dma_wait3A_2418 = tpu.memref_slice %dma_wait3A_2416[%add3A_2288, %dma_wait3A_2417] : memref<65536x128xf32, #tpu.memory_space<hbm>> -> memref<128x128xf32, #tpu.memory_space<hbm>>
    %dma_wait3A_2419 = arith.constant 0 : i32
    %dma_wait3A_2420 = arith.constant 0 : i32
    %dma_wait3A_2421 = tpu.memref_slice %arg6[%dma_wait3A_2408, %dma_wait3A_2419, %dma_wait3A_2420] : memref<7x128x128xf32, #tpu.memory_space<vmem>> -> memref<1x128x128xf32, #tpu.memory_space<vmem>>
    %dma_wait3A_2422 = tpu.memref_squeeze %dma_wait3A_2421 : memref<1x128x128xf32, #tpu.memory_space<vmem>> -> memref<128x128xf32, #tpu.memory_space<vmem>>
    tpu.wait_dma2 semaphore(%arg7 : memref<!tpu.dma_semaphore, #tpu.memory_space<semaphore_mem>>) src(%dma_wait3A_2422 : memref<128x128xf32, #tpu.memory_space<vmem>>) dst(%dma_wait3A_2418 : memref<128x128xf32, #tpu.memory_space<hbm>>)
    %dma_wait3A_2423 = arith.constant 1 : i32
    %dma_wait3A_2424 = arith.constant 0 : i32
    %dma_wait3A_2425 = arith.constant 0 : i32
    %dma_wait3A_2426 = tpu.memref_slice %arg6[%dma_wait3A_2423, %dma_wait3A_2424, %dma_wait3A_2425] : memref<7x128x128xf32, #tpu.memory_space<vmem>> -> memref<1x128x128xf32, #tpu.memory_space<vmem>>
    %dma_wait3A_2427 = tpu.memref_squeeze %dma_wait3A_2426 : memref<1x128x128xf32, #tpu.memory_space<vmem>> -> memref<128x128xf32, #tpu.memory_space<vmem>>
    %dma_wait3A_2428 = tpu.memref_reshape %arg4 : memref<4x2048x8x128xf32, #tpu.memory_space<hbm>> -> memref<65536x128xf32, #tpu.memory_space<hbm>>
    %dma_wait3A_2429 = arith.constant 0 : i32
    %dma_wait3A_2430 = tpu.memref_slice %dma_wait3A_2428[%add3A_2317, %dma_wait3A_2429] : memref<65536x128xf32, #tpu.memory_space<hbm>> -> memref<128x128xf32, #tpu.memory_space<hbm>>
    %dma_wait3A_2431 = tpu.memref_reshape %arg4 : memref<4x2048x8x128xf32, #tpu.memory_space<hbm>> -> memref<65536x128xf32, #tpu.memory_space<hbm>>
    %dma_wait3A_2432 = arith.constant 0 : i32
    %dma_wait3A_2433 = tpu.memref_slice %dma_wait3A_2431[%add3A_2317, %dma_wait3A_2432] : memref<65536x128xf32, #tpu.memory_space<hbm>> -> memref<128x128xf32, #tpu.memory_space<hbm>>
    %dma_wait3A_2434 = arith.constant 0 : i32
    %dma_wait3A_2435 = arith.constant 0 : i32
    %dma_wait3A_2436 = tpu.memref_slice %arg6[%dma_wait3A_2423, %dma_wait3A_2434, %dma_wait3A_2435] : memref<7x128x128xf32, #tpu.memory_space<vmem>> -> memref<1x128x128xf32, #tpu.memory_space<vmem>>
    %dma_wait3A_2437 = tpu.memref_squeeze %dma_wait3A_2436 : memref<1x128x128xf32, #tpu.memory_space<vmem>> -> memref<128x128xf32, #tpu.memory_space<vmem>>
    tpu.wait_dma2 semaphore(%arg8 : memref<!tpu.dma_semaphore, #tpu.memory_space<semaphore_mem>>) src(%dma_wait3A_2437 : memref<128x128xf32, #tpu.memory_space<vmem>>) dst(%dma_wait3A_2433 : memref<128x128xf32, #tpu.memory_space<hbm>>)
    return
  }
}

</mosaic_0001>

<sc_bundles>
// kernel: kernel.3.cloned.1.call-start
scs
__scs_entry_jumppad:
0x0: {  	(pc) =	sbr.rel $0x88, $3  }
0x1: {  	(tag) =	ssettag $0x0;
	lr =	simm.s32 $0x1  }
0x2: {  	[smem:$0x3F9F] =	sst lr;
	_ =	strace $0xD0000000  }
0x3: {  	_ = 	snop  }
0x4: {  	_ = 	snop  }
0x5: {  	_ = 	snop  }
0x6: {  	_ = 	snop  }
0x7: {  	_ = 	snop  }
__scs_overlays_trampoline_lowered:
0x8: {  	[smem:$0x3FAE] =	sst s0  }
0x9: {  	[smem:$0x3FAF] =	sst s1  }
0xa: {  	[smem:$0x3FB0] =	sst s2  }
0xb: {  	[smem:$0x3FB1] =	sst s3  }
0xc: {  	[smem:$0x3FB2] =	sst s4  }
0xd: {  	[smem:$0x3FB3] =	sst s5  }
0xe: {  	[smem:$0x3FB4] =	sst s6  }
0xf: {  	[smem:$0x3FB5] =	sst s7  }
0x10: {  	[smem:$0x3FB6] =	sst s8  }
0x11: {  	[smem:$0x3FB7] =	sst s9;
	s0 =	simm.s32 @!p0 $0x0  }
0x12: {  	s1 =	sld [smem:$0x3F9D];
	s0 =	simm.s32 @p0 $0x1  }
0x13: {  	[smem:$0x3FB8] =	sst s0;
	s0 =	simm.s32 @!p1 $0x0  }
0x14: {  	s2 =	sld [smem:$0x3F9C];
	s0 =	simm.s32 @p1 $0x1  }
0x15: {  	[smem:$0x3FB9] =	sst s0;
	s0 =	simm.s32 @!p2 $0x0  }
0x16: {  	s3 =	sld [smem:$0x3FDB];
	s0 =	simm.s32 @p2 $0x1  }
0x17: {  	s4 =	simm.s32 $0x1BF5;
	[smem:$0x3FBB] =	sst s0  }
0x18: {  	s0 =	sld [smem:$0x3F9E];
	_ =	swait.ge [sflag:s4], $0x0  }
0x19: {  	s7 =	sld [smem:$0x3F9F]  }
0x1a: {  	s8 =	sadd.s32 $0xFFFFE003, lr  }
0x1b: {  	s9 =	sadd.s32 $0xFFFFFEF7, lr;
	s5 =	simm.s32 $0xFFFFFFFF;
	p2 =	slt.u32 s8, $0xFFFFF086  }
0x1c: {  	p1 =	slt.u32 s9, $0xF7A;
	s5 =	simm.s32 @!p2 $0x0  }
0x1d: {  	s5 =	simm.s32 @p1 $0x1;
	p0 =	seq.s32 s7, s2  }
0x1e: {  	s7 =	smul.u32 @!p0 $0xF7A, s2;
	p2 =	seq.s32 @!p0 s5, $0x0  }
0x1f: {  	s9 =	smul.u32 $0xF7A, s1;
	s8 =	simm.s32 @!p0 $0x1BF5;
	p2 =	por !p2, p0  }
0x20: {  	[sflag:s8] =	ssyncset.s32 @!p0 $0xFFFFF086;
	s6 =	sadd.s32 @!p0 s3, s7;
	s7 =	simm.s32 @!p0 $0x108  }
0x21: {  	s3 =	sadd.s32 s3, s9;
	s6 =	sadd.s32 @!p0 $0x88, s6;
	s7 =	simm.s32 @p2 $0x1082  }
0x22: {  	[simem:s7], [sflag:s8] =	dma.local @!p0 [hbm:s6], $0xF7A  }
0x23: {  	s9 =	sor.u32 $0xD0000000, s2;
	s6 =	simm.s32 $0x108;
	_ =	swait.ge @!p0 [sflag:s8], $0x0  }
0x24: {  	s3 =	sadd.s32 $0x88, s3;
	s6 =	simm.s32 @!p1 $0x1082;
	[sflag:s4] =	ssyncset.s32 $0xFFFFF086  }
0x25: {  	[simem:s6], [sflag:s4] =	dma.local [hbm:s3], $0xF7A  }
0x26: {  	[smem:$0x3F9F] =	sst s1;
	(tag) =	ssettag s2;
	_ =	strace s9  }
0x27: {  	s1 =	sld [smem:$0x3FAF]  }
0x28: {  	s2 =	sld [smem:$0x3FB0]  }
0x29: {  	s4 =	sld [smem:$0x3FB2]  }
0x2a: {  	p0 =	seq.s32 s5, $0x0;
	s5 =	sld [smem:$0x3FB3]  }
0x2b: {  	s6 =	sld [smem:$0x3FB4]  }
0x2c: {  	s7 =	sld [smem:$0x3FB5]  }
0x2d: {  	s3 =	simm.s32 $0x108;
	s8 =	sld [smem:$0x3FB6]  }
0x2e: {  	s3 =	simm.s32 @!p0 $0x1082;
	s9 =	sld [smem:$0x3FB7]  }
0x2f: {  	lr =	sadd.s32 s0, s3;
	s0 =	sld [smem:$0x3FAE]  }
0x30: {  	s3 =	sld [smem:$0x3FB1]  }
0x31: {  	[smem:$0x3FBA] =	sst s10  }
0x32: {  	s10 =	sld [smem:$0x3FB8];
	_ =	sdelay $0x3  }
0x33: {  	p0 =	seq.s32 s10, $0x1;
	s10 =	sld [smem:$0x3FBA];
	_ =	sdelay $0x3  }
0x34: {  	[smem:$0x3FBA] =	sst s10  }
0x35: {  	s10 =	sld [smem:$0x3FB9];
	_ =	sdelay $0x3  }
0x36: {  	p1 =	seq.s32 s10, $0x1;
	s10 =	sld [smem:$0x3FBA];
	_ =	sdelay $0x3  }
0x37: {  	[smem:$0x3FBA] =	sst s10  }
0x38: {  	s10 =	sld [smem:$0x3FBB]  }
0x39: {  	_ = 	snop;
	(pc) =	sbr.ind lr, $3  }
0x3a: {  	_ = 	snop  }
0x3b: {  	_ = 	snop  }
0x3c: {  	p2 =	seq.s32 s10, $0x1;
	s10 =	sld [smem:$0x3FBA]  }
0x3d: {  	_ =	shalt  }
0x3e: {  	_ =	shalt  }
0x3f: {  	_ =	shalt  }
0x40: {  	_ =	shalt  }
0x41: {  	_ =	shalt  }
0x42: {  	_ =	shalt  }
0x43: {  	_ =	shalt  }
0x44: {  	_ =	shalt  }
0x45: {  	_ =	shalt  }
0x46: {  	_ =	shalt  }
0x47: {  	_ =	shalt  }
0x48: {  	_ =	shalt  }
0x49: {  	_ =	shalt  }
0x4a: {  	_ =	shalt  }
0x4b: {  	_ =	shalt  }
0x4c: {  	_ =	shalt  }
0x4d: {  	_ =	shalt  }
0x4e: {  	_ =	shalt  }
0x4f: {  	_ =	shalt  }
0x50: {  	_ =	shalt  }
0x51: {  	_ =	shalt  }
0x52: {  	_ =	shalt  }
0x53: {  	_ =	shalt  }
0x54: {  	_ =	shalt  }
0x55: {  	_ =	shalt  }
0x56: {  	_ =	shalt  }
0x57: {  	_ =	shalt  }
0x58: {  	_ =	shalt  }
0x59: {  	_ =	shalt  }
0x5a: {  	_ =	shalt  }
0x5b: {  	_ =	shalt  }
0x5c: {  	_ =	shalt  }
0x5d: {  	_ =	shalt  }
0x5e: {  	_ =	shalt  }
0x5f: {  	_ =	shalt  }
0x60: {  	_ =	shalt  }
0x61: {  	_ =	shalt  }
0x62: {  	_ =	shalt  }
0x63: {  	_ =	shalt  }
0x64: {  	_ =	shalt  }
0x65: {  	_ =	shalt  }
0x66: {  	_ =	shalt  }
0x67: {  	_ =	shalt  }
0x68: {  	_ =	shalt  }
0x69: {  	_ =	shalt  }
0x6a: {  	_ =	shalt  }
0x6b: {  	_ =	shalt  }
0x6c: {  	_ =	shalt  }
0x6d: {  	_ =	shalt  }
0x6e: {  	_ =	shalt  }
0x6f: {  	_ =	shalt  }
0x70: {  	_ =	shalt  }
0x71: {  	_ =	shalt  }
0x72: {  	_ =	shalt  }
0x73: {  	_ =	shalt  }
0x74: {  	_ =	shalt  }
0x75: {  	_ =	shalt  }
0x76: {  	_ =	shalt  }
0x77: {  	_ =	shalt  }
0x78: {  	_ =	shalt  }
0x79: {  	_ =	shalt  }
0x7a: {  	_ =	shalt  }
0x7b: {  	_ =	shalt  }
0x7c: {  	_ =	shalt  }
0x7d: {  	_ =	shalt  }
0x7e: {  	_ =	shalt  }
0x7f: {  	_ =	shalt  }
0x80: {  	_ =	shalt  }
0x81: {  	_ =	shalt  }
0x82: {  	_ =	shalt  }
0x83: {  	_ =	shalt  }
0x84: {  	_ =	shalt  }
0x85: {  	_ =	shalt  }
0x86: {  	_ =	shalt  }
0x87: {  	_ =	shalt  }
.Lfunc_end0:
.L_simem_size_0:
called_computation_lowered:
.L_overlay_start_0:
0x88: {  	s2 =	sld [smem:$0x3FD9]  }
0x89: {  	s3 =	sld [smem:$0x3FFE];
	_ =	sdelay $0x1  }
0x8a: {  	s1 =	srdreg.scid  }
0x8b: {  	s0 =	sand.u32 $0x1, s1  }
0x8c: {  	s17 =	sshll.u32 s0, $0xA;
	s2 =	sadd.s32 s3, s2  }
0x8d: {  	s2 =	sadd.s32 s2, s17  }
0x8e: {  	[smem:$0x3FC6] =	sst s2  }
0x8f: {  	_ = 	snop  }
0x90: {  	s2 =	sld [smem:$0x3FC8]  }
0x91: {  	s18 =	sld [smem:$0x3FD0];
	(tm) =	ssettm $0x1  }
0x92: {  	s4 =	sld [smem:$0x3FFB];
	_ =	sdelay $0x3  }
0x93: {  	_ =	strace s4  }
0x94: {  	s4 =	sld [smem:$0x3FFC];
	_ =	sdelay $0x3  }
0x95: {  	_ =	strace s4  }
0x96: {  	s4 =	sld [smem:$0x3FFD];
	_ =	sdelay $0x3  }
0x97: {  	_ =	strace s4  }
0x98: {  	_ =	strace $0x8FFFFFFF  }
0x99: {  	s19 =	sld [smem:$0x3FDB];
	_ =	sdelay $0x1  }
0x9a: {  	s5 =	simm.s32 $_scs_section_size  }
0x9b: {  	s6 =	simm.s32 $_size__tile_overlayer_lowered;
	s7 =	simm.s32 $_tile_overlayer_lowered  }
0x9c: {  	s22 =	simm.s32 $0x1BFF;
	s21 =	sshll.u32 s7, $0x1;
	s4 =	sadd.s32 s5, s19  }
0x9d: {  	s8 =	simm.s32 $0x0;
	s20 =	sshll.u32 s6, $0x1;
	s6 =	sadd.s32 s21, s4  }
0x9e: {  	[timem:s8], [sflag:s22] =	dma.local [hbm:s6], s20  }
0x9f: {  	_ =	swait.ge [sflag:s22], s20  }
0xa0: {  	s5 =	ssub.s32 $0x0, s20;
	[sflag:s22] =	ssyncset.done $0x0  }
0xa1: {  	[sflag:s22] =	ssyncadd.s32 s5;
	_ =	sdelay $0x1  }
0xa2: {  	s23 =	simm.s32 $0x1B8B  }
0xa3: {  	_ =	swait.ge [sflag:s23], $0x1  }
0xa4: {  	[sflag:s23] =	ssyncset.done $0x0  }
0xa5: {  	s25 =	simm.s32 $0x1B8E;
	s24 =	sld [smem:$0x3FFE];
	[sflag:s23] =	ssyncadd.s32 $0xFFFFFFFF  }
0xa6: {  	s26 =	simm.s32 $execute0_lowered;
	[smem:$0x3FD2] =	sst s25  }
0xa7: {  	s6 =	sshll.u32 s26, $0x1;
	_ =	strace $0x80000046;
	[dreg:$0x1] =	wrdreg $0xFFFFFFFF  }
0xa8: {  	s28 =	simm.s32 $_size_execute0_lowered;
	s4 =	sadd.s32 s4, s6;
	[dreg:$0x0] =	wrdreg $0x0  }
0xa9: {  	s6 =	sshll.u32 s28, $0x1;
	[dreg:$0x2] =	wrdreg s4  }
0xaa: {  	[dreg:$0x3] =	wrdreg s6  }
0xab: {  	[dreg:$0x4] =	wrdreg $0xC0  }
0xac: {  	_ =	task [dreg:s8], $0x5FFFF  }
0xad: {  	[dreg:$0x1] =	wrdreg $0xFFFFFFFF  }
0xae: {  	[dreg:$0x0] =	wrdreg $0x60  }
0xaf: {  	[dreg:$0x2] =	wrdreg s2  }
0xb0: {  	[dreg:$0x3] =	wrdreg s24  }
0xb1: {  	[dreg:$0x4] =	wrdreg s18  }
0xb2: {  	[dreg:$0x5] =	wrdreg $0x9  }
0xb3: {  	_ =	task.clear_ibuf [dreg:s8], $0x6FFFF;
	_ =	strace $0x90000046  }
0xb4: {  	s29 =	simm.s32 $0x9;
	_ =	strace $0x80000048  }
0xb5: {  	_ =	swait.ge [sflag:s29], $0x1  }
0xb6: {  	[sflag:s29] =	ssyncadd.s32 $0xFFFFFFFF  }
0xb7: {  	_ =	strace $0x90000048  }
0xb8: {  	_ =	sfence  }
0xb9: {  	s30 =	sld [smem:$0x0];
	_ =	sdelay $0x2  }
0xba: {  	s31 =	sshll.u32 s1, $0xD;
	s1 =	sshrl.u32 s1, $0x2  }
0xbb: {  	s3 =	sand.u32 $0x4000, s31;
	s1 =	sadd.s32 s1, s30  }
0xbc: {  	s0 =	sor.u32 s3, s0;
	s1 =	sshll.u32 s1, $0x11  }
0xbd: {  	s0 =	sor.u32 s1, s0  }
0xbe: {  	s0 =	sadd.s32 $0x8F2B, s0  }
0xbf: {  	[sflag:s0] =	ssyncadd.remote.s32 $0x1  }
0xc0: {  	_ =	sfence.sel $0xFFFF  }
0xc1: {  	[dreg:$0x0] =	wrdreg $0xFFFFFFFF;
	(pc) =	sbr.abs _section_cstart, $3  }
0xc2: {  	[dreg:$0x1] =	wrdreg $0xFFFFFFFF  }
0xc3: {  	_ =	task.clear_ibuf [dreg:s8], $0x2FFFF;
	_ =	strace $0x9FFFFFFF  }
0xc4: {  	(tm) =	ssettm $0x7FFFFFFF  }
0xc5: {  	_ =	shalt  }
tec
execute0_lowered:
.L_overlay_start_1:
0x0: {  	(tag) =	ssettag $0x1  }
0x1: {  	s1 =	rddreg [dreg:$0x0]  }
0x2: {  	s2 =	srdreg.scid;
	s0 =	stileid.u32  }
0x3: {  	s4 =	rddreg [dreg:$0x1];
	s2 =	sand.u32 $0x1, s2;
	s3 =	sshll.u32 s0, $0x1  }
0x4: {  	s5 =	rddreg [dreg:$0x2];
	s6 =	sor.u32 s2, s3;
	s3 =	simm.s32 $0x0  }
0x5: {  	s23 =	simm.s32 $0x100;
	s24 =	simm.s32 $0x180;
	[smem:$0x7FF] =	sst s3  }
0x6: {  	s25 =	simm.s32 $0x200;
	_ =	strace $0x80000047;
	[dreg:$0x14] =	wrdreg s23  }
0x7: {  	s26 =	simm.s32 $0x280;
	s7 =	sshll.u32 s6, $0x8;
	[dreg:$0x15] =	wrdreg s24  }
0x8: {  	s6 =	sshll.u32 s6, $0xF;
	s4 =	sadd.s32 s7, s4;
	[dreg:$0x16] =	wrdreg s25  }
0x9: {  	[dreg:$0x17] =	wrdreg s26;
	s7 =	sadd.s32 $0x400, s4;
	s4 =	sadd.s32 s5, s6  }
0xa: {  	[dreg:$0x4] =	wrdreg s7;
	s5 =	sadd.s32 $0x800, s4  }
0xb: {  	s8 =	sadd.s32 $0x1000, s4;
	[dreg:$0x5] =	wrdreg s5  }
0xc: {  	s28 =	simm.s32 $0x7;
	s9 =	sadd.s32 $0x1800, s4;
	[dreg:$0x6] =	wrdreg s8  }
0xd: {  	s29 =	simm.s32 $0x600;
	s10 =	sadd.s32 $0x2000, s4;
	[dreg:$0x7] =	wrdreg s9  }
0xe: {  	s30 =	simm.s32 $0x680;
	s11 =	sadd.s32 $0x2800, s4;
	[dreg:$0x8] =	wrdreg s10  }
0xf: {  	s31 =	simm.s32 $0x700;
	s12 =	sadd.s32 $0x3000, s4;
	[dreg:$0x9] =	wrdreg s11  }
0x10: {  	s2 =	ssub.s32 $0x2, s2;
	s13 =	sadd.s32 $0x3800, s4;
	[dreg:$0xa] =	wrdreg s12  }
0x11: {  	s20 =	sshrl.u32 s2, $0x1;
	s14 =	sadd.s32 $0x4000, s4;
	[dreg:$0xb] =	wrdreg s13  }
0x12: {  	s2 =	ssub.s32 s2, s20;
	s15 =	sadd.s32 $0x4800, s4;
	[dreg:$0xc] =	wrdreg s14  }
0x13: {  	s20 =	simm.s32 $0x400;
	s16 =	sadd.s32 $0x5000, s4;
	[dreg:$0xd] =	wrdreg s15  }
0x14: {  	s23 =	simm.s32 $0x5;
	s17 =	sadd.s32 $0x5800, s4;
	[dreg:$0xe] =	wrdreg s16  }
0x15: {  	s24 =	simm.s32 $0x500;
	s18 =	sadd.s32 $0x6000, s4;
	[dreg:$0xf] =	wrdreg s17  }
0x16: {  	s25 =	simm.s32 $0x6;
	s19 =	sadd.s32 $0x6800, s4;
	[dreg:$0x10] =	wrdreg s18  }
0x17: {  	s26 =	simm.s32 $0x580;
	s21 =	sadd.s32 $0x7000, s4;
	[dreg:$0x11] =	wrdreg s19  }
0x18: {  	s6 =	simm.s32 $0x8;
	s22 =	sadd.s32 $0x7800, s4;
	[dreg:$0x12] =	wrdreg s21  }
0x19: {  	s7 =	simm.s32 $0x80;
	[dreg:$0x13] =	wrdreg s22;
	s5 =	smax.u32 s2, $0x1  }
0x1a: {  	s8 =	simm.s32 $0x800;
	s9 =	simm.s32 $0x4800;
	s10 =	simm.s32 $0x8800  }
0x1b: {  	s11 =	simm.s32 $0xC800;
	s12 =	simm.s32 $0x10800;
	s13 =	simm.s32 $0x14800  }
0x1c: {  	v0 =	vlaneseq.u32;
	s14 =	simm.s32 $0x1;
	s15 =	simm.s32 $0x300;
	s16 =	simm.s32 $0x18800  }
0x1d: {  	v0 =	vand.u32 $0x7, v0;
	s17 =	simm.s32 $0x2;
	s18 =	simm.s32 $0x380;
	s19 =	simm.s32 $0x3  }
0x1e: {  	v0 =	vmul.u32 $0x186A0, v0;
	s21 =	simm.s32 $0x4;
	s22 =	simm.s32 $0x480;
	s2 =	simm.s32 $0x780  }
.LBB2_1:
0x1f: {  	s0 =	rddreg [dreg:$0x4]  }
0x20: {  	[tilespmem:s3], [sflag:$0x8] =	stream.linear.gather [hbm4b:s0+s3], $0x800, $0x38;
	[tilespmem:$0x1C800] =	vst v63  }
0x21: {  	_ =	swait.ge [sflag:s6], $0x800  }
0x22: {  	[sflag:s6] =	ssyncset.done $0x0  }
0x23: {  	[sflag:s6] =	ssyncadd.s32 $0xFFFFF800  }
0x24: {  	v1 =	vld [tilespmem:$0x0]  }
0x25: {  	v2 =	vld [tilespmem:$0x10]  }
0x26: {  	v3 =	vld [tilespmem:$0x20]  }
0x27: {  	v4 =	vld [tilespmem:$0x30]  }
0x28: {  	v5 =	vld [tilespmem:$0x40]  }
0x29: {  	v6 =	vld [tilespmem:$0x50];
	v1 =	vadd.s32 v0, v1  }
0x2a: {  	[tilespmem:$0x0] =	vst v1;
	v1 =	vadd.s32 v0, v2;
	v2 =	vld [tilespmem:$0x60]  }
0x2b: {  	[tilespmem:$0x10] =	vst v1;
	v1 =	vadd.s32 v0, v3;
	v3 =	vld [tilespmem:$0x70]  }
0x2c: {  	[tilespmem:$0x20] =	vst v1;
	v1 =	vadd.s32 v0, v4  }
0x2d: {  	[tilespmem:$0x30] =	vst v1;
	v1 =	vadd.s32 v0, v5  }
0x2e: {  	[tilespmem:$0x40] =	vst v1;
	v1 =	vadd.s32 v0, v6  }
0x2f: {  	[tilespmem:$0x50] =	vst v1;
	v1 =	vadd.s32 v0, v2  }
0x30: {  	[tilespmem:$0x60] =	vst v1;
	v1 =	vadd.s32 v0, v3  }
0x31: {  	[tilespmem:$0x70] =	vst v1  }
0x32: {  	[tilespmem:s8], [sflag:$0x1] =	stream.indirect.gather [hbm4b:s1+s7], $0x80, s3, s7, $0xb8;
	[tilespmem:$0x1C800] =	vst v63  }
0x33: {  	v1 =	vld [tilespmem:$0x80]  }
0x34: {  	v2 =	vld [tilespmem:$0x90]  }
0x35: {  	v3 =	vld [tilespmem:$0xA0]  }
0x36: {  	v19 =	vld [tilespmem:$0xB0]  }
0x37: {  	v20 =	vld [tilespmem:$0xC0]  }
0x38: {  	v21 =	vld [tilespmem:$0xD0];
	v1 =	vadd.s32 v0, v1  }
0x39: {  	[tilespmem:$0x80] =	vst v1;
	v1 =	vadd.s32 v0, v2;
	v2 =	vld [tilespmem:$0xE0]  }
0x3a: {  	[tilespmem:$0x90] =	vst v1;
	v1 =	vadd.s32 v0, v3;
	v3 =	vld [tilespmem:$0xF0]  }
0x3b: {  	[tilespmem:$0xA0] =	vst v1;
	v1 =	vadd.s32 v0, v19  }
0x3c: {  	[tilespmem:$0xB0] =	vst v1;
	v1 =	vadd.s32 v0, v20  }
0x3d: {  	[tilespmem:$0xC0] =	vst v1;
	v1 =	vadd.s32 v0, v21  }
0x3e: {  	[tilespmem:$0xD0] =	vst v1;
	v1 =	vadd.s32 v0, v2  }
0x3f: {  	[tilespmem:$0xE0] =	vst v1;
	v1 =	vadd.s32 v0, v3  }
0x40: {  	[tilespmem:$0xF0] =	vst v1  }
0x41: {  	[tilespmem:s9], [sflag:$0x2] =	stream.indirect.gather [hbm4b:s1+s7], $0x80, s7, s7, $0xb8;
	[tilespmem:$0x1C800] =	vst v63  }
0x42: {  	v1 =	vld [tilespmem:$0x100]  }
0x43: {  	v2 =	vld [tilespmem:$0x110]  }
0x44: {  	v3 =	vld [tilespmem:$0x120]  }
0x45: {  	v22 =	vld [tilespmem:$0x130]  }
0x46: {  	v23 =	vld [tilespmem:$0x140]  }
0x47: {  	v24 =	vld [tilespmem:$0x150];
	v1 =	vadd.s32 v0, v1  }
0x48: {  	[tilespmem:$0x100] =	vst v1;
	v1 =	vadd.s32 v0, v2;
	v2 =	vld [tilespmem:$0x160]  }
0x49: {  	[tilespmem:$0x110] =	vst v1;
	v1 =	vadd.s32 v0, v3;
	v3 =	vld [tilespmem:$0x170]  }
0x4a: {  	[tilespmem:$0x120] =	vst v1;
	v1 =	vadd.s32 v0, v22  }
0x4b: {  	[tilespmem:$0x130] =	vst v1;
	v1 =	vadd.s32 v0, v23  }
0x4c: {  	[tilespmem:$0x140] =	vst v1;
	v1 =	vadd.s32 v0, v24  }
0x4d: {  	[tilespmem:$0x150] =	vst v1;
	v1 =	vadd.s32 v0, v2  }
0x4e: {  	[tilespmem:$0x160] =	vst v1;
	v1 =	vadd.s32 v0, v3  }
0x4f: {  	s0 =	rddreg [dreg:$0x14];
	[tilespmem:$0x170] =	vst v1  }
0x50: {  	[tilespmem:s10], [sflag:$0x3] =	stream.indirect.gather [hbm4b:s1+s7], $0x80, s0, s7, $0xb8;
	[tilespmem:$0x1C800] =	vst v63  }
0x51: {  	v1 =	vld [tilespmem:$0x180]  }
0x52: {  	v2 =	vld [tilespmem:$0x190]  }
0x53: {  	v3 =	vld [tilespmem:$0x1A0]  }
0x54: {  	v25 =	vld [tilespmem:$0x1B0]  }
0x55: {  	v26 =	vld [tilespmem:$0x1C0]  }
0x56: {  	v27 =	vld [tilespmem:$0x1D0];
	v1 =	vadd.s32 v0, v1  }
0x57: {  	[tilespmem:$0x180] =	vst v1;
	v1 =	vadd.s32 v0, v2;
	v2 =	vld [tilespmem:$0x1E0]  }
0x58: {  	[tilespmem:$0x190] =	vst v1;
	v1 =	vadd.s32 v0, v3;
	v3 =	vld [tilespmem:$0x1F0]  }
0x59: {  	[tilespmem:$0x1A0] =	vst v1;
	v1 =	vadd.s32 v0, v25  }
0x5a: {  	[tilespmem:$0x1B0] =	vst v1;
	v1 =	vadd.s32 v0, v26  }
0x5b: {  	[tilespmem:$0x1C0] =	vst v1;
	v1 =	vadd.s32 v0, v27  }
0x5c: {  	[tilespmem:$0x1D0] =	vst v1;
	v1 =	vadd.s32 v0, v2  }
0x5d: {  	[tilespmem:$0x1E0] =	vst v1;
	v1 =	vadd.s32 v0, v3  }
0x5e: {  	s0 =	rddreg [dreg:$0x15];
	[tilespmem:$0x1F0] =	vst v1  }
0x5f: {  	[tilespmem:s11], [sflag:$0x4] =	stream.indirect.gather [hbm4b:s1+s7], $0x80, s0, s7, $0xb8;
	[tilespmem:$0x1C800] =	vst v63  }
0x60: {  	v1 =	vld [tilespmem:$0x200]  }
0x61: {  	v2 =	vld [tilespmem:$0x210]  }
0x62: {  	v3 =	vld [tilespmem:$0x220]  }
0x63: {  	v28 =	vld [tilespmem:$0x230]  }
0x64: {  	v29 =	vld [tilespmem:$0x240]  }
0x65: {  	v30 =	vld [tilespmem:$0x250];
	v1 =	vadd.s32 v0, v1  }
0x66: {  	[tilespmem:$0x200] =	vst v1;
	v1 =	vadd.s32 v0, v2;
	v2 =	vld [tilespmem:$0x260]  }
0x67: {  	[tilespmem:$0x210] =	vst v1;
	v1 =	vadd.s32 v0, v3;
	v3 =	vld [tilespmem:$0x270]  }
0x68: {  	[tilespmem:$0x220] =	vst v1;
	v1 =	vadd.s32 v0, v28  }
0x69: {  	[tilespmem:$0x230] =	vst v1;
	v1 =	vadd.s32 v0, v29  }
0x6a: {  	[tilespmem:$0x240] =	vst v1;
	v1 =	vadd.s32 v0, v30  }
0x6b: {  	[tilespmem:$0x250] =	vst v1;
	v1 =	vadd.s32 v0, v2  }
0x6c: {  	[tilespmem:$0x260] =	vst v1;
	v1 =	vadd.s32 v0, v3  }
0x6d: {  	s0 =	rddreg [dreg:$0x16];
	[tilespmem:$0x270] =	vst v1  }
0x6e: {  	[tilespmem:s12], [sflag:$0x5] =	stream.indirect.gather [hbm4b:s1+s7], $0x80, s0, s7, $0xb8;
	[tilespmem:$0x1C800] =	vst v63  }
0x6f: {  	v1 =	vld [tilespmem:$0x280]  }
0x70: {  	v2 =	vld [tilespmem:$0x290]  }
0x71: {  	v3 =	vld [tilespmem:$0x2A0]  }
0x72: {  	v31 =	vld [tilespmem:$0x2B0]  }
0x73: {  	v32 =	vld [tilespmem:$0x2C0]  }
0x74: {  	v33 =	vld [tilespmem:$0x2D0];
	v1 =	vadd.s32 v0, v1  }
0x75: {  	[tilespmem:$0x280] =	vst v1;
	v1 =	vadd.s32 v0, v2;
	v2 =	vld [tilespmem:$0x2E0]  }
0x76: {  	[tilespmem:$0x290] =	vst v1;
	v1 =	vadd.s32 v0, v3;
	v3 =	vld [tilespmem:$0x2F0]  }
0x77: {  	[tilespmem:$0x2A0] =	vst v1;
	v1 =	vadd.s32 v0, v31  }
0x78: {  	[tilespmem:$0x2B0] =	vst v1;
	v1 =	vadd.s32 v0, v32  }
0x79: {  	[tilespmem:$0x2C0] =	vst v1;
	v1 =	vadd.s32 v0, v33  }
0x7a: {  	[tilespmem:$0x2D0] =	vst v1;
	v1 =	vadd.s32 v0, v2  }
0x7b: {  	[tilespmem:$0x2E0] =	vst v1;
	v1 =	vadd.s32 v0, v3  }
0x7c: {  	s0 =	rddreg [dreg:$0x17];
	[tilespmem:$0x2F0] =	vst v1  }
0x7d: {  	[tilespmem:s13], [sflag:$0x6] =	stream.indirect.gather [hbm4b:s1+s7], $0x80, s0, s7, $0xb8;
	[tilespmem:$0x1C800] =	vst v63  }
0x7e: {  	_ =	swait.ge [sflag:s14], $0x4000  }
0x7f: {  	[sflag:s14] =	ssyncset.done $0x0  }
0x80: {  	[sflag:s14] =	ssyncadd.s32 $0xFFFFC000  }
0x81: {  	[hbm4b:s4+s3] =	stream.linear.scatter [tilespmem:s8], [sflag:$0x1], $0x4000, $0x38;
	[tilespmem:$0x1C800] =	vst v63  }
0x82: {  	v1 =	vld [tilespmem:$0x300]  }
0x83: {  	v2 =	vld [tilespmem:$0x310]  }
0x84: {  	v3 =	vld [tilespmem:$0x320]  }
0x85: {  	v34 =	vld [tilespmem:$0x330]  }
0x86: {  	v35 =	vld [tilespmem:$0x340]  }
0x87: {  	v36 =	vld [tilespmem:$0x350];
	v1 =	vadd.s32 v0, v1  }
0x88: {  	[tilespmem:$0x300] =	vst v1;
	v1 =	vadd.s32 v0, v2;
	v2 =	vld [tilespmem:$0x360]  }
0x89: {  	[tilespmem:$0x310] =	vst v1;
	v1 =	vadd.s32 v0, v3;
	v3 =	vld [tilespmem:$0x370]  }
0x8a: {  	[tilespmem:$0x320] =	vst v1;
	v1 =	vadd.s32 v0, v34  }
0x8b: {  	[tilespmem:$0x330] =	vst v1;
	v1 =	vadd.s32 v0, v35  }
0x8c: {  	[tilespmem:$0x340] =	vst v1;
	v1 =	vadd.s32 v0, v36  }
0x8d: {  	[tilespmem:$0x350] =	vst v1;
	v1 =	vadd.s32 v0, v2  }
0x8e: {  	[tilespmem:$0x360] =	vst v1;
	v1 =	vadd.s32 v0, v3  }
0x8f: {  	[tilespmem:$0x370] =	vst v1  }
0x90: {  	[tilespmem:s16], [sflag:$0x7] =	stream.indirect.gather [hbm4b:s1+s7], $0x80, s15, s7, $0xb8;
	[tilespmem:$0x1C800] =	vst v63  }
0x91: {  	_ =	swait.ge [sflag:s17], $0x4000  }
0x92: {  	[sflag:s17] =	ssyncset.done $0x0  }
0x93: {  	s0 =	rddreg [dreg:$0x5];
	[sflag:s17] =	ssyncadd.s32 $0xFFFFC000  }
0x94: {  	[hbm4b:s0+s3] =	stream.linear.scatter [tilespmem:s9], [sflag:$0x2], $0x4000, $0x38;
	[tilespmem:$0x1C800] =	vst v63  }
0x95: {  	_ =	swait.ge [sflag:s14], $0x4000  }
0x96: {  	[sflag:s14] =	ssyncset.done $0x0  }
0x97: {  	[sflag:s14] =	ssyncadd.s32 $0xFFFFC000  }
0x98: {  	v1 =	vld [tilespmem:$0x380]  }
0x99: {  	v2 =	vld [tilespmem:$0x390]  }
0x9a: {  	v3 =	vld [tilespmem:$0x3A0]  }
0x9b: {  	v37 =	vld [tilespmem:$0x3B0]  }
0x9c: {  	v38 =	vld [tilespmem:$0x3C0]  }
0x9d: {  	v39 =	vld [tilespmem:$0x3D0];
	v1 =	vadd.s32 v0, v1  }
0x9e: {  	[tilespmem:$0x380] =	vst v1;
	v1 =	vadd.s32 v0, v2;
	v2 =	vld [tilespmem:$0x3E0]  }
0x9f: {  	[tilespmem:$0x390] =	vst v1;
	v1 =	vadd.s32 v0, v3;
	v3 =	vld [tilespmem:$0x3F0]  }
0xa0: {  	[tilespmem:$0x3A0] =	vst v1;
	v1 =	vadd.s32 v0, v37  }
0xa1: {  	[tilespmem:$0x3B0] =	vst v1;
	v1 =	vadd.s32 v0, v38  }
0xa2: {  	[tilespmem:$0x3C0] =	vst v1;
	v1 =	vadd.s32 v0, v39  }
0xa3: {  	[tilespmem:$0x3D0] =	vst v1;
	v1 =	vadd.s32 v0, v2  }
0xa4: {  	[tilespmem:$0x3E0] =	vst v1;
	v1 =	vadd.s32 v0, v3  }
0xa5: {  	[tilespmem:$0x3F0] =	vst v1  }
0xa6: {  	[tilespmem:s8], [sflag:$0x1] =	stream.indirect.gather [hbm4b:s1+s7], $0x80, s18, s7, $0xb8;
	[tilespmem:$0x1C800] =	vst v63  }
0xa7: {  	_ =	swait.ge [sflag:s19], $0x4000  }
0xa8: {  	[sflag:s19] =	ssyncset.done $0x0  }
0xa9: {  	s0 =	rddreg [dreg:$0x6];
	[sflag:s19] =	ssyncadd.s32 $0xFFFFC000  }
0xaa: {  	[hbm4b:s0+s3] =	stream.linear.scatter [tilespmem:s10], [sflag:$0x3], $0x4000, $0x38;
	[tilespmem:$0x1C800] =	vst v63  }
0xab: {  	_ =	swait.ge [sflag:s17], $0x4000  }
0xac: {  	[sflag:s17] =	ssyncset.done $0x0  }
0xad: {  	[sflag:s17] =	ssyncadd.s32 $0xFFFFC000  }
0xae: {  	v1 =	vld [tilespmem:$0x400]  }
0xaf: {  	v2 =	vld [tilespmem:$0x410]  }
0xb0: {  	v3 =	vld [tilespmem:$0x420]  }
0xb1: {  	v40 =	vld [tilespmem:$0x430]  }
0xb2: {  	v41 =	vld [tilespmem:$0x440]  }
0xb3: {  	v42 =	vld [tilespmem:$0x450];
	v1 =	vadd.s32 v0, v1  }
0xb4: {  	[tilespmem:$0x400] =	vst v1;
	v1 =	vadd.s32 v0, v2;
	v2 =	vld [tilespmem:$0x460]  }
0xb5: {  	[tilespmem:$0x410] =	vst v1;
	v1 =	vadd.s32 v0, v3;
	v3 =	vld [tilespmem:$0x470]  }
0xb6: {  	[tilespmem:$0x420] =	vst v1;
	v1 =	vadd.s32 v0, v40  }
0xb7: {  	[tilespmem:$0x430] =	vst v1;
	v1 =	vadd.s32 v0, v41  }
0xb8: {  	[tilespmem:$0x440] =	vst v1;
	v1 =	vadd.s32 v0, v42  }
0xb9: {  	[tilespmem:$0x450] =	vst v1;
	v1 =	vadd.s32 v0, v2  }
0xba: {  	[tilespmem:$0x460] =	vst v1;
	v1 =	vadd.s32 v0, v3  }
0xbb: {  	[tilespmem:$0x470] =	vst v1  }
0xbc: {  	[tilespmem:s9], [sflag:$0x2] =	stream.indirect.gather [hbm4b:s1+s7], $0x80, s20, s7, $0xb8;
	[tilespmem:$0x1C800] =	vst v63  }
0xbd: {  	_ =	swait.ge [sflag:s21], $0x4000  }
0xbe: {  	[sflag:s21] =	ssyncset.done $0x0  }
0xbf: {  	s0 =	rddreg [dreg:$0x7];
	[sflag:s21] =	ssyncadd.s32 $0xFFFFC000  }
0xc0: {  	[hbm4b:s0+s3] =	stream.linear.scatter [tilespmem:s11], [sflag:$0x4], $0x4000, $0x38;
	[tilespmem:$0x1C800] =	vst v63  }
0xc1: {  	_ =	swait.ge [sflag:s19], $0x4000  }
0xc2: {  	[sflag:s19] =	ssyncset.done $0x0  }
0xc3: {  	[sflag:s19] =	ssyncadd.s32 $0xFFFFC000  }
0xc4: {  	v1 =	vld [tilespmem:$0x480]  }
0xc5: {  	v2 =	vld [tilespmem:$0x490]  }
0xc6: {  	v3 =	vld [tilespmem:$0x4A0]  }
0xc7: {  	v43 =	vld [tilespmem:$0x4B0]  }
0xc8: {  	v44 =	vld [tilespmem:$0x4C0]  }
0xc9: {  	v45 =	vld [tilespmem:$0x4D0];
	v1 =	vadd.s32 v0, v1  }
0xca: {  	[tilespmem:$0x480] =	vst v1;
	v1 =	vadd.s32 v0, v2;
	v2 =	vld [tilespmem:$0x4E0]  }
0xcb: {  	[tilespmem:$0x490] =	vst v1;
	v1 =	vadd.s32 v0, v3;
	v3 =	vld [tilespmem:$0x4F0]  }
0xcc: {  	[tilespmem:$0x4A0] =	vst v1;
	v1 =	vadd.s32 v0, v43  }
0xcd: {  	[tilespmem:$0x4B0] =	vst v1;
	v1 =	vadd.s32 v0, v44  }
0xce: {  	[tilespmem:$0x4C0] =	vst v1;
	v1 =	vadd.s32 v0, v45  }
0xcf: {  	[tilespmem:$0x4D0] =	vst v1;
	v1 =	vadd.s32 v0, v2  }
0xd0: {  	[tilespmem:$0x4E0] =	vst v1;
	v1 =	vadd.s32 v0, v3  }
0xd1: {  	[tilespmem:$0x4F0] =	vst v1  }
0xd2: {  	[tilespmem:s10], [sflag:$0x3] =	stream.indirect.gather [hbm4b:s1+s7], $0x80, s22, s7, $0xb8;
	[tilespmem:$0x1C800] =	vst v63  }
0xd3: {  	_ =	swait.ge [sflag:s23], $0x4000  }
0xd4: {  	[sflag:s23] =	ssyncset.done $0x0  }
0xd5: {  	s0 =	rddreg [dreg:$0x8];
	[sflag:s23] =	ssyncadd.s32 $0xFFFFC000  }
0xd6: {  	[hbm4b:s0+s3] =	stream.linear.scatter [tilespmem:s12], [sflag:$0x5], $0x4000, $0x38;
	[tilespmem:$0x1C800] =	vst v63  }
0xd7: {  	_ =	swait.ge [sflag:s21], $0x4000  }
0xd8: {  	[sflag:s21] =	ssyncset.done $0x0  }
0xd9: {  	[sflag:s21] =	ssyncadd.s32 $0xFFFFC000  }
0xda: {  	v1 =	vld [tilespmem:$0x500]  }
0xdb: {  	v2 =	vld [tilespmem:$0x510]  }
0xdc: {  	v3 =	vld [tilespmem:$0x520]  }
0xdd: {  	v46 =	vld [tilespmem:$0x530]  }
0xde: {  	v47 =	vld [tilespmem:$0x540]  }
0xdf: {  	v48 =	vld [tilespmem:$0x550];
	v1 =	vadd.s32 v0, v1  }
0xe0: {  	[tilespmem:$0x500] =	vst v1;
	v1 =	vadd.s32 v0, v2;
	v2 =	vld [tilespmem:$0x560]  }
0xe1: {  	[tilespmem:$0x510] =	vst v1;
	v1 =	vadd.s32 v0, v3;
	v3 =	vld [tilespmem:$0x570]  }
0xe2: {  	[tilespmem:$0x520] =	vst v1;
	v1 =	vadd.s32 v0, v46  }
0xe3: {  	[tilespmem:$0x530] =	vst v1;
	v1 =	vadd.s32 v0, v47  }
0xe4: {  	[tilespmem:$0x540] =	vst v1;
	v1 =	vadd.s32 v0, v48  }
0xe5: {  	[tilespmem:$0x550] =	vst v1;
	v1 =	vadd.s32 v0, v2  }
0xe6: {  	[tilespmem:$0x560] =	vst v1;
	v1 =	vadd.s32 v0, v3  }
0xe7: {  	[tilespmem:$0x570] =	vst v1  }
0xe8: {  	[tilespmem:s11], [sflag:$0x4] =	stream.indirect.gather [hbm4b:s1+s7], $0x80, s24, s7, $0xb8;
	[tilespmem:$0x1C800] =	vst v63  }
0xe9: {  	_ =	swait.ge [sflag:s25], $0x4000  }
0xea: {  	[sflag:s25] =	ssyncset.done $0x0  }
0xeb: {  	s0 =	rddreg [dreg:$0x9];
	[sflag:s25] =	ssyncadd.s32 $0xFFFFC000  }
0xec: {  	[hbm4b:s0+s3] =	stream.linear.scatter [tilespmem:s13], [sflag:$0x6], $0x4000, $0x38;
	[tilespmem:$0x1C800] =	vst v63  }
0xed: {  	_ =	swait.ge [sflag:s23], $0x4000  }
0xee: {  	[sflag:s23] =	ssyncset.done $0x0  }
0xef: {  	[sflag:s23] =	ssyncadd.s32 $0xFFFFC000  }
0xf0: {  	v1 =	vld [tilespmem:$0x580]  }
0xf1: {  	v2 =	vld [tilespmem:$0x590]  }
0xf2: {  	v3 =	vld [tilespmem:$0x5A0]  }
0xf3: {  	v49 =	vld [tilespmem:$0x5B0]  }
0xf4: {  	v50 =	vld [tilespmem:$0x5C0]  }
0xf5: {  	v51 =	vld [tilespmem:$0x5D0];
	v1 =	vadd.s32 v0, v1  }
0xf6: {  	[tilespmem:$0x580] =	vst v1;
	v1 =	vadd.s32 v0, v2;
	v2 =	vld [tilespmem:$0x5E0]  }
0xf7: {  	[tilespmem:$0x590] =	vst v1;
	v1 =	vadd.s32 v0, v3;
	v3 =	vld [tilespmem:$0x5F0]  }
0xf8: {  	[tilespmem:$0x5A0] =	vst v1;
	v1 =	vadd.s32 v0, v49  }
0xf9: {  	[tilespmem:$0x5B0] =	vst v1;
	v1 =	vadd.s32 v0, v50  }
0xfa: {  	[tilespmem:$0x5C0] =	vst v1;
	v1 =	vadd.s32 v0, v51  }
0xfb: {  	[tilespmem:$0x5D0] =	vst v1;
	v1 =	vadd.s32 v0, v2  }
0xfc: {  	[tilespmem:$0x5E0] =	vst v1;
	v1 =	vadd.s32 v0, v3  }
0xfd: {  	[tilespmem:$0x5F0] =	vst v1  }
0xfe: {  	[tilespmem:s12], [sflag:$0x5] =	stream.indirect.gather [hbm4b:s1+s7], $0x80, s26, s7, $0xb8;
	[tilespmem:$0x1C800] =	vst v63  }
0xff: {  	_ =	swait.ge [sflag:s28], $0x4000  }
0x100: {  	[sflag:s28] =	ssyncset.done $0x0  }
0x101: {  	s0 =	rddreg [dreg:$0xa];
	[sflag:s28] =	ssyncadd.s32 $0xFFFFC000  }
0x102: {  	[hbm4b:s0+s3] =	stream.linear.scatter [tilespmem:s16], [sflag:$0x7], $0x4000, $0x38;
	[tilespmem:$0x1C800] =	vst v63  }
0x103: {  	_ =	swait.ge [sflag:s25], $0x4000  }
0x104: {  	[sflag:s25] =	ssyncset.done $0x0  }
0x105: {  	[sflag:s25] =	ssyncadd.s32 $0xFFFFC000  }
0x106: {  	v1 =	vld [tilespmem:$0x600]  }
0x107: {  	v2 =	vld [tilespmem:$0x610]  }
0x108: {  	v3 =	vld [tilespmem:$0x620]  }
0x109: {  	v52 =	vld [tilespmem:$0x630]  }
0x10a: {  	v53 =	vld [tilespmem:$0x640]  }
0x10b: {  	v54 =	vld [tilespmem:$0x650];
	v1 =	vadd.s32 v0, v1  }
0x10c: {  	[tilespmem:$0x600] =	vst v1;
	v1 =	vadd.s32 v0, v2;
	v2 =	vld [tilespmem:$0x660]  }
0x10d: {  	[tilespmem:$0x610] =	vst v1;
	v1 =	vadd.s32 v0, v3;
	v3 =	vld [tilespmem:$0x670]  }
0x10e: {  	[tilespmem:$0x620] =	vst v1;
	v1 =	vadd.s32 v0, v52  }
0x10f: {  	[tilespmem:$0x630] =	vst v1;
	v1 =	vadd.s32 v0, v53  }
0x110: {  	[tilespmem:$0x640] =	vst v1;
	v1 =	vadd.s32 v0, v54  }
0x111: {  	[tilespmem:$0x650] =	vst v1;
	v1 =	vadd.s32 v0, v2  }
0x112: {  	[tilespmem:$0x660] =	vst v1;
	v1 =	vadd.s32 v0, v3  }
0x113: {  	[tilespmem:$0x670] =	vst v1  }
0x114: {  	[tilespmem:s13], [sflag:$0x6] =	stream.indirect.gather [hbm4b:s1+s7], $0x80, s29, s7, $0xb8;
	[tilespmem:$0x1C800] =	vst v63  }
0x115: {  	_ =	swait.ge [sflag:s14], $0x4000  }
0x116: {  	[sflag:s14] =	ssyncset.done $0x0  }
0x117: {  	s0 =	rddreg [dreg:$0xb];
	[sflag:s14] =	ssyncadd.s32 $0xFFFFC000  }
0x118: {  	[hbm4b:s0+s3] =	stream.linear.scatter [tilespmem:s8], [sflag:$0x1], $0x4000, $0x38;
	[tilespmem:$0x1C800] =	vst v63  }
0x119: {  	_ =	swait.ge [sflag:s28], $0x4000  }
0x11a: {  	[sflag:s28] =	ssyncset.done $0x0  }
0x11b: {  	[sflag:s28] =	ssyncadd.s32 $0xFFFFC000  }
0x11c: {  	v1 =	vld [tilespmem:$0x680]  }
0x11d: {  	v2 =	vld [tilespmem:$0x690]  }
0x11e: {  	v3 =	vld [tilespmem:$0x6A0]  }
0x11f: {  	v55 =	vld [tilespmem:$0x6B0]  }
0x120: {  	v56 =	vld [tilespmem:$0x6C0]  }
0x121: {  	v57 =	vld [tilespmem:$0x6D0];
	v1 =	vadd.s32 v0, v1  }
0x122: {  	[tilespmem:$0x680] =	vst v1;
	v1 =	vadd.s32 v0, v2;
	v2 =	vld [tilespmem:$0x6E0]  }
0x123: {  	[tilespmem:$0x690] =	vst v1;
	v1 =	vadd.s32 v0, v3;
	v3 =	vld [tilespmem:$0x6F0]  }
0x124: {  	[tilespmem:$0x6A0] =	vst v1;
	v1 =	vadd.s32 v0, v55  }
0x125: {  	[tilespmem:$0x6B0] =	vst v1;
	v1 =	vadd.s32 v0, v56  }
0x126: {  	[tilespmem:$0x6C0] =	vst v1;
	v1 =	vadd.s32 v0, v57  }
0x127: {  	[tilespmem:$0x6D0] =	vst v1;
	v1 =	vadd.s32 v0, v2  }
0x128: {  	[tilespmem:$0x6E0] =	vst v1;
	v1 =	vadd.s32 v0, v3  }
0x129: {  	[tilespmem:$0x6F0] =	vst v1  }
0x12a: {  	[tilespmem:s16], [sflag:$0x7] =	stream.indirect.gather [hbm4b:s1+s7], $0x80, s30, s7, $0xb8;
	[tilespmem:$0x1C800] =	vst v63  }
0x12b: {  	_ =	swait.ge [sflag:s17], $0x4000  }
0x12c: {  	[sflag:s17] =	ssyncset.done $0x0  }
0x12d: {  	s0 =	rddreg [dreg:$0xc];
	[sflag:s17] =	ssyncadd.s32 $0xFFFFC000  }
0x12e: {  	[hbm4b:s0+s3] =	stream.linear.scatter [tilespmem:s9], [sflag:$0x2], $0x4000, $0x38;
	[tilespmem:$0x1C800] =	vst v63  }
0x12f: {  	_ =	swait.ge [sflag:s14], $0x4000  }
0x130: {  	[sflag:s14] =	ssyncset.done $0x0  }
0x131: {  	[sflag:s14] =	ssyncadd.s32 $0xFFFFC000  }
0x132: {  	v1 =	vld [tilespmem:$0x700]  }
0x133: {  	v2 =	vld [tilespmem:$0x710]  }
0x134: {  	v3 =	vld [tilespmem:$0x720]  }
0x135: {  	v58 =	vld [tilespmem:$0x730]  }
0x136: {  	v59 =	vld [tilespmem:$0x740]  }
0x137: {  	v60 =	vld [tilespmem:$0x750];
	v1 =	vadd.s32 v0, v1  }
0x138: {  	[tilespmem:$0x700] =	vst v1;
	v1 =	vadd.s32 v0, v2;
	v2 =	vld [tilespmem:$0x760]  }
0x139: {  	[tilespmem:$0x710] =	vst v1;
	v1 =	vadd.s32 v0, v3;
	v3 =	vld [tilespmem:$0x770]  }
0x13a: {  	[tilespmem:$0x720] =	vst v1;
	v1 =	vadd.s32 v0, v58  }
0x13b: {  	[tilespmem:$0x730] =	vst v1;
	v1 =	vadd.s32 v0, v59  }
0x13c: {  	[tilespmem:$0x740] =	vst v1;
	v1 =	vadd.s32 v0, v60  }
0x13d: {  	[tilespmem:$0x750] =	vst v1;
	v1 =	vadd.s32 v0, v2  }
0x13e: {  	[tilespmem:$0x760] =	vst v1;
	v1 =	vadd.s32 v0, v3  }
0x13f: {  	[tilespmem:$0x770] =	vst v1  }
0x140: {  	[tilespmem:s8], [sflag:$0x1] =	stream.indirect.gather [hbm4b:s1+s7], $0x80, s31, s7, $0xb8;
	[tilespmem:$0x1C800] =	vst v63  }
0x141: {  	_ =	swait.ge [sflag:s19], $0x4000  }
0x142: {  	[sflag:s19] =	ssyncset.done $0x0  }
0x143: {  	s0 =	rddreg [dreg:$0xd];
	[sflag:s19] =	ssyncadd.s32 $0xFFFFC000  }
0x144: {  	[hbm4b:s0+s3] =	stream.linear.scatter [tilespmem:s10], [sflag:$0x3], $0x4000, $0x38;
	[tilespmem:$0x1C800] =	vst v63  }
0x145: {  	_ =	swait.ge [sflag:s17], $0x4000  }
0x146: {  	[sflag:s17] =	ssyncset.done $0x0  }
0x147: {  	[sflag:s17] =	ssyncadd.s32 $0xFFFFC000  }
0x148: {  	v1 =	vld [tilespmem:$0x780]  }
0x149: {  	v2 =	vld [tilespmem:$0x790]  }
0x14a: {  	v3 =	vld [tilespmem:$0x7A0]  }
0x14b: {  	v61 =	vld [tilespmem:$0x7B0]  }
0x14c: {  	v62 =	vld [tilespmem:$0x7C0]  }
0x14d: {  	v63 =	vld [tilespmem:$0x7D0];
	v1 =	vadd.s32 v0, v1  }
0x14e: {  	[tilespmem:$0x780] =	vst v1;
	v1 =	vadd.s32 v0, v2;
	v2 =	vld [tilespmem:$0x7E0]  }
0x14f: {  	[tilespmem:$0x790] =	vst v1;
	v1 =	vadd.s32 v0, v3;
	v3 =	vld [tilespmem:$0x7F0]  }
0x150: {  	[tilespmem:$0x7A0] =	vst v1;
	v1 =	vadd.s32 v0, v61  }
0x151: {  	[tilespmem:$0x7B0] =	vst v1;
	v1 =	vadd.s32 v0, v62  }
0x152: {  	[tilespmem:$0x7C0] =	vst v1;
	v1 =	vadd.s32 v0, v63  }
0x153: {  	[tilespmem:$0x7D0] =	vst v1;
	v1 =	vadd.s32 v0, v2  }
0x154: {  	[tilespmem:$0x7E0] =	vst v1;
	v1 =	vadd.s32 v0, v3  }
0x155: {  	[tilespmem:$0x7F0] =	vst v1  }
0x156: {  	[tilespmem:s9], [sflag:$0x2] =	stream.indirect.gather [hbm4b:s1+s7], $0x80, s2, s7, $0xb8;
	[tilespmem:$0x1C800] =	vst v63  }
0x157: {  	_ =	swait.ge [sflag:s21], $0x4000  }
0x158: {  	[sflag:s21] =	ssyncset.done $0x0  }
0x159: {  	s0 =	rddreg [dreg:$0xe];
	[sflag:s21] =	ssyncadd.s32 $0xFFFFC000  }
0x15a: {  	[hbm4b:s0+s3] =	stream.linear.scatter [tilespmem:s11], [sflag:$0x4], $0x4000, $0x38;
	[tilespmem:$0x1C800] =	vst v63  }
0x15b: {  	_ =	swait.ge [sflag:s23], $0x4000  }
0x15c: {  	[sflag:s23] =	ssyncset.done $0x0  }
0x15d: {  	s0 =	rddreg [dreg:$0xf];
	[sflag:s23] =	ssyncadd.s32 $0xFFFFC000  }
0x15e: {  	[hbm4b:s0+s3] =	stream.linear.scatter [tilespmem:s12], [sflag:$0x5], $0x4000, $0x38;
	[tilespmem:$0x1C800] =	vst v63  }
0x15f: {  	_ =	swait.ge [sflag:s25], $0x4000  }
0x160: {  	[sflag:s25] =	ssyncset.done $0x0  }
0x161: {  	s0 =	rddreg [dreg:$0x10];
	[sflag:s25] =	ssyncadd.s32 $0xFFFFC000  }
0x162: {  	[hbm4b:s0+s3] =	stream.linear.scatter [tilespmem:s13], [sflag:$0x6], $0x4000, $0x38;
	[tilespmem:$0x1C800] =	vst v63  }
0x163: {  	_ =	swait.ge [sflag:s28], $0x4000  }
0x164: {  	[sflag:s28] =	ssyncset.done $0x0  }
0x165: {  	s0 =	rddreg [dreg:$0x11];
	[sflag:s28] =	ssyncadd.s32 $0xFFFFC000  }
0x166: {  	[hbm4b:s0+s3] =	stream.linear.scatter [tilespmem:s16], [sflag:$0x7], $0x4000, $0x38;
	[tilespmem:$0x1C800] =	vst v63  }
0x167: {  	_ =	swait.ge [sflag:s14], $0x4000  }
0x168: {  	[sflag:s14] =	ssyncset.done $0x0  }
0x169: {  	s0 =	rddreg [dreg:$0x12];
	[sflag:s14] =	ssyncadd.s32 $0xFFFFC000  }
0x16a: {  	[hbm4b:s0+s3] =	stream.linear.scatter [tilespmem:s8], [sflag:$0x1], $0x4000, $0x38;
	[tilespmem:$0x1C800] =	vst v63  }
0x16b: {  	_ =	swait.ge [sflag:s17], $0x4000  }
0x16c: {  	[sflag:s17] =	ssyncset.done $0x0  }
0x16d: {  	s0 =	rddreg [dreg:$0x13];
	[sflag:s17] =	ssyncadd.s32 $0xFFFFC000  }
0x16e: {  	[hbm4b:s0+s3] =	stream.linear.scatter [tilespmem:s9], [sflag:$0x2], $0x4000, $0x38;
	[tilespmem:$0x1C800] =	vst v63  }
0x16f: {  	_ =	swait.ge [sflag:s19], $0x4000  }
0x170: {  	[sflag:s19] =	ssyncset.done $0x0  }
0x171: {  	[sflag:s19] =	ssyncadd.s32 $0xFFFFC000  }
0x172: {  	_ =	swait.ge [sflag:s21], $0x4000  }
0x173: {  	[sflag:s21] =	ssyncset.done $0x0  }
0x174: {  	[sflag:s21] =	ssyncadd.s32 $0xFFFFC000  }
0x175: {  	_ =	swait.ge [sflag:s23], $0x4000  }
0x176: {  	[sflag:s23] =	ssyncset.done $0x0  }
0x177: {  	[sflag:s23] =	ssyncadd.s32 $0xFFFFC000  }
0x178: {  	_ =	swait.ge [sflag:s25], $0x4000  }
0x179: {  	[sflag:s25] =	ssyncset.done $0x0  }
0x17a: {  	[sflag:s25] =	ssyncadd.s32 $0xFFFFC000  }
0x17b: {  	_ =	swait.ge [sflag:s28], $0x4000  }
0x17c: {  	[sflag:s28] =	ssyncset.done $0x0  }
0x17d: {  	[sflag:s28] =	ssyncadd.s32 $0xFFFFC000  }
0x17e: {  	p0 =	sne.s32 s5, $0x1;
	_ =	swait.ge [sflag:s14], $0x4000  }
.Ltmp0:
0x17f: {  	[sflag:s14] =	ssyncset.done $0x0;
	(pc) =	sbr.rel @p0 .LBB2_1-.Ltmp0, $4  }
0x180: {  	[sflag:s14] =	ssyncadd.s32 $0xFFFFC000  }
0x181: {  	_ =	swait.ge [sflag:s17], $0x4000  }
0x182: {  	[sflag:s17] =	ssyncset.done $0x0  }
0x183: {  	s5 =	sadd.s32 $0xFFFFFFFF, s5;
	[sflag:s17] =	ssyncadd.s32 $0xFFFFC000  }
0x184: {  	_ =	sfence.sel $0x180000  }
0x185: {  	[bflag:$0x0] =	sbarrier.arrive $0xFFFF  }
0x186: {  	_ =	strace $0x90000047  }
0x187: {  	s0 =	stileid.u32;
	[bflag:$0x2] =	sbarrier.arrive $0xFFFF  }
0x188: {  	p0 =	sne.s32 s0, $0x0;
	s0 =	rddreg [dreg:$0x3]  }
0x189: {  	s0 =	sadd.s32 @!p0 $0x100000, s0  }
0x18a: {  	[sflag:s0] =	ssyncadd.tile.s32 @!p0 $0x1;
	_ =	shalt  }
.Lfunc_end2:
_tile_overlayer_lowered:
.L_overlay_start_2:
0x18b: {  	(tag) =	ssettag $0x2  }
0x18c: {  	s0 =	rddreg [dreg:$0x0];
	s2 =	stileid.u32  }
0x18d: {  	s1 =	rddreg [dreg:$0x1];
	p0 =	sne.s32 s2, $0x0  }
0x18e: {  	s3 =	rddreg [dreg:$0x2];
	[bflag:$0x3] =	sbarrier.arrive $0xFFFF;
	s2 =	simm.s32 @!p0 $0x1C08  }
0x18f: {  	[timem:s3], [sflag:s2] =	dma.local @!p0 [hbm:s0], s1  }
0x190: {  	s0 =	simm.s32 @!p0 $0x8  }
0x191: {  	_ =	swait.ge @!p0 [sflag:s0], s1  }
0x192: {  	s1 =	ssub.s32 @!p0 $0x0, s1;
	[sflag:s0] =	ssyncset.done @!p0 $0x0  }
0x193: {  	[sflag:s0] =	ssyncadd.s32 @!p0 s1  }
0x194: {  	[bflag:$0x3] =	sbarrier.arrive $0xFFFF  }
0x195: {  	_ =	shalt  }

</sc_bundles>
